<compile_context>
chip_gen: v7x
topology: tpu7x:2x2x1
jax: 0.10.2.dev20260603
libtpu: 0.0.44.dev20260713+nightly
codegen_flags: <defaults>
</compile_context>

<pallas_src>
import functools

import jax
import jax.numpy as jnp
from jax import lax
from jax.experimental import pallas as pl
from jax.experimental.pallas import tpu as pltpu
from jax.experimental.pallas import tpu_sc as plsc

NC, NS, L = 2, 16, 16
NW = NC * NS


def _proj_body(f_ref, w_ref, al_ref, ar_ref, sel_ref, hb_ref, el_ref, er_ref):
    h = jnp.dot(f_ref[...], w_ref[...], preferred_element_type=jnp.float32)
    hb_ref[...] = h.astype(jnp.bfloat16)
    el_ref[...] = jnp.dot(h * al_ref[...], sel_ref[...],
                          preferred_element_type=jnp.float32)
    er_ref[...] = jnp.dot(h * ar_ref[...], sel_ref[...],
                          preferred_element_type=jnp.float32)


def _project(feat, W, al, ar, sel, n, fin, HD):
    BN = 2000
    return pl.pallas_call(
        _proj_body,
        grid=(n // BN,),
        in_specs=[
            pl.BlockSpec((BN, fin), lambda i: (i, 0)),
            pl.BlockSpec((fin, HD), lambda i: (0, 0)),
            pl.BlockSpec((1, HD), lambda i: (0, 0)),
            pl.BlockSpec((1, HD), lambda i: (0, 0)),
            pl.BlockSpec((HD, L), lambda i: (0, 0)),
        ],
        out_specs=[
            pl.BlockSpec((BN, HD), lambda i: (i, 0)),
            pl.BlockSpec((BN, L), lambda i: (i, 0)),
            pl.BlockSpec((BN, L), lambda i: (i, 0)),
        ],
        out_shape=[
            jax.ShapeDtypeStruct((n, HD), jnp.bfloat16),
            jax.ShapeDtypeStruct((n, L), jnp.float32),
            jax.ShapeDtypeStruct((n, L), jnp.float32),
        ],
    )(feat, W, al, ar, sel)


def _make_pass1(n, npad, e_cnt):
    ept = e_cnt // NW
    C1 = 1000
    nch = ept // C1
    rpt = npad // NS
    mesh = plsc.VectorSubcoreMesh(core_axis_name="c", subcore_axis_name="s")

    @functools.partial(
        pl.kernel,
        out_type=(
            jax.ShapeDtypeStruct((e_cnt, L), jnp.float32),
            jax.ShapeDtypeStruct((NC * npad, L), jnp.float32),
        ),
        mesh=mesh,
        compiler_params=pltpu.CompilerParams(use_tc_tiling_on_sc=False,
                                             needs_layout_passes=False),
        scratch_types=[
            pltpu.VMEM((C1,), jnp.int32),
            pltpu.VMEM((C1,), jnp.int32),
            pltpu.VMEM((C1, L), jnp.float32),
            pltpu.VMEM((C1, L), jnp.float32),
            pltpu.VMEM((C1, L), jnp.float32),
            pltpu.VMEM_SHARED((npad, L), jnp.float32),
            pltpu.SemaphoreType.DMA,
            pltpu.SemaphoreType.DMA,
        ],
    )
    def pass1(src_hbm, dst_hbm, el_hbm, er_hbm, ex_hbm, dp_hbm,
              src_v, dst_v, elr, err, exr, dacc, sem1, sem2):
        c = lax.axis_index("c")
        s = lax.axis_index("s")
        wid = c * NS + s
        base = wid * ept

        def zrow(i, _):
            exr[i, :] = jnp.zeros((L,), jnp.float32)
            return 0
        lax.fori_loop(0, rpt, zrow, 0)
        pltpu.sync_copy(exr.at[pl.ds(0, rpt)], dacc.at[pl.ds(s * rpt, rpt)])
        plsc.subcore_barrier()

        def chunk(g, _):
            off = base + g * C1
            pltpu.sync_copy(src_hbm.at[pl.ds(off, C1)], src_v)
            pltpu.sync_copy(dst_hbm.at[pl.ds(off, C1)], dst_v)
            cp1 = pltpu.async_copy(el_hbm.at[src_v], elr, sem1)
            cp2 = pltpu.async_copy(er_hbm.at[dst_v], err, sem2)
            cp1.wait()
            cp2.wait()

            def ebody(i, _):
                v = elr[i, :] + err[i, :]
                sc = jnp.where(v >= 0.0, v, v * 0.2)
                exr[i, :] = jnp.exp(sc)
                return 0
            lax.fori_loop(0, C1, ebody, 0)

            pltpu.sync_copy(exr, dacc.at[dst_v], add=True)
            pltpu.sync_copy(exr, ex_hbm.at[pl.ds(off, C1)])
            return 0
        lax.fori_loop(0, nch, chunk, 0)

        plsc.subcore_barrier()
        pltpu.sync_copy(dacc.at[pl.ds(s * rpt, rpt)], exr.at[pl.ds(0, rpt)])
        pltpu.sync_copy(exr.at[pl.ds(0, rpt)],
                        dp_hbm.at[pl.ds(c * npad + s * rpt, rpt)])

    return pass1


def _make_rdenom(n, npad, H):
    def _rd_body(dp_ref, rd_ref):
        d = dp_ref[0:n, :] + dp_ref[npad:npad + n, :]
        rd_ref[...] = (1.0 / H) / jnp.where(d == 0.0, 1.0, d)

    def rdenom(dp):
        return pl.pallas_call(
            _rd_body,
            out_shape=jax.ShapeDtypeStruct((n, L), jnp.float32),
        )(dp)
    return rdenom


def _make_pass2(n, npad, e_cnt, H, D, HD):
    ept = e_cnt // NW
    C2 = 40
    nch = ept // C2
    rpt = npad // NS
    WB = C2
    nwb = rpt // WB
    nblk = HD // (2 * L)
    mesh = plsc.VectorSubcoreMesh(core_axis_name="c", subcore_axis_name="s")

    @functools.partial(
        pl.kernel,
        out_type=jax.ShapeDtypeStruct((NC * npad, D), jnp.float32),
        mesh=mesh,
        compiler_params=pltpu.CompilerParams(use_tc_tiling_on_sc=False,
                                             needs_layout_passes=False),
        scratch_types=[
            [pltpu.VMEM((C2,), jnp.int32)] * 2,
            [pltpu.VMEM((C2,), jnp.int32)] * 2,
            [pltpu.VMEM((C2, HD), jnp.bfloat16)] * 2,
            [pltpu.VMEM((C2, L), jnp.float32)] * 2,
            [pltpu.VMEM((C2, L), jnp.float32)] * 2,
            pltpu.VMEM((C2, D), jnp.float32),
            pltpu.VMEM_SHARED((npad, D), jnp.float32),
            [pltpu.SemaphoreType.DMA] * 2,
            [pltpu.SemaphoreType.DMA] * 2,
            [pltpu.SemaphoreType.DMA] * 2,
        ],
    )
    def pass2(src_hbm, dst_hbm, ex_hbm, rd_hbm, h_hbm, op_hbm,
              src_v, dst_v, hrows, exr, rdr, cbuf, oacc, semh, semr, semx):
        c = lax.axis_index("c")
        s = lax.axis_index("s")
        wid = c * NS + s
        base = wid * ept

        def zrow(i, _):
            for j in range(D // L):
                cbuf[i, pl.ds(j * L, L)] = jnp.zeros((L,), jnp.float32)
            return 0
        lax.fori_loop(0, WB, zrow, 0)
        for t in range(nwb):
            pltpu.sync_copy(cbuf, oacc.at[pl.ds(s * rpt + t * WB, WB)])
        plsc.subcore_barrier()

        def issue(b, off):
            pltpu.sync_copy(src_hbm.at[pl.ds(off, C2)], src_v[b])
            pltpu.sync_copy(dst_hbm.at[pl.ds(off, C2)], dst_v[b])
            pltpu.async_copy(h_hbm.at[src_v[b]], hrows[b], semh[b])
            pltpu.async_copy(rd_hbm.at[dst_v[b]], rdr[b], semr[b])
            pltpu.async_copy(ex_hbm.at[pl.ds(off, C2)], exr[b], semx[b])

        def wait(b):
            pltpu.make_async_copy(h_hbm.at[src_v[b]], hrows[b], semh[b]).wait()
            pltpu.make_async_copy(rd_hbm.at[dst_v[b]], rdr[b], semr[b]).wait()
            pltpu.make_async_copy(ex_hbm.at[pl.ds(0, C2)], exr[b],
                                  semx[b]).wait()

        dnums = lax.GatherDimensionNumbers(
            offset_dims=(), collapsed_slice_dims=(0,), start_index_map=(0,))

        def compute(b):
            def ebody(i, _):
                wvec = exr[b][i, :] * rdr[b][i, :]
                wsp = [lax.gather(
                    wvec, jnp.full((L, 1), hh, jnp.int32), dnums, (1,),
                    mode=lax.GatherScatterMode.PROMISE_IN_BOUNDS)
                    for hh in range(H)]
                accs = [None] * (D // L)
                for m in range(nblk):
                    hh = m // (nblk // H)
                    d0 = (m % (nblk // H)) * 2 * L
                    j0, j1 = d0 // L, d0 // L + 1
                    hv = hrows[b][i, pl.ds(m * 2 * L, 2 * L)]
                    a0, a1 = plsc.unpack(hv, format=plsc.PackFormat.INTERLEAVED)
                    accs[j0] = (wsp[hh] * a0 if hh == 0
                                else accs[j0] + wsp[hh] * a0)
                    accs[j1] = (wsp[hh] * a1 if hh == 0
                                else accs[j1] + wsp[hh] * a1)
                for j in range(D // L):
                    cbuf[i, pl.ds(j * L, L)] = accs[j]
                return 0
            lax.fori_loop(0, C2, ebody, 0)
            pltpu.sync_copy(cbuf, oacc.at[dst_v[b]], add=True)

        issue(0, base)
        def super_chunk(q, _):
            g = q * 2
            wait(0)
            issue(1, base + (g + 1) * C2)
            compute(0)
            wait(1)

            @pl.when(g + 2 < nch)
            def _():
                issue(0, base + (g + 2) * C2)
            compute(1)
            return 0
        lax.fori_loop(0, nch // 2, super_chunk, 0)

        plsc.subcore_barrier()
        for t in range(nwb):
            pltpu.sync_copy(oacc.at[pl.ds(s * rpt + t * WB, WB)], cbuf)
            pltpu.sync_copy(cbuf,
                            op_hbm.at[pl.ds(c * npad + s * rpt + t * WB, WB)])

    return pass2


def _make_final(n, npad, H, D):
    def _fin_body(op_ref, b_ref, o_ref):
        bm = jnp.mean(b_ref[...], axis=0, keepdims=True)
        o_ref[...] = op_ref[0:n, :] + op_ref[npad:npad + n, :] + bm

    def final(op, b):
        return pl.pallas_call(
            _fin_body,
            out_shape=jax.ShapeDtypeStruct((n, D), jnp.float32),
        )(op, b)
    return final


def kernel(feat, edge_index, W, attn_l, attn_r, bias):
    n, fin = feat.shape
    e_cnt = edge_index.shape[1]
    H, D = attn_l.shape
    HD = H * D

    src = edge_index[0]
    dst = edge_index[1]
    col = jnp.arange(HD)
    orig = (col // 32) * 32 + (col % 32) // 2 + 16 * (col % 2)
    Wp = W[:, orig]
    al = attn_l.reshape(HD)[orig].reshape(1, HD)
    ar = attn_r.reshape(HD)[orig].reshape(1, HD)
    sel = jnp.pad(jnp.repeat(jnp.eye(H, dtype=jnp.float32), D, axis=0),
                  ((0, 0), (0, L - H)))

    npad = ((n + 2047) // 2048) * 2048

    hb, el16, er16 = _project(feat, Wp, al, ar, sel, n, fin, HD)
    ex, dp = _make_pass1(n, npad, e_cnt)(src, dst, el16, er16)
    rd = _make_rdenom(n, npad, H)(dp)
    op = _make_pass2(n, npad, e_cnt, H, D, HD)(src, dst, ex, rd, hb)
    return _make_final(n, npad, H, D)(op, bias.reshape(H, D))

# --- scband reference (transcript-rebuilt; emitter-appended) ---
"""Pipeline reference for scband-aggr-gatconv-38998303047881 (READ-ONLY COPY).

The authoritative reference and input builder live on the scoring server;
editing this copy changes nothing except your own understanding.
"""

import jax, jax.numpy as jnp
import numpy as np

N = 10000
E = 320000
IN_FEATS = 128
OUT_FEATS = 128
HEADS = 4


def setup_inputs(seed: int = 0) -> dict:
    key = jax.random.key(seed)
    k1, k2, k3, k4, k5 = jax.random.split(key, 5)
    feat = jax.random.normal(k1, (N, IN_FEATS), dtype=jnp.float32)
    edge_index = jax.random.randint(k2, (2, E), 0, N, dtype=jnp.int32)
    # GATConv parameters (xavier-ish init)
    W = jax.random.normal(k3, (IN_FEATS, HEADS * OUT_FEATS), dtype=jnp.float32) / jnp.sqrt(IN_FEATS)
    attn_l = jax.random.normal(k4, (HEADS, OUT_FEATS), dtype=jnp.float32) * 0.1
    attn_r = jax.random.normal(k5, (HEADS, OUT_FEATS), dtype=jnp.float32) * 0.1
    bias = jnp.zeros((HEADS * OUT_FEATS,), dtype=jnp.float32)
    return {"feat": feat, "edge_index": edge_index, "W": W, "attn_l": attn_l, "attn_r": attn_r, "bias": bias}


def reference(feat, edge_index, W, attn_l, attn_r, bias):
    n = feat.shape[0]
    e_cnt = edge_index.shape[1]
    H, D = attn_l.shape
    # dgl GATConv: linear projection then multi-head attention
    h = (feat @ W).reshape(n, H, D)                      # [N, H, D]
    el = (h * attn_l[None, :, :]).sum(axis=-1)           # [N, H]
    er = (h * attn_r[None, :, :]).sum(axis=-1)           # [N, H]
    src = edge_index[0]
    dst = edge_index[1]
    e = jax.nn.leaky_relu(el[src] + er[dst], negative_slope=0.2)  # [E, H]
    # edge softmax over incoming edges of each dst node
    m = jax.ops.segment_max(e, dst, num_segments=n)
    m = jnp.where(jnp.isfinite(m), m, 0.0)
    ex = jnp.exp(e - m[dst])                             # [E, H]
    denom = jax.ops.segment_sum(ex, dst, num_segments=n)  # [N, H]
    d_gather = denom[dst]
    a = ex / jnp.where(d_gather == 0, 1.0, d_gather)     # [E, H]
    # message passing: weighted sum of source features at dst
    msg = h[src] * a[:, :, None]                         # [E, H, D]
    rst = jax.ops.segment_sum(msg.reshape(e_cnt, H * D), dst, num_segments=n).reshape(n, H, D)
    rst = rst + bias.reshape(1, H, D)
    # aggr='mean': mean over head dim (-2)
    return rst.mean(axis=-2)                             # [N, D]

if __name__ == "__main__":
    import jax
    _d = setup_inputs()
    print(jax.jit(kernel)(*tuple(_d.values())))

</pallas_src>

<mosaic_0001>
#map = affine_map<(d0, d1) -> (0)>
#map1 = affine_map<(d0, d1) -> (0, 0)>
module attributes {stable_mosaic.version = 14 : i64} {
  func.func @pass1(%arg0: i32, %arg1: i32, %arg2: memref<320000xi32, #tpu.memory_space<hbm>>, %arg3: memref<320000xi32, #tpu.memory_space<hbm>>, %arg4: memref<10000x16xf32, #tpu.memory_space<hbm>>, %arg5: memref<10000x16xf32, #tpu.memory_space<hbm>>, %arg6: memref<320000x16xf32, #tpu.memory_space<hbm>>, %arg7: memref<20480x16xf32, #tpu.memory_space<hbm>>, %arg8: memref<1000xi32, #tpu.memory_space<vmem>>, %arg9: memref<1000xi32, #tpu.memory_space<vmem>>, %arg10: memref<1000x16xf32, #tpu.memory_space<vmem>>, %arg11: memref<1000x16xf32, #tpu.memory_space<vmem>>, %arg12: memref<1000x16xf32, #tpu.memory_space<vmem>>, %arg13: memref<10240x16xf32, #tpu.memory_space<vmem_shared>>, %arg14: memref<!tpu.dma_semaphore, #tpu.memory_space<semaphore_mem>>, %arg15: memref<!tpu.dma_semaphore, #tpu.memory_space<semaphore_mem>>) attributes {dimension_semantics = [#tpu.dimension_semantics<core_parallel>, #tpu.dimension_semantics<subcore_parallel>], iteration_bounds = array<i64: 2, 16>, scalar_prefetch = 0 : i64, scratch_operands = 8 : i64, tpu.core_type = #tpu.core_type<sc_vector_subcore>, window_params = [{transform_indices = #map}, {transform_indices = #map}, {transform_indices = #map1}, {transform_indices = #map1}, {transform_indices = #map1}, {transform_indices = #map1}]} {
    %mul3A = arith.constant 16 : i32
    %mul3A_0 = arith.muli %arg0, %mul3A : i32
    %add3A = arith.addi %mul3A_0, %arg1 : i32
    %mul3A_1 = arith.constant 10000 : i32
    %mul3A_2 = arith.muli %add3A, %mul3A_1 : i32
    %scan3A = arith.constant 0 : i32
    %scan3A_3 = arith.constant 0 : i32
    %scan3A_4 = arith.constant 640 : i32
    %scan3A_5 = arith.addi %scan3A_3, %scan3A_4 : i32
    %scan3A_6 = arith.constant 1 : i32
    %scan3A_7 = scf.for %scan3A_26 = %scan3A_3 to %scan3A_5 step %scan3A_6 iter_args(%scan3A_27 = %scan3A) -> (i32)  : i32 {
      %broadcast_in_dim3A = arith.constant 0.000000e+00 : f32
      %broadcast_in_dim3A_28 = vector.broadcast %broadcast_in_dim3A : f32 to vector<16xf32>
      %swap3A = arith.index_cast %scan3A_26 : i32 to index
      %swap3A_29 = arith.constant 0 : index
      %swap3A_30 = tpu.vector_load %arg12[%swap3A, %swap3A_29] {strides = array<i32>} : memref<1000x16xf32, #tpu.memory_space<vmem>>, vector<16xf32>,
      tpu.vector_store %arg12[%swap3A, %swap3A_29], %broadcast_in_dim3A_28 {strides = array<i32>} : memref<1000x16xf32, #tpu.memory_space<vmem>>, vector<16xf32>,
      %scan3A_31 = arith.constant 0 : i32
      scf.yield %scan3A_31 : i32
    }
    %scan3A_8 = arith.constant 640 : i32
    %mul3A_9 = arith.constant 640 : i32
    %mul3A_10 = arith.muli %arg1, %mul3A_9 : i32
    "tpu.region"() ({
      %run_scoped3A = tpu.sem_alloc : memref<!tpu.dma_semaphore, #tpu.memory_space<semaphore_mem>>
      %dma_start3A = arith.constant 0 : i32
      %dma_start3A_26 = arith.constant 0 : i32
      %dma_start3A_27 = tpu.memref_slice %arg12[%dma_start3A, %dma_start3A_26] : memref<1000x16xf32, #tpu.memory_space<vmem>> -> memref<640x16xf32, #tpu.memory_space<vmem>>
      %dma_start3A_28 = arith.constant 0 : i32
      %dma_start3A_29 = tpu.memref_slice %arg13[%mul3A_10, %dma_start3A_28] : memref<10240x16xf32, #tpu.memory_space<vmem_shared>> -> memref<640x16xf32, #tpu.memory_space<vmem_shared>>
      %dma_start3A_30 = arith.constant 0 : i32
      %dma_start3A_31 = tpu.memref_slice %arg13[%mul3A_10, %dma_start3A_30] : memref<10240x16xf32, #tpu.memory_space<vmem_shared>> -> memref<640x16xf32, #tpu.memory_space<vmem_shared>>
      %dma_start3A_32 = arith.constant 0 : i32
      %dma_start3A_33 = arith.constant 0 : i32
      %dma_start3A_34 = tpu.memref_slice %arg12[%dma_start3A_32, %dma_start3A_33] : memref<1000x16xf32, #tpu.memory_space<vmem>> -> memref<640x16xf32, #tpu.memory_space<vmem>>
      tpu.enqueue_dma source(%dma_start3A_34 : memref<640x16xf32, #tpu.memory_space<vmem>>) target(%dma_start3A_31 : memref<640x16xf32, #tpu.memory_space<vmem_shared>>) target_semaphore(%run_scoped3A : memref<!tpu.dma_semaphore, #tpu.memory_space<semaphore_mem>>)
      %dma_wait3A = arith.constant 0 : i32
      %dma_wait3A_35 = arith.constant 0 : i32
      %dma_wait3A_36 = tpu.memref_slice %arg12[%dma_wait3A, %dma_wait3A_35] : memref<1000x16xf32, #tpu.memory_space<vmem>> -> memref<640x16xf32, #tpu.memory_space<vmem>>
      %dma_wait3A_37 = arith.constant 0 : i32
      %dma_wait3A_38 = tpu.memref_slice %arg13[%mul3A_10, %dma_wait3A_37] : memref<10240x16xf32, #tpu.memory_space<vmem_shared>> -> memref<640x16xf32, #tpu.memory_space<vmem_shared>>
      %dma_wait3A_39 = arith.constant 0 : i32
      %dma_wait3A_40 = tpu.memref_slice %arg13[%mul3A_10, %dma_wait3A_39] : memref<10240x16xf32, #tpu.memory_space<vmem_shared>> -> memref<640x16xf32, #tpu.memory_space<vmem_shared>>
      %dma_wait3A_41 = arith.constant 0 : i32
      %dma_wait3A_42 = arith.constant 0 : i32
      %dma_wait3A_43 = tpu.memref_slice %arg12[%dma_wait3A_41, %dma_wait3A_42] : memref<1000x16xf32, #tpu.memory_space<vmem>> -> memref<640x16xf32, #tpu.memory_space<vmem>>
      tpu.wait_dma2 semaphore(%run_scoped3A : memref<!tpu.dma_semaphore, #tpu.memory_space<semaphore_mem>>) src(%dma_wait3A_43 : memref<640x16xf32, #tpu.memory_space<vmem>>) dst(%dma_wait3A_40 : memref<640x16xf32, #tpu.memory_space<vmem_shared>>)
      tpu.yield
    }) : () -> ()
    %barrier3A = arith.constant 0 : index
    tpu.barrier barrier_id(%barrier3A)
    %scan3A_11 = arith.constant 0 : i32
    %scan3A_12 = arith.constant 0 : i32
    %scan3A_13 = arith.constant 10 : i32
    %scan3A_14 = arith.addi %scan3A_12, %scan3A_13 : i32
    %scan3A_15 = arith.constant 1 : i32
    %scan3A_16 = scf.for %scan3A_26 = %scan3A_12 to %scan3A_14 step %scan3A_15 iter_args(%scan3A_27 = %scan3A_11) -> (i32)  : i32 {
      %mul3A_28 = arith.constant 1000 : i32
      %mul3A_29 = arith.muli %scan3A_26, %mul3A_28 : i32
      %add3A_30 = arith.addi %mul3A_2, %mul3A_29 : i32
      "tpu.region"() ({
        %run_scoped3A = tpu.sem_alloc : memref<!tpu.dma_semaphore, #tpu.memory_space<semaphore_mem>>
        %dma_start3A_49 = tpu.memref_slice %arg2[%add3A_30] : memref<320000xi32, #tpu.memory_space<hbm>> -> memref<1000xi32, #tpu.memory_space<hbm>>
        %dma_start3A_50 = tpu.memref_slice %arg2[%add3A_30] : memref<320000xi32, #tpu.memory_space<hbm>> -> memref<1000xi32, #tpu.memory_space<hbm>>
        tpu.enqueue_dma source(%dma_start3A_50 : memref<1000xi32, #tpu.memory_space<hbm>>) target(%arg8 : memref<1000xi32, #tpu.memory_space<vmem>>) target_semaphore(%run_scoped3A : memref<!tpu.dma_semaphore, #tpu.memory_space<semaphore_mem>>)
        %dma_wait3A_51 = tpu.memref_slice %arg2[%add3A_30] : memref<320000xi32, #tpu.memory_space<hbm>> -> memref<1000xi32, #tpu.memory_space<hbm>>
        %dma_wait3A_52 = tpu.memref_slice %arg2[%add3A_30] : memref<320000xi32, #tpu.memory_space<hbm>> -> memref<1000xi32, #tpu.memory_space<hbm>>
        tpu.wait_dma2 semaphore(%run_scoped3A : memref<!tpu.dma_semaphore, #tpu.memory_space<semaphore_mem>>) src(%dma_wait3A_52 : memref<1000xi32, #tpu.memory_space<hbm>>) dst(%arg8 : memref<1000xi32, #tpu.memory_space<vmem>>)
        tpu.yield
      }) : () -> ()
      "tpu.region"() ({
        %run_scoped3A = tpu.sem_alloc : memref<!tpu.dma_semaphore, #tpu.memory_space<semaphore_mem>>
        %dma_start3A_49 = tpu.memref_slice %arg3[%add3A_30] : memref<320000xi32, #tpu.memory_space<hbm>> -> memref<1000xi32, #tpu.memory_space<hbm>>
        %dma_start3A_50 = tpu.memref_slice %arg3[%add3A_30] : memref<320000xi32, #tpu.memory_space<hbm>> -> memref<1000xi32, #tpu.memory_space<hbm>>
        tpu.enqueue_dma source(%dma_start3A_50 : memref<1000xi32, #tpu.memory_space<hbm>>) target(%arg9 : memref<1000xi32, #tpu.memory_space<vmem>>) target_semaphore(%run_scoped3A : memref<!tpu.dma_semaphore, #tpu.memory_space<semaphore_mem>>)
        %dma_wait3A_51 = tpu.memref_slice %arg3[%add3A_30] : memref<320000xi32, #tpu.memory_space<hbm>> -> memref<1000xi32, #tpu.memory_space<hbm>>
        %dma_wait3A_52 = tpu.memref_slice %arg3[%add3A_30] : memref<320000xi32, #tpu.memory_space<hbm>> -> memref<1000xi32, #tpu.memory_space<hbm>>
        tpu.wait_dma2 semaphore(%run_scoped3A : memref<!tpu.dma_semaphore, #tpu.memory_space<semaphore_mem>>) src(%dma_wait3A_52 : memref<1000xi32, #tpu.memory_space<hbm>>) dst(%arg9 : memref<1000xi32, #tpu.memory_space<vmem>>)
        tpu.yield
      }) : () -> ()
      %dma_start3A = arith.constant 0 : i32
      %dma_start3A_31 = arith.constant 0 : i32
      %dma_start3A_32 = tpu.memref_slice %arg4[%dma_start3A, %dma_start3A_31] : memref<10000x16xf32, #tpu.memory_space<hbm>> -> memref<10000x16xf32, #tpu.memory_space<hbm>>
      tpu.enqueue_indirect_dma source(%dma_start3A_32 : memref<10000x16xf32, #tpu.memory_space<hbm>>) target(%arg10 : memref<1000x16xf32, #tpu.memory_space<vmem>>) offsets(%arg8 : memref<1000xi32, #tpu.memory_space<vmem>>) semaphore(%arg14 : memref<!tpu.dma_semaphore, #tpu.memory_space<semaphore_mem>>)
      %dma_start3A_33 = arith.constant 0 : i32
      %dma_start3A_34 = arith.constant 0 : i32
      %dma_start3A_35 = tpu.memref_slice %arg5[%dma_start3A_33, %dma_start3A_34] : memref<10000x16xf32, #tpu.memory_space<hbm>> -> memref<10000x16xf32, #tpu.memory_space<hbm>>
      tpu.enqueue_indirect_dma source(%dma_start3A_35 : memref<10000x16xf32, #tpu.memory_space<hbm>>) target(%arg11 : memref<1000x16xf32, #tpu.memory_space<vmem>>) offsets(%arg9 : memref<1000xi32, #tpu.memory_space<vmem>>) semaphore(%arg15 : memref<!tpu.dma_semaphore, #tpu.memory_space<semaphore_mem>>)
      %dma_wait3A = arith.constant 0 : i32
      %dma_wait3A_36 = arith.constant 0 : i32
      %dma_wait3A_37 = tpu.memref_slice %arg4[%dma_wait3A, %dma_wait3A_36] : memref<10000x16xf32, #tpu.memory_space<hbm>> -> memref<10000x16xf32, #tpu.memory_space<hbm>>
      tpu.wait_indirect_dma semaphore(%arg14 : memref<!tpu.dma_semaphore, #tpu.memory_space<semaphore_mem>>) src(%dma_wait3A_37 : memref<10000x16xf32, #tpu.memory_space<hbm>>) dst(%arg10 : memref<1000x16xf32, #tpu.memory_space<vmem>>)
      %dma_wait3A_38 = arith.constant 0 : i32
      %dma_wait3A_39 = arith.constant 0 : i32
      %dma_wait3A_40 = tpu.memref_slice %arg5[%dma_wait3A_38, %dma_wait3A_39] : memref<10000x16xf32, #tpu.memory_space<hbm>> -> memref<10000x16xf32, #tpu.memory_space<hbm>>
      tpu.wait_indirect_dma semaphore(%arg15 : memref<!tpu.dma_semaphore, #tpu.memory_space<semaphore_mem>>) src(%dma_wait3A_40 : memref<10000x16xf32, #tpu.memory_space<hbm>>) dst(%arg11 : memref<1000x16xf32, #tpu.memory_space<vmem>>)
      %scan3A_41 = arith.constant 0 : i32
      %scan3A_42 = arith.constant 0 : i32
      %scan3A_43 = arith.constant 1000 : i32
      %scan3A_44 = arith.addi %scan3A_42, %scan3A_43 : i32
      %scan3A_45 = arith.constant 1 : i32
      %scan3A_46 = scf.for %scan3A_49 = %scan3A_42 to %scan3A_44 step %scan3A_45 iter_args(%scan3A_50 = %scan3A_41) -> (i32)  : i32 {
        %get3A = arith.index_cast %scan3A_49 : i32 to index
        %get3A_51 = arith.constant 0 : index
        %get3A_52 = tpu.vector_load %arg10[%get3A, %get3A_51] {strides = array<i32>} : memref<1000x16xf32, #tpu.memory_space<vmem>>, vector<16xf32>,
        %get3A_53 = arith.index_cast %scan3A_49 : i32 to index
        %get3A_54 = arith.constant 0 : index
        %get3A_55 = tpu.vector_load %arg11[%get3A_53, %get3A_54] {strides = array<i32>} : memref<1000x16xf32, #tpu.memory_space<vmem>>, vector<16xf32>,
        %add3A_56 = arith.addf %get3A_52, %get3A_55 : vector<16xf32>
        %ge3A = arith.constant 0.000000e+00 : f32
        %ge3A_57 = vector.broadcast %ge3A : f32 to vector<16xf32>
        %ge3A_58 = arith.cmpf oge, %add3A_56, %ge3A_57 : vector<16xf32>
        %mul3A_59 = arith.constant 2.000000e-01 : f32
        %mul3A_60 = vector.broadcast %mul3A_59 : f32 to vector<16xf32>
        %mul3A_61 = arith.mulf %add3A_56, %mul3A_60 : vector<16xf32>
        %select_n3A = arith.select %ge3A_58, %add3A_56, %mul3A_61 : vector<16xi1>, vector<16xf32>
        %exp3A = math.exp %select_n3A : vector<16xf32>
        %swap3A = arith.index_cast %scan3A_49 : i32 to index
        %swap3A_62 = arith.constant 0 : index
        %swap3A_63 = tpu.vector_load %arg12[%swap3A, %swap3A_62] {strides = array<i32>} : memref<1000x16xf32, #tpu.memory_space<vmem>>, vector<16xf32>,
        tpu.vector_store %arg12[%swap3A, %swap3A_62], %exp3A {strides = array<i32>} : memref<1000x16xf32, #tpu.memory_space<vmem>>, vector<16xf32>,
        %scan3A_64 = arith.constant 0 : i32
        scf.yield %scan3A_64 : i32
      }
      %scan3A_47 = arith.constant 1000 : i32
      "tpu.region"() ({
        %run_scoped3A = tpu.sem_alloc : memref<!tpu.dma_semaphore, #tpu.memory_space<semaphore_mem>>
        %dma_start3A_49 = arith.constant 0 : i32
        %dma_start3A_50 = arith.constant 0 : i32
        %dma_start3A_51 = tpu.memref_slice %arg13[%dma_start3A_49, %dma_start3A_50] : memref<10240x16xf32, #tpu.memory_space<vmem_shared>> -> memref<10240x16xf32, #tpu.memory_space<vmem_shared>>
        tpu.enqueue_indirect_dma source(%arg12 : memref<1000x16xf32, #tpu.memory_space<vmem>>) target(%dma_start3A_51 : memref<10240x16xf32, #tpu.memory_space<vmem_shared>>) offsets(%arg9 : memref<1000xi32, #tpu.memory_space<vmem>>) semaphore(%run_scoped3A : memref<!tpu.dma_semaphore, #tpu.memory_space<semaphore_mem>>) {add = true}
        %dma_wait3A_52 = arith.constant 0 : i32
        %dma_wait3A_53 = arith.constant 0 : i32
        %dma_wait3A_54 = tpu.memref_slice %arg13[%dma_wait3A_52, %dma_wait3A_53] : memref<10240x16xf32, #tpu.memory_space<vmem_shared>> -> memref<10240x16xf32, #tpu.memory_space<vmem_shared>>
        tpu.wait_indirect_dma semaphore(%run_scoped3A : memref<!tpu.dma_semaphore, #tpu.memory_space<semaphore_mem>>) src(%arg12 : memref<1000x16xf32, #tpu.memory_space<vmem>>) dst(%dma_wait3A_54 : memref<10240x16xf32, #tpu.memory_space<vmem_shared>>)
        tpu.yield
      }) : () -> ()
      "tpu.region"() ({
        %run_scoped3A = tpu.sem_alloc : memref<!tpu.dma_semaphore, #tpu.memory_space<semaphore_mem>>
        %dma_start3A_49 = arith.constant 0 : i32
        %dma_start3A_50 = tpu.memref_slice %arg6[%add3A_30, %dma_start3A_49] : memref<320000x16xf32, #tpu.memory_space<hbm>> -> memref<1000x16xf32, #tpu.memory_space<hbm>>
        %dma_start3A_51 = arith.constant 0 : i32
        %dma_start3A_52 = tpu.memref_slice %arg6[%add3A_30, %dma_start3A_51] : memref<320000x16xf32, #tpu.memory_space<hbm>> -> memref<1000x16xf32, #tpu.memory_space<hbm>>
        tpu.enqueue_dma source(%arg12 : memref<1000x16xf32, #tpu.memory_space<vmem>>) target(%dma_start3A_52 : memref<1000x16xf32, #tpu.memory_space<hbm>>) target_semaphore(%run_scoped3A : memref<!tpu.dma_semaphore, #tpu.memory_space<semaphore_mem>>)
        %dma_wait3A_53 = arith.constant 0 : i32
        %dma_wait3A_54 = tpu.memref_slice %arg6[%add3A_30, %dma_wait3A_53] : memref<320000x16xf32, #tpu.memory_space<hbm>> -> memref<1000x16xf32, #tpu.memory_space<hbm>>
        %dma_wait3A_55 = arith.constant 0 : i32
        %dma_wait3A_56 = tpu.memref_slice %arg6[%add3A_30, %dma_wait3A_55] : memref<320000x16xf32, #tpu.memory_space<hbm>> -> memref<1000x16xf32, #tpu.memory_space<hbm>>
        tpu.wait_dma2 semaphore(%run_scoped3A : memref<!tpu.dma_semaphore, #tpu.memory_space<semaphore_mem>>) src(%arg12 : memref<1000x16xf32, #tpu.memory_space<vmem>>) dst(%dma_wait3A_56 : memref<1000x16xf32, #tpu.memory_space<hbm>>)
        tpu.yield
      }) : () -> ()
      %scan3A_48 = arith.constant 0 : i32
      scf.yield %scan3A_48 : i32
    }
    %scan3A_17 = arith.constant 10 : i32
    %barrier3A_18 = arith.constant 0 : index
    tpu.barrier barrier_id(%barrier3A_18)
    %mul3A_19 = arith.constant 640 : i32
    %mul3A_20 = arith.muli %arg1, %mul3A_19 : i32
    "tpu.region"() ({
      %run_scoped3A = tpu.sem_alloc : memref<!tpu.dma_semaphore, #tpu.memory_space<semaphore_mem>>
      %dma_start3A = arith.constant 0 : i32
      %dma_start3A_26 = arith.constant 0 : i32
      %dma_start3A_27 = tpu.memref_slice %arg12[%dma_start3A, %dma_start3A_26] : memref<1000x16xf32, #tpu.memory_space<vmem>> -> memref<640x16xf32, #tpu.memory_space<vmem>>
      %dma_start3A_28 = arith.constant 0 : i32
      %dma_start3A_29 = tpu.memref_slice %arg13[%mul3A_20, %dma_start3A_28] : memref<10240x16xf32, #tpu.memory_space<vmem_shared>> -> memref<640x16xf32, #tpu.memory_space<vmem_shared>>
      %dma_start3A_30 = arith.constant 0 : i32
      %dma_start3A_31 = arith.constant 0 : i32
      %dma_start3A_32 = tpu.memref_slice %arg12[%dma_start3A_30, %dma_start3A_31] : memref<1000x16xf32, #tpu.memory_space<vmem>> -> memref<640x16xf32, #tpu.memory_space<vmem>>
      %dma_start3A_33 = arith.constant 0 : i32
      %dma_start3A_34 = tpu.memref_slice %arg13[%mul3A_20, %dma_start3A_33] : memref<10240x16xf32, #tpu.memory_space<vmem_shared>> -> memref<640x16xf32, #tpu.memory_space<vmem_shared>>
      tpu.enqueue_dma source(%dma_start3A_34 : memref<640x16xf32, #tpu.memory_space<vmem_shared>>) target(%dma_start3A_32 : memref<640x16xf32, #tpu.memory_space<vmem>>) target_semaphore(%run_scoped3A : memref<!tpu.dma_semaphore, #tpu.memory_space<semaphore_mem>>)
      %dma_wait3A = arith.constant 0 : i32
      %dma_wait3A_35 = arith.constant 0 : i32
      %dma_wait3A_36 = tpu.memref_slice %arg12[%dma_wait3A, %dma_wait3A_35] : memref<1000x16xf32, #tpu.memory_space<vmem>> -> memref<640x16xf32, #tpu.memory_space<vmem>>
      %dma_wait3A_37 = arith.constant 0 : i32
      %dma_wait3A_38 = tpu.memref_slice %arg13[%mul3A_20, %dma_wait3A_37] : memref<10240x16xf32, #tpu.memory_space<vmem_shared>> -> memref<640x16xf32, #tpu.memory_space<vmem_shared>>
      %dma_wait3A_39 = arith.constant 0 : i32
      %dma_wait3A_40 = arith.constant 0 : i32
      %dma_wait3A_41 = tpu.memref_slice %arg12[%dma_wait3A_39, %dma_wait3A_40] : memref<1000x16xf32, #tpu.memory_space<vmem>> -> memref<640x16xf32, #tpu.memory_space<vmem>>
      %dma_wait3A_42 = arith.constant 0 : i32
      %dma_wait3A_43 = tpu.memref_slice %arg13[%mul3A_20, %dma_wait3A_42] : memref<10240x16xf32, #tpu.memory_space<vmem_shared>> -> memref<640x16xf32, #tpu.memory_space<vmem_shared>>
      tpu.wait_dma2 semaphore(%run_scoped3A : memref<!tpu.dma_semaphore, #tpu.memory_space<semaphore_mem>>) src(%dma_wait3A_43 : memref<640x16xf32, #tpu.memory_space<vmem_shared>>) dst(%dma_wait3A_41 : memref<640x16xf32, #tpu.memory_space<vmem>>)
      tpu.yield
    }) : () -> ()
    %mul3A_21 = arith.constant 10240 : i32
    %mul3A_22 = arith.muli %arg0, %mul3A_21 : i32
    %mul3A_23 = arith.constant 640 : i32
    %mul3A_24 = arith.muli %arg1, %mul3A_23 : i32
    %add3A_25 = arith.addi %mul3A_22, %mul3A_24 : i32
    "tpu.region"() ({
      %run_scoped3A = tpu.sem_alloc : memref<!tpu.dma_semaphore, #tpu.memory_space<semaphore_mem>>
      %dma_start3A = arith.constant 0 : i32
      %dma_start3A_26 = arith.constant 0 : i32
      %dma_start3A_27 = tpu.memref_slice %arg12[%dma_start3A, %dma_start3A_26] : memref<1000x16xf32, #tpu.memory_space<vmem>> -> memref<640x16xf32, #tpu.memory_space<vmem>>
      %dma_start3A_28 = arith.constant 0 : i32
      %dma_start3A_29 = tpu.memref_slice %arg7[%add3A_25, %dma_start3A_28] : memref<20480x16xf32, #tpu.memory_space<hbm>> -> memref<640x16xf32, #tpu.memory_space<hbm>>
      %dma_start3A_30 = arith.constant 0 : i32
      %dma_start3A_31 = tpu.memref_slice %arg7[%add3A_25, %dma_start3A_30] : memref<20480x16xf32, #tpu.memory_space<hbm>> -> memref<640x16xf32, #tpu.memory_space<hbm>>
      %dma_start3A_32 = arith.constant 0 : i32
      %dma_start3A_33 = arith.constant 0 : i32
      %dma_start3A_34 = tpu.memref_slice %arg12[%dma_start3A_32, %dma_start3A_33] : memref<1000x16xf32, #tpu.memory_space<vmem>> -> memref<640x16xf32, #tpu.memory_space<vmem>>
      tpu.enqueue_dma source(%dma_start3A_34 : memref<640x16xf32, #tpu.memory_space<vmem>>) target(%dma_start3A_31 : memref<640x16xf32, #tpu.memory_space<hbm>>) target_semaphore(%run_scoped3A : memref<!tpu.dma_semaphore, #tpu.memory_space<semaphore_mem>>)
      %dma_wait3A = arith.constant 0 : i32
      %dma_wait3A_35 = arith.constant 0 : i32
      %dma_wait3A_36 = tpu.memref_slice %arg12[%dma_wait3A, %dma_wait3A_35] : memref<1000x16xf32, #tpu.memory_space<vmem>> -> memref<640x16xf32, #tpu.memory_space<vmem>>
      %dma_wait3A_37 = arith.constant 0 : i32
      %dma_wait3A_38 = tpu.memref_slice %arg7[%add3A_25, %dma_wait3A_37] : memref<20480x16xf32, #tpu.memory_space<hbm>> -> memref<640x16xf32, #tpu.memory_space<hbm>>
      %dma_wait3A_39 = arith.constant 0 : i32
      %dma_wait3A_40 = tpu.memref_slice %arg7[%add3A_25, %dma_wait3A_39] : memref<20480x16xf32, #tpu.memory_space<hbm>> -> memref<640x16xf32, #tpu.memory_space<hbm>>
      %dma_wait3A_41 = arith.constant 0 : i32
      %dma_wait3A_42 = arith.constant 0 : i32
      %dma_wait3A_43 = tpu.memref_slice %arg12[%dma_wait3A_41, %dma_wait3A_42] : memref<1000x16xf32, #tpu.memory_space<vmem>> -> memref<640x16xf32, #tpu.memory_space<vmem>>
      tpu.wait_dma2 semaphore(%run_scoped3A : memref<!tpu.dma_semaphore, #tpu.memory_space<semaphore_mem>>) src(%dma_wait3A_43 : memref<640x16xf32, #tpu.memory_space<vmem>>) dst(%dma_wait3A_40 : memref<640x16xf32, #tpu.memory_space<hbm>>)
      tpu.yield
    }) : () -> ()
    return
  }
}

#map = affine_map<(d0, d1) -> (0)>
#map1 = affine_map<(d0, d1) -> (0, 0)>
module attributes {stable_mosaic.version = 14 : i64} {
  func.func @pass2(%arg0: i32, %arg1: i32, %arg2: memref<320000xi32, #tpu.memory_space<hbm>>, %arg3: memref<320000xi32, #tpu.memory_space<hbm>>, %arg4: memref<320000x16xf32, #tpu.memory_space<hbm>>, %arg5: memref<10000x16xf32, #tpu.memory_space<hbm>>, %arg6: memref<10000x512xbf16, #tpu.memory_space<hbm>>, %arg7: memref<20480x128xf32, #tpu.memory_space<hbm>>, %arg8: memref<40xi32, #tpu.memory_space<vmem>>, %arg9: memref<40xi32, #tpu.memory_space<vmem>>, %arg10: memref<40xi32, #tpu.memory_space<vmem>>, %arg11: memref<40xi32, #tpu.memory_space<vmem>>, %arg12: memref<40x512xbf16, #tpu.memory_space<vmem>>, %arg13: memref<40x512xbf16, #tpu.memory_space<vmem>>, %arg14: memref<40x16xf32, #tpu.memory_space<vmem>>, %arg15: memref<40x16xf32, #tpu.memory_space<vmem>>, %arg16: memref<40x16xf32, #tpu.memory_space<vmem>>, %arg17: memref<40x16xf32, #tpu.memory_space<vmem>>, %arg18: memref<40x128xf32, #tpu.memory_space<vmem>>, %arg19: memref<10240x128xf32, #tpu.memory_space<vmem_shared>>, %arg20: memref<!tpu.dma_semaphore, #tpu.memory_space<semaphore_mem>>, %arg21: memref<!tpu.dma_semaphore, #tpu.memory_space<semaphore_mem>>, %arg22: memref<!tpu.dma_semaphore, #tpu.memory_space<semaphore_mem>>, %arg23: memref<!tpu.dma_semaphore, #tpu.memory_space<semaphore_mem>>, %arg24: memref<!tpu.dma_semaphore, #tpu.memory_space<semaphore_mem>>, %arg25: memref<!tpu.dma_semaphore, #tpu.memory_space<semaphore_mem>>) attributes {dimension_semantics = [#tpu.dimension_semantics<core_parallel>, #tpu.dimension_semantics<subcore_parallel>], iteration_bounds = array<i64: 2, 16>, scalar_prefetch = 0 : i64, scratch_operands = 18 : i64, tpu.core_type = #tpu.core_type<sc_vector_subcore>, window_params = [{transform_indices = #map}, {transform_indices = #map}, {transform_indices = #map1}, {transform_indices = #map1}, {transform_indices = #map1}, {transform_indices = #map1}]} {
    %mul3A = arith.constant 16 : i32
    %mul3A_0 = arith.muli %arg0, %mul3A : i32
    %add3A = arith.addi %mul3A_0, %arg1 : i32
    %mul3A_1 = arith.constant 10000 : i32
    %mul3A_2 = arith.muli %add3A, %mul3A_1 : i32
    %scan3A = arith.constant 0 : i32
    %scan3A_3 = arith.constant 0 : i32
    %scan3A_4 = arith.constant 40 : i32
    %scan3A_5 = arith.addi %scan3A_3, %scan3A_4 : i32
    %scan3A_6 = arith.constant 1 : i32
    %scan3A_7 = scf.for %scan3A_266 = %scan3A_3 to %scan3A_5 step %scan3A_6 iter_args(%scan3A_267 = %scan3A) -> (i32)  : i32 {
      %broadcast_in_dim3A = arith.constant 0.000000e+00 : f32
      %broadcast_in_dim3A_268 = vector.broadcast %broadcast_in_dim3A : f32 to vector<16xf32>
      %swap3A = arith.index_cast %scan3A_266 : i32 to index
      %swap3A_269 = arith.constant 0 : index
      %swap3A_270 = tpu.vector_load %arg18[%swap3A, %swap3A_269] {strides = array<i32>} : memref<40x128xf32, #tpu.memory_space<vmem>>, vector<16xf32>,
      tpu.vector_store %arg18[%swap3A, %swap3A_269], %broadcast_in_dim3A_268 {strides = array<i32>} : memref<40x128xf32, #tpu.memory_space<vmem>>, vector<16xf32>,
      %broadcast_in_dim3A_271 = arith.constant 0.000000e+00 : f32
      %broadcast_in_dim3A_272 = vector.broadcast %broadcast_in_dim3A_271 : f32 to vector<16xf32>
      %swap3A_273 = arith.index_cast %scan3A_266 : i32 to index
      %swap3A_274 = arith.constant 16 : index
      %swap3A_275 = tpu.vector_load %arg18[%swap3A_273, %swap3A_274] {strides = array<i32>} : memref<40x128xf32, #tpu.memory_space<vmem>>, vector<16xf32>,
      tpu.vector_store %arg18[%swap3A_273, %swap3A_274], %broadcast_in_dim3A_272 {strides = array<i32>} : memref<40x128xf32, #tpu.memory_space<vmem>>, vector<16xf32>,
      %broadcast_in_dim3A_276 = arith.constant 0.000000e+00 : f32
      %broadcast_in_dim3A_277 = vector.broadcast %broadcast_in_dim3A_276 : f32 to vector<16xf32>
      %swap3A_278 = arith.index_cast %scan3A_266 : i32 to index
      %swap3A_279 = arith.constant 32 : index
      %swap3A_280 = tpu.vector_load %arg18[%swap3A_278, %swap3A_279] {strides = array<i32>} : memref<40x128xf32, #tpu.memory_space<vmem>>, vector<16xf32>,
      tpu.vector_store %arg18[%swap3A_278, %swap3A_279], %broadcast_in_dim3A_277 {strides = array<i32>} : memref<40x128xf32, #tpu.memory_space<vmem>>, vector<16xf32>,
      %broadcast_in_dim3A_281 = arith.constant 0.000000e+00 : f32
      %broadcast_in_dim3A_282 = vector.broadcast %broadcast_in_dim3A_281 : f32 to vector<16xf32>
      %swap3A_283 = arith.index_cast %scan3A_266 : i32 to index
      %swap3A_284 = arith.constant 48 : index
      %swap3A_285 = tpu.vector_load %arg18[%swap3A_283, %swap3A_284] {strides = array<i32>} : memref<40x128xf32, #tpu.memory_space<vmem>>, vector<16xf32>,
      tpu.vector_store %arg18[%swap3A_283, %swap3A_284], %broadcast_in_dim3A_282 {strides = array<i32>} : memref<40x128xf32, #tpu.memory_space<vmem>>, vector<16xf32>,
      %broadcast_in_dim3A_286 = arith.constant 0.000000e+00 : f32
      %broadcast_in_dim3A_287 = vector.broadcast %broadcast_in_dim3A_286 : f32 to vector<16xf32>
      %swap3A_288 = arith.index_cast %scan3A_266 : i32 to index
      %swap3A_289 = arith.constant 64 : index
      %swap3A_290 = tpu.vector_load %arg18[%swap3A_288, %swap3A_289] {strides = array<i32>} : memref<40x128xf32, #tpu.memory_space<vmem>>, vector<16xf32>,
      tpu.vector_store %arg18[%swap3A_288, %swap3A_289], %broadcast_in_dim3A_287 {strides = array<i32>} : memref<40x128xf32, #tpu.memory_space<vmem>>, vector<16xf32>,
      %broadcast_in_dim3A_291 = arith.constant 0.000000e+00 : f32
      %broadcast_in_dim3A_292 = vector.broadcast %broadcast_in_dim3A_291 : f32 to vector<16xf32>
      %swap3A_293 = arith.index_cast %scan3A_266 : i32 to index
      %swap3A_294 = arith.constant 80 : index
      %swap3A_295 = tpu.vector_load %arg18[%swap3A_293, %swap3A_294] {strides = array<i32>} : memref<40x128xf32, #tpu.memory_space<vmem>>, vector<16xf32>,
      tpu.vector_store %arg18[%swap3A_293, %swap3A_294], %broadcast_in_dim3A_292 {strides = array<i32>} : memref<40x128xf32, #tpu.memory_space<vmem>>, vector<16xf32>,
      %broadcast_in_dim3A_296 = arith.constant 0.000000e+00 : f32
      %broadcast_in_dim3A_297 = vector.broadcast %broadcast_in_dim3A_296 : f32 to vector<16xf32>
      %swap3A_298 = arith.index_cast %scan3A_266 : i32 to index
      %swap3A_299 = arith.constant 96 : index
      %swap3A_300 = tpu.vector_load %arg18[%swap3A_298, %swap3A_299] {strides = array<i32>} : memref<40x128xf32, #tpu.memory_space<vmem>>, vector<16xf32>,
      tpu.vector_store %arg18[%swap3A_298, %swap3A_299], %broadcast_in_dim3A_297 {strides = array<i32>} : memref<40x128xf32, #tpu.memory_space<vmem>>, vector<16xf32>,
      %broadcast_in_dim3A_301 = arith.constant 0.000000e+00 : f32
      %broadcast_in_dim3A_302 = vector.broadcast %broadcast_in_dim3A_301 : f32 to vector<16xf32>
      %swap3A_303 = arith.index_cast %scan3A_266 : i32 to index
      %swap3A_304 = arith.constant 112 : index
      %swap3A_305 = tpu.vector_load %arg18[%swap3A_303, %swap3A_304] {strides = array<i32>} : memref<40x128xf32, #tpu.memory_space<vmem>>, vector<16xf32>,
      tpu.vector_store %arg18[%swap3A_303, %swap3A_304], %broadcast_in_dim3A_302 {strides = array<i32>} : memref<40x128xf32, #tpu.memory_space<vmem>>, vector<16xf32>,
      %scan3A_306 = arith.constant 0 : i32
      scf.yield %scan3A_306 : i32
    }
    %scan3A_8 = arith.constant 40 : i32
    %mul3A_9 = arith.constant 640 : i32
    %mul3A_10 = arith.muli %arg1, %mul3A_9 : i32
    %add3A_11 = arith.constant 0 : i32
    %add3A_12 = arith.addi %mul3A_10, %add3A_11 : i32
    "tpu.region"() ({
      %run_scoped3A = tpu.sem_alloc : memref<!tpu.dma_semaphore, #tpu.memory_space<semaphore_mem>>
      %dma_start3A_266 = arith.constant 0 : i32
      %dma_start3A_267 = tpu.memref_slice %arg19[%add3A_12, %dma_start3A_266] : memref<10240x128xf32, #tpu.memory_space<vmem_shared>> -> memref<40x128xf32, #tpu.memory_space<vmem_shared>>
      %dma_start3A_268 = arith.constant 0 : i32
      %dma_start3A_269 = tpu.memref_slice %arg19[%add3A_12, %dma_start3A_268] : memref<10240x128xf32, #tpu.memory_space<vmem_shared>> -> memref<40x128xf32, #tpu.memory_space<vmem_shared>>
      tpu.enqueue_dma source(%arg18 : memref<40x128xf32, #tpu.memory_space<vmem>>) target(%dma_start3A_269 : memref<40x128xf32, #tpu.memory_space<vmem_shared>>) target_semaphore(%run_scoped3A : memref<!tpu.dma_semaphore, #tpu.memory_space<semaphore_mem>>)
      %dma_wait3A = arith.constant 0 : i32
      %dma_wait3A_270 = tpu.memref_slice %arg19[%add3A_12, %dma_wait3A] : memref<10240x128xf32, #tpu.memory_space<vmem_shared>> -> memref<40x128xf32, #tpu.memory_space<vmem_shared>>
      %dma_wait3A_271 = arith.constant 0 : i32
      %dma_wait3A_272 = tpu.memref_slice %arg19[%add3A_12, %dma_wait3A_271] : memref<10240x128xf32, #tpu.memory_space<vmem_shared>> -> memref<40x128xf32, #tpu.memory_space<vmem_shared>>
      tpu.wait_dma2 semaphore(%run_scoped3A : memref<!tpu.dma_semaphore, #tpu.memory_space<semaphore_mem>>) src(%arg18 : memref<40x128xf32, #tpu.memory_space<vmem>>) dst(%dma_wait3A_272 : memref<40x128xf32, #tpu.memory_space<vmem_shared>>)
      tpu.yield
    }) : () -> ()
    %mul3A_13 = arith.constant 640 : i32
    %mul3A_14 = arith.muli %arg1, %mul3A_13 : i32
    %add3A_15 = arith.constant 40 : i32
    %add3A_16 = arith.addi %mul3A_14, %add3A_15 : i32
    "tpu.region"() ({
      %run_scoped3A = tpu.sem_alloc : memref<!tpu.dma_semaphore, #tpu.memory_space<semaphore_mem>>
      %dma_start3A_266 = arith.constant 0 : i32
      %dma_start3A_267 = tpu.memref_slice %arg19[%add3A_16, %dma_start3A_266] : memref<10240x128xf32, #tpu.memory_space<vmem_shared>> -> memref<40x128xf32, #tpu.memory_space<vmem_shared>>
      %dma_start3A_268 = arith.constant 0 : i32
      %dma_start3A_269 = tpu.memref_slice %arg19[%add3A_16, %dma_start3A_268] : memref<10240x128xf32, #tpu.memory_space<vmem_shared>> -> memref<40x128xf32, #tpu.memory_space<vmem_shared>>
      tpu.enqueue_dma source(%arg18 : memref<40x128xf32, #tpu.memory_space<vmem>>) target(%dma_start3A_269 : memref<40x128xf32, #tpu.memory_space<vmem_shared>>) target_semaphore(%run_scoped3A : memref<!tpu.dma_semaphore, #tpu.memory_space<semaphore_mem>>)
      %dma_wait3A = arith.constant 0 : i32
      %dma_wait3A_270 = tpu.memref_slice %arg19[%add3A_16, %dma_wait3A] : memref<10240x128xf32, #tpu.memory_space<vmem_shared>> -> memref<40x128xf32, #tpu.memory_space<vmem_shared>>
      %dma_wait3A_271 = arith.constant 0 : i32
      %dma_wait3A_272 = tpu.memref_slice %arg19[%add3A_16, %dma_wait3A_271] : memref<10240x128xf32, #tpu.memory_space<vmem_shared>> -> memref<40x128xf32, #tpu.memory_space<vmem_shared>>
      tpu.wait_dma2 semaphore(%run_scoped3A : memref<!tpu.dma_semaphore, #tpu.memory_space<semaphore_mem>>) src(%arg18 : memref<40x128xf32, #tpu.memory_space<vmem>>) dst(%dma_wait3A_272 : memref<40x128xf32, #tpu.memory_space<vmem_shared>>)
      tpu.yield
    }) : () -> ()
    %mul3A_17 = arith.constant 640 : i32
    %mul3A_18 = arith.muli %arg1, %mul3A_17 : i32
    %add3A_19 = arith.constant 80 : i32
    %add3A_20 = arith.addi %mul3A_18, %add3A_19 : i32
    "tpu.region"() ({
      %run_scoped3A = tpu.sem_alloc : memref<!tpu.dma_semaphore, #tpu.memory_space<semaphore_mem>>
      %dma_start3A_266 = arith.constant 0 : i32
      %dma_start3A_267 = tpu.memref_slice %arg19[%add3A_20, %dma_start3A_266] : memref<10240x128xf32, #tpu.memory_space<vmem_shared>> -> memref<40x128xf32, #tpu.memory_space<vmem_shared>>
      %dma_start3A_268 = arith.constant 0 : i32
      %dma_start3A_269 = tpu.memref_slice %arg19[%add3A_20, %dma_start3A_268] : memref<10240x128xf32, #tpu.memory_space<vmem_shared>> -> memref<40x128xf32, #tpu.memory_space<vmem_shared>>
      tpu.enqueue_dma source(%arg18 : memref<40x128xf32, #tpu.memory_space<vmem>>) target(%dma_start3A_269 : memref<40x128xf32, #tpu.memory_space<vmem_shared>>) target_semaphore(%run_scoped3A : memref<!tpu.dma_semaphore, #tpu.memory_space<semaphore_mem>>)
      %dma_wait3A = arith.constant 0 : i32
      %dma_wait3A_270 = tpu.memref_slice %arg19[%add3A_20, %dma_wait3A] : memref<10240x128xf32, #tpu.memory_space<vmem_shared>> -> memref<40x128xf32, #tpu.memory_space<vmem_shared>>
      %dma_wait3A_271 = arith.constant 0 : i32
      %dma_wait3A_272 = tpu.memref_slice %arg19[%add3A_20, %dma_wait3A_271] : memref<10240x128xf32, #tpu.memory_space<vmem_shared>> -> memref<40x128xf32, #tpu.memory_space<vmem_shared>>
      tpu.wait_dma2 semaphore(%run_scoped3A : memref<!tpu.dma_semaphore, #tpu.memory_space<semaphore_mem>>) src(%arg18 : memref<40x128xf32, #tpu.memory_space<vmem>>) dst(%dma_wait3A_272 : memref<40x128xf32, #tpu.memory_space<vmem_shared>>)
      tpu.yield
    }) : () -> ()
    %mul3A_21 = arith.constant 640 : i32
    %mul3A_22 = arith.muli %arg1, %mul3A_21 : i32
    %add3A_23 = arith.constant 120 : i32
    %add3A_24 = arith.addi %mul3A_22, %add3A_23 : i32
    "tpu.region"() ({
      %run_scoped3A = tpu.sem_alloc : memref<!tpu.dma_semaphore, #tpu.memory_space<semaphore_mem>>
      %dma_start3A_266 = arith.constant 0 : i32
      %dma_start3A_267 = tpu.memref_slice %arg19[%add3A_24, %dma_start3A_266] : memref<10240x128xf32, #tpu.memory_space<vmem_shared>> -> memref<40x128xf32, #tpu.memory_space<vmem_shared>>
      %dma_start3A_268 = arith.constant 0 : i32
      %dma_start3A_269 = tpu.memref_slice %arg19[%add3A_24, %dma_start3A_268] : memref<10240x128xf32, #tpu.memory_space<vmem_shared>> -> memref<40x128xf32, #tpu.memory_space<vmem_shared>>
      tpu.enqueue_dma source(%arg18 : memref<40x128xf32, #tpu.memory_space<vmem>>) target(%dma_start3A_269 : memref<40x128xf32, #tpu.memory_space<vmem_shared>>) target_semaphore(%run_scoped3A : memref<!tpu.dma_semaphore, #tpu.memory_space<semaphore_mem>>)
      %dma_wait3A = arith.constant 0 : i32
      %dma_wait3A_270 = tpu.memref_slice %arg19[%add3A_24, %dma_wait3A] : memref<10240x128xf32, #tpu.memory_space<vmem_shared>> -> memref<40x128xf32, #tpu.memory_space<vmem_shared>>
      %dma_wait3A_271 = arith.constant 0 : i32
      %dma_wait3A_272 = tpu.memref_slice %arg19[%add3A_24, %dma_wait3A_271] : memref<10240x128xf32, #tpu.memory_space<vmem_shared>> -> memref<40x128xf32, #tpu.memory_space<vmem_shared>>
      tpu.wait_dma2 semaphore(%run_scoped3A : memref<!tpu.dma_semaphore, #tpu.memory_space<semaphore_mem>>) src(%arg18 : memref<40x128xf32, #tpu.memory_space<vmem>>) dst(%dma_wait3A_272 : memref<40x128xf32, #tpu.memory_space<vmem_shared>>)
      tpu.yield
    }) : () -> ()
    %mul3A_25 = arith.constant 640 : i32
    %mul3A_26 = arith.muli %arg1, %mul3A_25 : i32
    %add3A_27 = arith.constant 160 : i32
    %add3A_28 = arith.addi %mul3A_26, %add3A_27 : i32
    "tpu.region"() ({
      %run_scoped3A = tpu.sem_alloc : memref<!tpu.dma_semaphore, #tpu.memory_space<semaphore_mem>>
      %dma_start3A_266 = arith.constant 0 : i32
      %dma_start3A_267 = tpu.memref_slice %arg19[%add3A_28, %dma_start3A_266] : memref<10240x128xf32, #tpu.memory_space<vmem_shared>> -> memref<40x128xf32, #tpu.memory_space<vmem_shared>>
      %dma_start3A_268 = arith.constant 0 : i32
      %dma_start3A_269 = tpu.memref_slice %arg19[%add3A_28, %dma_start3A_268] : memref<10240x128xf32, #tpu.memory_space<vmem_shared>> -> memref<40x128xf32, #tpu.memory_space<vmem_shared>>
      tpu.enqueue_dma source(%arg18 : memref<40x128xf32, #tpu.memory_space<vmem>>) target(%dma_start3A_269 : memref<40x128xf32, #tpu.memory_space<vmem_shared>>) target_semaphore(%run_scoped3A : memref<!tpu.dma_semaphore, #tpu.memory_space<semaphore_mem>>)
      %dma_wait3A = arith.constant 0 : i32
      %dma_wait3A_270 = tpu.memref_slice %arg19[%add3A_28, %dma_wait3A] : memref<10240x128xf32, #tpu.memory_space<vmem_shared>> -> memref<40x128xf32, #tpu.memory_space<vmem_shared>>
      %dma_wait3A_271 = arith.constant 0 : i32
      %dma_wait3A_272 = tpu.memref_slice %arg19[%add3A_28, %dma_wait3A_271] : memref<10240x128xf32, #tpu.memory_space<vmem_shared>> -> memref<40x128xf32, #tpu.memory_space<vmem_shared>>
      tpu.wait_dma2 semaphore(%run_scoped3A : memref<!tpu.dma_semaphore, #tpu.memory_space<semaphore_mem>>) src(%arg18 : memref<40x128xf32, #tpu.memory_space<vmem>>) dst(%dma_wait3A_272 : memref<40x128xf32, #tpu.memory_space<vmem_shared>>)
      tpu.yield
    }) : () -> ()
    %mul3A_29 = arith.constant 640 : i32
    %mul3A_30 = arith.muli %arg1, %mul3A_29 : i32
    %add3A_31 = arith.constant 200 : i32
    %add3A_32 = arith.addi %mul3A_30, %add3A_31 : i32
    "tpu.region"() ({
      %run_scoped3A = tpu.sem_alloc : memref<!tpu.dma_semaphore, #tpu.memory_space<semaphore_mem>>
      %dma_start3A_266 = arith.constant 0 : i32
      %dma_start3A_267 = tpu.memref_slice %arg19[%add3A_32, %dma_start3A_266] : memref<10240x128xf32, #tpu.memory_space<vmem_shared>> -> memref<40x128xf32, #tpu.memory_space<vmem_shared>>
      %dma_start3A_268 = arith.constant 0 : i32
      %dma_start3A_269 = tpu.memref_slice %arg19[%add3A_32, %dma_start3A_268] : memref<10240x128xf32, #tpu.memory_space<vmem_shared>> -> memref<40x128xf32, #tpu.memory_space<vmem_shared>>
      tpu.enqueue_dma source(%arg18 : memref<40x128xf32, #tpu.memory_space<vmem>>) target(%dma_start3A_269 : memref<40x128xf32, #tpu.memory_space<vmem_shared>>) target_semaphore(%run_scoped3A : memref<!tpu.dma_semaphore, #tpu.memory_space<semaphore_mem>>)
      %dma_wait3A = arith.constant 0 : i32
      %dma_wait3A_270 = tpu.memref_slice %arg19[%add3A_32, %dma_wait3A] : memref<10240x128xf32, #tpu.memory_space<vmem_shared>> -> memref<40x128xf32, #tpu.memory_space<vmem_shared>>
      %dma_wait3A_271 = arith.constant 0 : i32
      %dma_wait3A_272 = tpu.memref_slice %arg19[%add3A_32, %dma_wait3A_271] : memref<10240x128xf32, #tpu.memory_space<vmem_shared>> -> memref<40x128xf32, #tpu.memory_space<vmem_shared>>
      tpu.wait_dma2 semaphore(%run_scoped3A : memref<!tpu.dma_semaphore, #tpu.memory_space<semaphore_mem>>) src(%arg18 : memref<40x128xf32, #tpu.memory_space<vmem>>) dst(%dma_wait3A_272 : memref<40x128xf32, #tpu.memory_space<vmem_shared>>)
      tpu.yield
    }) : () -> ()
    %mul3A_33 = arith.constant 640 : i32
    %mul3A_34 = arith.muli %arg1, %mul3A_33 : i32
    %add3A_35 = arith.constant 240 : i32
    %add3A_36 = arith.addi %mul3A_34, %add3A_35 : i32
    "tpu.region"() ({
      %run_scoped3A = tpu.sem_alloc : memref<!tpu.dma_semaphore, #tpu.memory_space<semaphore_mem>>
      %dma_start3A_266 = arith.constant 0 : i32
      %dma_start3A_267 = tpu.memref_slice %arg19[%add3A_36, %dma_start3A_266] : memref<10240x128xf32, #tpu.memory_space<vmem_shared>> -> memref<40x128xf32, #tpu.memory_space<vmem_shared>>
      %dma_start3A_268 = arith.constant 0 : i32
      %dma_start3A_269 = tpu.memref_slice %arg19[%add3A_36, %dma_start3A_268] : memref<10240x128xf32, #tpu.memory_space<vmem_shared>> -> memref<40x128xf32, #tpu.memory_space<vmem_shared>>
      tpu.enqueue_dma source(%arg18 : memref<40x128xf32, #tpu.memory_space<vmem>>) target(%dma_start3A_269 : memref<40x128xf32, #tpu.memory_space<vmem_shared>>) target_semaphore(%run_scoped3A : memref<!tpu.dma_semaphore, #tpu.memory_space<semaphore_mem>>)
      %dma_wait3A = arith.constant 0 : i32
      %dma_wait3A_270 = tpu.memref_slice %arg19[%add3A_36, %dma_wait3A] : memref<10240x128xf32, #tpu.memory_space<vmem_shared>> -> memref<40x128xf32, #tpu.memory_space<vmem_shared>>
      %dma_wait3A_271 = arith.constant 0 : i32
      %dma_wait3A_272 = tpu.memref_slice %arg19[%add3A_36, %dma_wait3A_271] : memref<10240x128xf32, #tpu.memory_space<vmem_shared>> -> memref<40x128xf32, #tpu.memory_space<vmem_shared>>
      tpu.wait_dma2 semaphore(%run_scoped3A : memref<!tpu.dma_semaphore, #tpu.memory_space<semaphore_mem>>) src(%arg18 : memref<40x128xf32, #tpu.memory_space<vmem>>) dst(%dma_wait3A_272 : memref<40x128xf32, #tpu.memory_space<vmem_shared>>)
      tpu.yield
    }) : () -> ()
    %mul3A_37 = arith.constant 640 : i32
    %mul3A_38 = arith.muli %arg1, %mul3A_37 : i32
    %add3A_39 = arith.constant 280 : i32
    %add3A_40 = arith.addi %mul3A_38, %add3A_39 : i32
    "tpu.region"() ({
      %run_scoped3A = tpu.sem_alloc : memref<!tpu.dma_semaphore, #tpu.memory_space<semaphore_mem>>
      %dma_start3A_266 = arith.constant 0 : i32
      %dma_start3A_267 = tpu.memref_slice %arg19[%add3A_40, %dma_start3A_266] : memref<10240x128xf32, #tpu.memory_space<vmem_shared>> -> memref<40x128xf32, #tpu.memory_space<vmem_shared>>
      %dma_start3A_268 = arith.constant 0 : i32
      %dma_start3A_269 = tpu.memref_slice %arg19[%add3A_40, %dma_start3A_268] : memref<10240x128xf32, #tpu.memory_space<vmem_shared>> -> memref<40x128xf32, #tpu.memory_space<vmem_shared>>
      tpu.enqueue_dma source(%arg18 : memref<40x128xf32, #tpu.memory_space<vmem>>) target(%dma_start3A_269 : memref<40x128xf32, #tpu.memory_space<vmem_shared>>) target_semaphore(%run_scoped3A : memref<!tpu.dma_semaphore, #tpu.memory_space<semaphore_mem>>)
      %dma_wait3A = arith.constant 0 : i32
      %dma_wait3A_270 = tpu.memref_slice %arg19[%add3A_40, %dma_wait3A] : memref<10240x128xf32, #tpu.memory_space<vmem_shared>> -> memref<40x128xf32, #tpu.memory_space<vmem_shared>>
      %dma_wait3A_271 = arith.constant 0 : i32
      %dma_wait3A_272 = tpu.memref_slice %arg19[%add3A_40, %dma_wait3A_271] : memref<10240x128xf32, #tpu.memory_space<vmem_shared>> -> memref<40x128xf32, #tpu.memory_space<vmem_shared>>
      tpu.wait_dma2 semaphore(%run_scoped3A : memref<!tpu.dma_semaphore, #tpu.memory_space<semaphore_mem>>) src(%arg18 : memref<40x128xf32, #tpu.memory_space<vmem>>) dst(%dma_wait3A_272 : memref<40x128xf32, #tpu.memory_space<vmem_shared>>)
      tpu.yield
    }) : () -> ()
    %mul3A_41 = arith.constant 640 : i32
    %mul3A_42 = arith.muli %arg1, %mul3A_41 : i32
    %add3A_43 = arith.constant 320 : i32
    %add3A_44 = arith.addi %mul3A_42, %add3A_43 : i32
    "tpu.region"() ({
      %run_scoped3A = tpu.sem_alloc : memref<!tpu.dma_semaphore, #tpu.memory_space<semaphore_mem>>
      %dma_start3A_266 = arith.constant 0 : i32
      %dma_start3A_267 = tpu.memref_slice %arg19[%add3A_44, %dma_start3A_266] : memref<10240x128xf32, #tpu.memory_space<vmem_shared>> -> memref<40x128xf32, #tpu.memory_space<vmem_shared>>
      %dma_start3A_268 = arith.constant 0 : i32
      %dma_start3A_269 = tpu.memref_slice %arg19[%add3A_44, %dma_start3A_268] : memref<10240x128xf32, #tpu.memory_space<vmem_shared>> -> memref<40x128xf32, #tpu.memory_space<vmem_shared>>
      tpu.enqueue_dma source(%arg18 : memref<40x128xf32, #tpu.memory_space<vmem>>) target(%dma_start3A_269 : memref<40x128xf32, #tpu.memory_space<vmem_shared>>) target_semaphore(%run_scoped3A : memref<!tpu.dma_semaphore, #tpu.memory_space<semaphore_mem>>)
      %dma_wait3A = arith.constant 0 : i32
      %dma_wait3A_270 = tpu.memref_slice %arg19[%add3A_44, %dma_wait3A] : memref<10240x128xf32, #tpu.memory_space<vmem_shared>> -> memref<40x128xf32, #tpu.memory_space<vmem_shared>>
      %dma_wait3A_271 = arith.constant 0 : i32
      %dma_wait3A_272 = tpu.memref_slice %arg19[%add3A_44, %dma_wait3A_271] : memref<10240x128xf32, #tpu.memory_space<vmem_shared>> -> memref<40x128xf32, #tpu.memory_space<vmem_shared>>
      tpu.wait_dma2 semaphore(%run_scoped3A : memref<!tpu.dma_semaphore, #tpu.memory_space<semaphore_mem>>) src(%arg18 : memref<40x128xf32, #tpu.memory_space<vmem>>) dst(%dma_wait3A_272 : memref<40x128xf32, #tpu.memory_space<vmem_shared>>)
      tpu.yield
    }) : () -> ()
    %mul3A_45 = arith.constant 640 : i32
    %mul3A_46 = arith.muli %arg1, %mul3A_45 : i32
    %add3A_47 = arith.constant 360 : i32
    %add3A_48 = arith.addi %mul3A_46, %add3A_47 : i32
    "tpu.region"() ({
      %run_scoped3A = tpu.sem_alloc : memref<!tpu.dma_semaphore, #tpu.memory_space<semaphore_mem>>
      %dma_start3A_266 = arith.constant 0 : i32
      %dma_start3A_267 = tpu.memref_slice %arg19[%add3A_48, %dma_start3A_266] : memref<10240x128xf32, #tpu.memory_space<vmem_shared>> -> memref<40x128xf32, #tpu.memory_space<vmem_shared>>
      %dma_start3A_268 = arith.constant 0 : i32
      %dma_start3A_269 = tpu.memref_slice %arg19[%add3A_48, %dma_start3A_268] : memref<10240x128xf32, #tpu.memory_space<vmem_shared>> -> memref<40x128xf32, #tpu.memory_space<vmem_shared>>
      tpu.enqueue_dma source(%arg18 : memref<40x128xf32, #tpu.memory_space<vmem>>) target(%dma_start3A_269 : memref<40x128xf32, #tpu.memory_space<vmem_shared>>) target_semaphore(%run_scoped3A : memref<!tpu.dma_semaphore, #tpu.memory_space<semaphore_mem>>)
      %dma_wait3A = arith.constant 0 : i32
      %dma_wait3A_270 = tpu.memref_slice %arg19[%add3A_48, %dma_wait3A] : memref<10240x128xf32, #tpu.memory_space<vmem_shared>> -> memref<40x128xf32, #tpu.memory_space<vmem_shared>>
      %dma_wait3A_271 = arith.constant 0 : i32
      %dma_wait3A_272 = tpu.memref_slice %arg19[%add3A_48, %dma_wait3A_271] : memref<10240x128xf32, #tpu.memory_space<vmem_shared>> -> memref<40x128xf32, #tpu.memory_space<vmem_shared>>
      tpu.wait_dma2 semaphore(%run_scoped3A : memref<!tpu.dma_semaphore, #tpu.memory_space<semaphore_mem>>) src(%arg18 : memref<40x128xf32, #tpu.memory_space<vmem>>) dst(%dma_wait3A_272 : memref<40x128xf32, #tpu.memory_space<vmem_shared>>)
      tpu.yield
    }) : () -> ()
    %mul3A_49 = arith.constant 640 : i32
    %mul3A_50 = arith.muli %arg1, %mul3A_49 : i32
    %add3A_51 = arith.constant 400 : i32
    %add3A_52 = arith.addi %mul3A_50, %add3A_51 : i32
    "tpu.region"() ({
      %run_scoped3A = tpu.sem_alloc : memref<!tpu.dma_semaphore, #tpu.memory_space<semaphore_mem>>
      %dma_start3A_266 = arith.constant 0 : i32
      %dma_start3A_267 = tpu.memref_slice %arg19[%add3A_52, %dma_start3A_266] : memref<10240x128xf32, #tpu.memory_space<vmem_shared>> -> memref<40x128xf32, #tpu.memory_space<vmem_shared>>
      %dma_start3A_268 = arith.constant 0 : i32
      %dma_start3A_269 = tpu.memref_slice %arg19[%add3A_52, %dma_start3A_268] : memref<10240x128xf32, #tpu.memory_space<vmem_shared>> -> memref<40x128xf32, #tpu.memory_space<vmem_shared>>
      tpu.enqueue_dma source(%arg18 : memref<40x128xf32, #tpu.memory_space<vmem>>) target(%dma_start3A_269 : memref<40x128xf32, #tpu.memory_space<vmem_shared>>) target_semaphore(%run_scoped3A : memref<!tpu.dma_semaphore, #tpu.memory_space<semaphore_mem>>)
      %dma_wait3A = arith.constant 0 : i32
      %dma_wait3A_270 = tpu.memref_slice %arg19[%add3A_52, %dma_wait3A] : memref<10240x128xf32, #tpu.memory_space<vmem_shared>> -> memref<40x128xf32, #tpu.memory_space<vmem_shared>>
      %dma_wait3A_271 = arith.constant 0 : i32
      %dma_wait3A_272 = tpu.memref_slice %arg19[%add3A_52, %dma_wait3A_271] : memref<10240x128xf32, #tpu.memory_space<vmem_shared>> -> memref<40x128xf32, #tpu.memory_space<vmem_shared>>
      tpu.wait_dma2 semaphore(%run_scoped3A : memref<!tpu.dma_semaphore, #tpu.memory_space<semaphore_mem>>) src(%arg18 : memref<40x128xf32, #tpu.memory_space<vmem>>) dst(%dma_wait3A_272 : memref<40x128xf32, #tpu.memory_space<vmem_shared>>)
      tpu.yield
    }) : () -> ()
    %mul3A_53 = arith.constant 640 : i32
    %mul3A_54 = arith.muli %arg1, %mul3A_53 : i32
    %add3A_55 = arith.constant 440 : i32
    %add3A_56 = arith.addi %mul3A_54, %add3A_55 : i32
    "tpu.region"() ({
      %run_scoped3A = tpu.sem_alloc : memref<!tpu.dma_semaphore, #tpu.memory_space<semaphore_mem>>
      %dma_start3A_266 = arith.constant 0 : i32
      %dma_start3A_267 = tpu.memref_slice %arg19[%add3A_56, %dma_start3A_266] : memref<10240x128xf32, #tpu.memory_space<vmem_shared>> -> memref<40x128xf32, #tpu.memory_space<vmem_shared>>
      %dma_start3A_268 = arith.constant 0 : i32
      %dma_start3A_269 = tpu.memref_slice %arg19[%add3A_56, %dma_start3A_268] : memref<10240x128xf32, #tpu.memory_space<vmem_shared>> -> memref<40x128xf32, #tpu.memory_space<vmem_shared>>
      tpu.enqueue_dma source(%arg18 : memref<40x128xf32, #tpu.memory_space<vmem>>) target(%dma_start3A_269 : memref<40x128xf32, #tpu.memory_space<vmem_shared>>) target_semaphore(%run_scoped3A : memref<!tpu.dma_semaphore, #tpu.memory_space<semaphore_mem>>)
      %dma_wait3A = arith.constant 0 : i32
      %dma_wait3A_270 = tpu.memref_slice %arg19[%add3A_56, %dma_wait3A] : memref<10240x128xf32, #tpu.memory_space<vmem_shared>> -> memref<40x128xf32, #tpu.memory_space<vmem_shared>>
      %dma_wait3A_271 = arith.constant 0 : i32
      %dma_wait3A_272 = tpu.memref_slice %arg19[%add3A_56, %dma_wait3A_271] : memref<10240x128xf32, #tpu.memory_space<vmem_shared>> -> memref<40x128xf32, #tpu.memory_space<vmem_shared>>
      tpu.wait_dma2 semaphore(%run_scoped3A : memref<!tpu.dma_semaphore, #tpu.memory_space<semaphore_mem>>) src(%arg18 : memref<40x128xf32, #tpu.memory_space<vmem>>) dst(%dma_wait3A_272 : memref<40x128xf32, #tpu.memory_space<vmem_shared>>)
      tpu.yield
    }) : () -> ()
    %mul3A_57 = arith.constant 640 : i32
    %mul3A_58 = arith.muli %arg1, %mul3A_57 : i32
    %add3A_59 = arith.constant 480 : i32
    %add3A_60 = arith.addi %mul3A_58, %add3A_59 : i32
    "tpu.region"() ({
      %run_scoped3A = tpu.sem_alloc : memref<!tpu.dma_semaphore, #tpu.memory_space<semaphore_mem>>
      %dma_start3A_266 = arith.constant 0 : i32
      %dma_start3A_267 = tpu.memref_slice %arg19[%add3A_60, %dma_start3A_266] : memref<10240x128xf32, #tpu.memory_space<vmem_shared>> -> memref<40x128xf32, #tpu.memory_space<vmem_shared>>
      %dma_start3A_268 = arith.constant 0 : i32
      %dma_start3A_269 = tpu.memref_slice %arg19[%add3A_60, %dma_start3A_268] : memref<10240x128xf32, #tpu.memory_space<vmem_shared>> -> memref<40x128xf32, #tpu.memory_space<vmem_shared>>
      tpu.enqueue_dma source(%arg18 : memref<40x128xf32, #tpu.memory_space<vmem>>) target(%dma_start3A_269 : memref<40x128xf32, #tpu.memory_space<vmem_shared>>) target_semaphore(%run_scoped3A : memref<!tpu.dma_semaphore, #tpu.memory_space<semaphore_mem>>)
      %dma_wait3A = arith.constant 0 : i32
      %dma_wait3A_270 = tpu.memref_slice %arg19[%add3A_60, %dma_wait3A] : memref<10240x128xf32, #tpu.memory_space<vmem_shared>> -> memref<40x128xf32, #tpu.memory_space<vmem_shared>>
      %dma_wait3A_271 = arith.constant 0 : i32
      %dma_wait3A_272 = tpu.memref_slice %arg19[%add3A_60, %dma_wait3A_271] : memref<10240x128xf32, #tpu.memory_space<vmem_shared>> -> memref<40x128xf32, #tpu.memory_space<vmem_shared>>
      tpu.wait_dma2 semaphore(%run_scoped3A : memref<!tpu.dma_semaphore, #tpu.memory_space<semaphore_mem>>) src(%arg18 : memref<40x128xf32, #tpu.memory_space<vmem>>) dst(%dma_wait3A_272 : memref<40x128xf32, #tpu.memory_space<vmem_shared>>)
      tpu.yield
    }) : () -> ()
    %mul3A_61 = arith.constant 640 : i32
    %mul3A_62 = arith.muli %arg1, %mul3A_61 : i32
    %add3A_63 = arith.constant 520 : i32
    %add3A_64 = arith.addi %mul3A_62, %add3A_63 : i32
    "tpu.region"() ({
      %run_scoped3A = tpu.sem_alloc : memref<!tpu.dma_semaphore, #tpu.memory_space<semaphore_mem>>
      %dma_start3A_266 = arith.constant 0 : i32
      %dma_start3A_267 = tpu.memref_slice %arg19[%add3A_64, %dma_start3A_266] : memref<10240x128xf32, #tpu.memory_space<vmem_shared>> -> memref<40x128xf32, #tpu.memory_space<vmem_shared>>
      %dma_start3A_268 = arith.constant 0 : i32
      %dma_start3A_269 = tpu.memref_slice %arg19[%add3A_64, %dma_start3A_268] : memref<10240x128xf32, #tpu.memory_space<vmem_shared>> -> memref<40x128xf32, #tpu.memory_space<vmem_shared>>
      tpu.enqueue_dma source(%arg18 : memref<40x128xf32, #tpu.memory_space<vmem>>) target(%dma_start3A_269 : memref<40x128xf32, #tpu.memory_space<vmem_shared>>) target_semaphore(%run_scoped3A : memref<!tpu.dma_semaphore, #tpu.memory_space<semaphore_mem>>)
      %dma_wait3A = arith.constant 0 : i32
      %dma_wait3A_270 = tpu.memref_slice %arg19[%add3A_64, %dma_wait3A] : memref<10240x128xf32, #tpu.memory_space<vmem_shared>> -> memref<40x128xf32, #tpu.memory_space<vmem_shared>>
      %dma_wait3A_271 = arith.constant 0 : i32
      %dma_wait3A_272 = tpu.memref_slice %arg19[%add3A_64, %dma_wait3A_271] : memref<10240x128xf32, #tpu.memory_space<vmem_shared>> -> memref<40x128xf32, #tpu.memory_space<vmem_shared>>
      tpu.wait_dma2 semaphore(%run_scoped3A : memref<!tpu.dma_semaphore, #tpu.memory_space<semaphore_mem>>) src(%arg18 : memref<40x128xf32, #tpu.memory_space<vmem>>) dst(%dma_wait3A_272 : memref<40x128xf32, #tpu.memory_space<vmem_shared>>)
      tpu.yield
    }) : () -> ()
    %mul3A_65 = arith.constant 640 : i32
    %mul3A_66 = arith.muli %arg1, %mul3A_65 : i32
    %add3A_67 = arith.constant 560 : i32
    %add3A_68 = arith.addi %mul3A_66, %add3A_67 : i32
    "tpu.region"() ({
      %run_scoped3A = tpu.sem_alloc : memref<!tpu.dma_semaphore, #tpu.memory_space<semaphore_mem>>
      %dma_start3A_266 = arith.constant 0 : i32
      %dma_start3A_267 = tpu.memref_slice %arg19[%add3A_68, %dma_start3A_266] : memref<10240x128xf32, #tpu.memory_space<vmem_shared>> -> memref<40x128xf32, #tpu.memory_space<vmem_shared>>
      %dma_start3A_268 = arith.constant 0 : i32
      %dma_start3A_269 = tpu.memref_slice %arg19[%add3A_68, %dma_start3A_268] : memref<10240x128xf32, #tpu.memory_space<vmem_shared>> -> memref<40x128xf32, #tpu.memory_space<vmem_shared>>
      tpu.enqueue_dma source(%arg18 : memref<40x128xf32, #tpu.memory_space<vmem>>) target(%dma_start3A_269 : memref<40x128xf32, #tpu.memory_space<vmem_shared>>) target_semaphore(%run_scoped3A : memref<!tpu.dma_semaphore, #tpu.memory_space<semaphore_mem>>)
      %dma_wait3A = arith.constant 0 : i32
      %dma_wait3A_270 = tpu.memref_slice %arg19[%add3A_68, %dma_wait3A] : memref<10240x128xf32, #tpu.memory_space<vmem_shared>> -> memref<40x128xf32, #tpu.memory_space<vmem_shared>>
      %dma_wait3A_271 = arith.constant 0 : i32
      %dma_wait3A_272 = tpu.memref_slice %arg19[%add3A_68, %dma_wait3A_271] : memref<10240x128xf32, #tpu.memory_space<vmem_shared>> -> memref<40x128xf32, #tpu.memory_space<vmem_shared>>
      tpu.wait_dma2 semaphore(%run_scoped3A : memref<!tpu.dma_semaphore, #tpu.memory_space<semaphore_mem>>) src(%arg18 : memref<40x128xf32, #tpu.memory_space<vmem>>) dst(%dma_wait3A_272 : memref<40x128xf32, #tpu.memory_space<vmem_shared>>)
      tpu.yield
    }) : () -> ()
    %mul3A_69 = arith.constant 640 : i32
    %mul3A_70 = arith.muli %arg1, %mul3A_69 : i32
    %add3A_71 = arith.constant 600 : i32
    %add3A_72 = arith.addi %mul3A_70, %add3A_71 : i32
    "tpu.region"() ({
      %run_scoped3A = tpu.sem_alloc : memref<!tpu.dma_semaphore, #tpu.memory_space<semaphore_mem>>
      %dma_start3A_266 = arith.constant 0 : i32
      %dma_start3A_267 = tpu.memref_slice %arg19[%add3A_72, %dma_start3A_266] : memref<10240x128xf32, #tpu.memory_space<vmem_shared>> -> memref<40x128xf32, #tpu.memory_space<vmem_shared>>
      %dma_start3A_268 = arith.constant 0 : i32
      %dma_start3A_269 = tpu.memref_slice %arg19[%add3A_72, %dma_start3A_268] : memref<10240x128xf32, #tpu.memory_space<vmem_shared>> -> memref<40x128xf32, #tpu.memory_space<vmem_shared>>
      tpu.enqueue_dma source(%arg18 : memref<40x128xf32, #tpu.memory_space<vmem>>) target(%dma_start3A_269 : memref<40x128xf32, #tpu.memory_space<vmem_shared>>) target_semaphore(%run_scoped3A : memref<!tpu.dma_semaphore, #tpu.memory_space<semaphore_mem>>)
      %dma_wait3A = arith.constant 0 : i32
      %dma_wait3A_270 = tpu.memref_slice %arg19[%add3A_72, %dma_wait3A] : memref<10240x128xf32, #tpu.memory_space<vmem_shared>> -> memref<40x128xf32, #tpu.memory_space<vmem_shared>>
      %dma_wait3A_271 = arith.constant 0 : i32
      %dma_wait3A_272 = tpu.memref_slice %arg19[%add3A_72, %dma_wait3A_271] : memref<10240x128xf32, #tpu.memory_space<vmem_shared>> -> memref<40x128xf32, #tpu.memory_space<vmem_shared>>
      tpu.wait_dma2 semaphore(%run_scoped3A : memref<!tpu.dma_semaphore, #tpu.memory_space<semaphore_mem>>) src(%arg18 : memref<40x128xf32, #tpu.memory_space<vmem>>) dst(%dma_wait3A_272 : memref<40x128xf32, #tpu.memory_space<vmem_shared>>)
      tpu.yield
    }) : () -> ()
    %barrier3A = arith.constant 0 : index
    tpu.barrier barrier_id(%barrier3A)
    "tpu.region"() ({
      %run_scoped3A = tpu.sem_alloc : memref<!tpu.dma_semaphore, #tpu.memory_space<semaphore_mem>>
      %dma_start3A_266 = tpu.memref_slice %arg2[%mul3A_2] : memref<320000xi32, #tpu.memory_space<hbm>> -> memref<40xi32, #tpu.memory_space<hbm>>
      %dma_start3A_267 = tpu.memref_slice %arg2[%mul3A_2] : memref<320000xi32, #tpu.memory_space<hbm>> -> memref<40xi32, #tpu.memory_space<hbm>>
      tpu.enqueue_dma source(%dma_start3A_267 : memref<40xi32, #tpu.memory_space<hbm>>) target(%arg8 : memref<40xi32, #tpu.memory_space<vmem>>) target_semaphore(%run_scoped3A : memref<!tpu.dma_semaphore, #tpu.memory_space<semaphore_mem>>)
      %dma_wait3A = tpu.memref_slice %arg2[%mul3A_2] : memref<320000xi32, #tpu.memory_space<hbm>> -> memref<40xi32, #tpu.memory_space<hbm>>
      %dma_wait3A_268 = tpu.memref_slice %arg2[%mul3A_2] : memref<320000xi32, #tpu.memory_space<hbm>> -> memref<40xi32, #tpu.memory_space<hbm>>
      tpu.wait_dma2 semaphore(%run_scoped3A : memref<!tpu.dma_semaphore, #tpu.memory_space<semaphore_mem>>) src(%dma_wait3A_268 : memref<40xi32, #tpu.memory_space<hbm>>) dst(%arg8 : memref<40xi32, #tpu.memory_space<vmem>>)
      tpu.yield
    }) : () -> ()
    "tpu.region"() ({
      %run_scoped3A = tpu.sem_alloc : memref<!tpu.dma_semaphore, #tpu.memory_space<semaphore_mem>>
      %dma_start3A_266 = tpu.memref_slice %arg3[%mul3A_2] : memref<320000xi32, #tpu.memory_space<hbm>> -> memref<40xi32, #tpu.memory_space<hbm>>
      %dma_start3A_267 = tpu.memref_slice %arg3[%mul3A_2] : memref<320000xi32, #tpu.memory_space<hbm>> -> memref<40xi32, #tpu.memory_space<hbm>>
      tpu.enqueue_dma source(%dma_start3A_267 : memref<40xi32, #tpu.memory_space<hbm>>) target(%arg10 : memref<40xi32, #tpu.memory_space<vmem>>) target_semaphore(%run_scoped3A : memref<!tpu.dma_semaphore, #tpu.memory_space<semaphore_mem>>)
      %dma_wait3A = tpu.memref_slice %arg3[%mul3A_2] : memref<320000xi32, #tpu.memory_space<hbm>> -> memref<40xi32, #tpu.memory_space<hbm>>
      %dma_wait3A_268 = tpu.memref_slice %arg3[%mul3A_2] : memref<320000xi32, #tpu.memory_space<hbm>> -> memref<40xi32, #tpu.memory_space<hbm>>
      tpu.wait_dma2 semaphore(%run_scoped3A : memref<!tpu.dma_semaphore, #tpu.memory_space<semaphore_mem>>) src(%dma_wait3A_268 : memref<40xi32, #tpu.memory_space<hbm>>) dst(%arg10 : memref<40xi32, #tpu.memory_space<vmem>>)
      tpu.yield
    }) : () -> ()
    %dma_start3A = arith.constant 0 : i32
    %dma_start3A_73 = arith.constant 0 : i32
    %dma_start3A_74 = tpu.memref_slice %arg6[%dma_start3A, %dma_start3A_73] : memref<10000x512xbf16, #tpu.memory_space<hbm>> -> memref<10000x512xbf16, #tpu.memory_space<hbm>>
    tpu.enqueue_indirect_dma source(%dma_start3A_74 : memref<10000x512xbf16, #tpu.memory_space<hbm>>) target(%arg12 : memref<40x512xbf16, #tpu.memory_space<vmem>>) offsets(%arg8 : memref<40xi32, #tpu.memory_space<vmem>>) semaphore(%arg20 : memref<!tpu.dma_semaphore, #tpu.memory_space<semaphore_mem>>)
    %dma_start3A_75 = arith.constant 0 : i32
    %dma_start3A_76 = arith.constant 0 : i32
    %dma_start3A_77 = tpu.memref_slice %arg5[%dma_start3A_75, %dma_start3A_76] : memref<10000x16xf32, #tpu.memory_space<hbm>> -> memref<10000x16xf32, #tpu.memory_space<hbm>>
    tpu.enqueue_indirect_dma source(%dma_start3A_77 : memref<10000x16xf32, #tpu.memory_space<hbm>>) target(%arg16 : memref<40x16xf32, #tpu.memory_space<vmem>>) offsets(%arg10 : memref<40xi32, #tpu.memory_space<vmem>>) semaphore(%arg22 : memref<!tpu.dma_semaphore, #tpu.memory_space<semaphore_mem>>)
    %dma_start3A_78 = arith.constant 0 : i32
    %dma_start3A_79 = tpu.memref_slice %arg4[%mul3A_2, %dma_start3A_78] : memref<320000x16xf32, #tpu.memory_space<hbm>> -> memref<40x16xf32, #tpu.memory_space<hbm>>
    %dma_start3A_80 = arith.constant 0 : i32
    %dma_start3A_81 = tpu.memref_slice %arg4[%mul3A_2, %dma_start3A_80] : memref<320000x16xf32, #tpu.memory_space<hbm>> -> memref<40x16xf32, #tpu.memory_space<hbm>>
    tpu.enqueue_dma source(%dma_start3A_81 : memref<40x16xf32, #tpu.memory_space<hbm>>) target(%arg14 : memref<40x16xf32, #tpu.memory_space<vmem>>) target_semaphore(%arg24 : memref<!tpu.dma_semaphore, #tpu.memory_space<semaphore_mem>>)
    %scan3A_82 = arith.constant 0 : i32
    %scan3A_83 = arith.constant 0 : i32
    %scan3A_84 = arith.constant 125 : i32
    %scan3A_85 = arith.addi %scan3A_83, %scan3A_84 : i32
    %scan3A_86 = arith.constant 1 : i32
    %scan3A_87 = scf.for %scan3A_266 = %scan3A_83 to %scan3A_85 step %scan3A_86 iter_args(%scan3A_267 = %scan3A_82) -> (i32)  : i32 {
      %mul3A_268 = arith.constant 2 : i32
      %mul3A_269 = arith.muli %scan3A_266, %mul3A_268 : i32
      %dma_wait3A = arith.constant 0 : i32
      %dma_wait3A_270 = arith.constant 0 : i32
      %dma_wait3A_271 = tpu.memref_slice %arg6[%dma_wait3A, %dma_wait3A_270] : memref<10000x512xbf16, #tpu.memory_space<hbm>> -> memref<10000x512xbf16, #tpu.memory_space<hbm>>
      tpu.wait_indirect_dma semaphore(%arg20 : memref<!tpu.dma_semaphore, #tpu.memory_space<semaphore_mem>>) src(%dma_wait3A_271 : memref<10000x512xbf16, #tpu.memory_space<hbm>>) dst(%arg12 : memref<40x512xbf16, #tpu.memory_space<vmem>>)
      %dma_wait3A_272 = arith.constant 0 : i32
      %dma_wait3A_273 = arith.constant 0 : i32
      %dma_wait3A_274 = tpu.memref_slice %arg5[%dma_wait3A_272, %dma_wait3A_273] : memref<10000x16xf32, #tpu.memory_space<hbm>> -> memref<10000x16xf32, #tpu.memory_space<hbm>>
      tpu.wait_indirect_dma semaphore(%arg22 : memref<!tpu.dma_semaphore, #tpu.memory_space<semaphore_mem>>) src(%dma_wait3A_274 : memref<10000x16xf32, #tpu.memory_space<hbm>>) dst(%arg16 : memref<40x16xf32, #tpu.memory_space<vmem>>)
      %dma_wait3A_275 = arith.constant 0 : i32
      %dma_wait3A_276 = arith.constant 0 : i32
      %dma_wait3A_277 = tpu.memref_slice %arg4[%dma_wait3A_275, %dma_wait3A_276] : memref<320000x16xf32, #tpu.memory_space<hbm>> -> memref<40x16xf32, #tpu.memory_space<hbm>>
      %dma_wait3A_278 = arith.constant 0 : i32
      %dma_wait3A_279 = arith.constant 0 : i32
      %dma_wait3A_280 = tpu.memref_slice %arg4[%dma_wait3A_278, %dma_wait3A_279] : memref<320000x16xf32, #tpu.memory_space<hbm>> -> memref<40x16xf32, #tpu.memory_space<hbm>>
      tpu.wait_dma2 semaphore(%arg24 : memref<!tpu.dma_semaphore, #tpu.memory_space<semaphore_mem>>) src(%dma_wait3A_280 : memref<40x16xf32, #tpu.memory_space<hbm>>) dst(%arg14 : memref<40x16xf32, #tpu.memory_space<vmem>>)
      %add3A_281 = arith.constant 1 : i32
      %add3A_282 = arith.addi %mul3A_269, %add3A_281 : i32
      %mul3A_283 = arith.constant 40 : i32
      %mul3A_284 = arith.muli %add3A_282, %mul3A_283 : i32
      %add3A_285 = arith.addi %mul3A_2, %mul3A_284 : i32
      "tpu.region"() ({
        %run_scoped3A = tpu.sem_alloc : memref<!tpu.dma_semaphore, #tpu.memory_space<semaphore_mem>>
        %dma_start3A_327 = tpu.memref_slice %arg2[%add3A_285] : memref<320000xi32, #tpu.memory_space<hbm>> -> memref<40xi32, #tpu.memory_space<hbm>>
        %dma_start3A_328 = tpu.memref_slice %arg2[%add3A_285] : memref<320000xi32, #tpu.memory_space<hbm>> -> memref<40xi32, #tpu.memory_space<hbm>>
        tpu.enqueue_dma source(%dma_start3A_328 : memref<40xi32, #tpu.memory_space<hbm>>) target(%arg9 : memref<40xi32, #tpu.memory_space<vmem>>) target_semaphore(%run_scoped3A : memref<!tpu.dma_semaphore, #tpu.memory_space<semaphore_mem>>)
        %dma_wait3A_329 = tpu.memref_slice %arg2[%add3A_285] : memref<320000xi32, #tpu.memory_space<hbm>> -> memref<40xi32, #tpu.memory_space<hbm>>
        %dma_wait3A_330 = tpu.memref_slice %arg2[%add3A_285] : memref<320000xi32, #tpu.memory_space<hbm>> -> memref<40xi32, #tpu.memory_space<hbm>>
        tpu.wait_dma2 semaphore(%run_scoped3A : memref<!tpu.dma_semaphore, #tpu.memory_space<semaphore_mem>>) src(%dma_wait3A_330 : memref<40xi32, #tpu.memory_space<hbm>>) dst(%arg9 : memref<40xi32, #tpu.memory_space<vmem>>)
        tpu.yield
      }) : () -> ()
      "tpu.region"() ({
        %run_scoped3A = tpu.sem_alloc : memref<!tpu.dma_semaphore, #tpu.memory_space<semaphore_mem>>
        %dma_start3A_327 = tpu.memref_slice %arg3[%add3A_285] : memref<320000xi32, #tpu.memory_space<hbm>> -> memref<40xi32, #tpu.memory_space<hbm>>
        %dma_start3A_328 = tpu.memref_slice %arg3[%add3A_285] : memref<320000xi32, #tpu.memory_space<hbm>> -> memref<40xi32, #tpu.memory_space<hbm>>
        tpu.enqueue_dma source(%dma_start3A_328 : memref<40xi32, #tpu.memory_space<hbm>>) target(%arg11 : memref<40xi32, #tpu.memory_space<vmem>>) target_semaphore(%run_scoped3A : memref<!tpu.dma_semaphore, #tpu.memory_space<semaphore_mem>>)
        %dma_wait3A_329 = tpu.memref_slice %arg3[%add3A_285] : memref<320000xi32, #tpu.memory_space<hbm>> -> memref<40xi32, #tpu.memory_space<hbm>>
        %dma_wait3A_330 = tpu.memref_slice %arg3[%add3A_285] : memref<320000xi32, #tpu.memory_space<hbm>> -> memref<40xi32, #tpu.memory_space<hbm>>
        tpu.wait_dma2 semaphore(%run_scoped3A : memref<!tpu.dma_semaphore, #tpu.memory_space<semaphore_mem>>) src(%dma_wait3A_330 : memref<40xi32, #tpu.memory_space<hbm>>) dst(%arg11 : memref<40xi32, #tpu.memory_space<vmem>>)
        tpu.yield
      }) : () -> ()
      %dma_start3A_286 = arith.constant 0 : i32
      %dma_start3A_287 = arith.constant 0 : i32
      %dma_start3A_288 = tpu.memref_slice %arg6[%dma_start3A_286, %dma_start3A_287] : memref<10000x512xbf16, #tpu.memory_space<hbm>> -> memref<10000x512xbf16, #tpu.memory_space<hbm>>
      tpu.enqueue_indirect_dma source(%dma_start3A_288 : memref<10000x512xbf16, #tpu.memory_space<hbm>>) target(%arg13 : memref<40x512xbf16, #tpu.memory_space<vmem>>) offsets(%arg9 : memref<40xi32, #tpu.memory_space<vmem>>) semaphore(%arg21 : memref<!tpu.dma_semaphore, #tpu.memory_space<semaphore_mem>>)
      %dma_start3A_289 = arith.constant 0 : i32
      %dma_start3A_290 = arith.constant 0 : i32
      %dma_start3A_291 = tpu.memref_slice %arg5[%dma_start3A_289, %dma_start3A_290] : memref<10000x16xf32, #tpu.memory_space<hbm>> -> memref<10000x16xf32, #tpu.memory_space<hbm>>
      tpu.enqueue_indirect_dma source(%dma_start3A_291 : memref<10000x16xf32, #tpu.memory_space<hbm>>) target(%arg17 : memref<40x16xf32, #tpu.memory_space<vmem>>) offsets(%arg11 : memref<40xi32, #tpu.memory_space<vmem>>) semaphore(%arg23 : memref<!tpu.dma_semaphore, #tpu.memory_space<semaphore_mem>>)
      %dma_start3A_292 = arith.constant 0 : i32
      %dma_start3A_293 = tpu.memref_slice %arg4[%add3A_285, %dma_start3A_292] : memref<320000x16xf32, #tpu.memory_space<hbm>> -> memref<40x16xf32, #tpu.memory_space<hbm>>
      %dma_start3A_294 = arith.constant 0 : i32
      %dma_start3A_295 = tpu.memref_slice %arg4[%add3A_285, %dma_start3A_294] : memref<320000x16xf32, #tpu.memory_space<hbm>> -> memref<40x16xf32, #tpu.memory_space<hbm>>
      tpu.enqueue_dma source(%dma_start3A_295 : memref<40x16xf32, #tpu.memory_space<hbm>>) target(%arg15 : memref<40x16xf32, #tpu.memory_space<vmem>>) target_semaphore(%arg25 : memref<!tpu.dma_semaphore, #tpu.memory_space<semaphore_mem>>)
      %scan3A_296 = arith.constant 0 : i32
      %scan3A_297 = arith.constant 0 : i32
      %scan3A_298 = arith.constant 40 : i32
      %scan3A_299 = arith.addi %scan3A_297, %scan3A_298 : i32
      %scan3A_300 = arith.constant 1 : i32
      %scan3A_301 = scf.for %scan3A_327 = %scan3A_297 to %scan3A_299 step %scan3A_300 iter_args(%scan3A_328 = %scan3A_296) -> (i32)  : i32 {
        %get3A = arith.index_cast %scan3A_327 : i32 to index
        %get3A_329 = arith.constant 0 : index
        %get3A_330 = tpu.vector_load %arg14[%get3A, %get3A_329] {strides = array<i32>} : memref<40x16xf32, #tpu.memory_space<vmem>>, vector<16xf32>,
        %get3A_331 = arith.index_cast %scan3A_327 : i32 to index
        %get3A_332 = arith.constant 0 : index
        %get3A_333 = tpu.vector_load %arg16[%get3A_331, %get3A_332] {strides = array<i32>} : memref<40x16xf32, #tpu.memory_space<vmem>>, vector<16xf32>,
        %mul3A_334 = arith.mulf %get3A_330, %get3A_333 : vector<16xf32>
        %broadcast_in_dim3A = arith.constant 0 : i32
        %broadcast_in_dim3A_335 = vector.broadcast %broadcast_in_dim3A : i32 to vector<16x1xi32>
        %gather3A = vector.shape_cast %broadcast_in_dim3A_335 : vector<16x1xi32> to vector<16xi32>
        %gather3A_336 = tpu.dynamic_gather %mul3A_334[%gather3A] in [0] : vector<16xf32>, vector<16xi32> -> vector<16xf32>
        %broadcast_in_dim3A_337 = arith.constant 1 : i32
        %broadcast_in_dim3A_338 = vector.broadcast %broadcast_in_dim3A_337 : i32 to vector<16x1xi32>
        %gather3A_339 = vector.shape_cast %broadcast_in_dim3A_338 : vector<16x1xi32> to vector<16xi32>
        %gather3A_340 = tpu.dynamic_gather %mul3A_334[%gather3A_339] in [0] : vector<16xf32>, vector<16xi32> -> vector<16xf32>
        %broadcast_in_dim3A_341 = arith.constant 2 : i32
        %broadcast_in_dim3A_342 = vector.broadcast %broadcast_in_dim3A_341 : i32 to vector<16x1xi32>
        %gather3A_343 = vector.shape_cast %broadcast_in_dim3A_342 : vector<16x1xi32> to vector<16xi32>
        %gather3A_344 = tpu.dynamic_gather %mul3A_334[%gather3A_343] in [0] : vector<16xf32>, vector<16xi32> -> vector<16xf32>
        %broadcast_in_dim3A_345 = arith.constant 3 : i32
        %broadcast_in_dim3A_346 = vector.broadcast %broadcast_in_dim3A_345 : i32 to vector<16x1xi32>
        %gather3A_347 = vector.shape_cast %broadcast_in_dim3A_346 : vector<16x1xi32> to vector<16xi32>
        %gather3A_348 = tpu.dynamic_gather %mul3A_334[%gather3A_347] in [0] : vector<16xf32>, vector<16xi32> -> vector<16xf32>
        %get3A_349 = arith.index_cast %scan3A_327 : i32 to index
        %get3A_350 = arith.constant 0 : index
        %get3A_351 = tpu.vector_load %arg12[%get3A_349, %get3A_350] {strides = array<i32>} : memref<40x512xbf16, #tpu.memory_space<vmem>>, vector<32xbf16>,
        %unpack3A = tpu.unpack_subelements %get3A_351, 0 {pack_format = #tpu.pack_format<interleaved>} : vector<32xbf16> -> vector<16xf32>
        %unpack3A_352 = tpu.unpack_subelements %get3A_351, 1 {pack_format = #tpu.pack_format<interleaved>} : vector<32xbf16> -> vector<16xf32>
        %mul3A_353 = arith.mulf %gather3A_336, %unpack3A : vector<16xf32>
        %mul3A_354 = arith.mulf %gather3A_336, %unpack3A_352 : vector<16xf32>
        %get3A_355 = arith.index_cast %scan3A_327 : i32 to index
        %get3A_356 = arith.constant 32 : index
        %get3A_357 = tpu.vector_load %arg12[%get3A_355, %get3A_356] {strides = array<i32>} : memref<40x512xbf16, #tpu.memory_space<vmem>>, vector<32xbf16>,
        %unpack3A_358 = tpu.unpack_subelements %get3A_357, 0 {pack_format = #tpu.pack_format<interleaved>} : vector<32xbf16> -> vector<16xf32>
        %unpack3A_359 = tpu.unpack_subelements %get3A_357, 1 {pack_format = #tpu.pack_format<interleaved>} : vector<32xbf16> -> vector<16xf32>
        %mul3A_360 = arith.mulf %gather3A_336, %unpack3A_358 : vector<16xf32>
        %mul3A_361 = arith.mulf %gather3A_336, %unpack3A_359 : vector<16xf32>
        %get3A_362 = arith.index_cast %scan3A_327 : i32 to index
        %get3A_363 = arith.constant 64 : index
        %get3A_364 = tpu.vector_load %arg12[%get3A_362, %get3A_363] {strides = array<i32>} : memref<40x512xbf16, #tpu.memory_space<vmem>>, vector<32xbf16>,
        %unpack3A_365 = tpu.unpack_subelements %get3A_364, 0 {pack_format = #tpu.pack_format<interleaved>} : vector<32xbf16> -> vector<16xf32>
        %unpack3A_366 = tpu.unpack_subelements %get3A_364, 1 {pack_format = #tpu.pack_format<interleaved>} : vector<32xbf16> -> vector<16xf32>
        %mul3A_367 = arith.mulf %gather3A_336, %unpack3A_365 : vector<16xf32>
        %mul3A_368 = arith.mulf %gather3A_336, %unpack3A_366 : vector<16xf32>
        %get3A_369 = arith.index_cast %scan3A_327 : i32 to index
        %get3A_370 = arith.constant 96 : index
        %get3A_371 = tpu.vector_load %arg12[%get3A_369, %get3A_370] {strides = array<i32>} : memref<40x512xbf16, #tpu.memory_space<vmem>>, vector<32xbf16>,
        %unpack3A_372 = tpu.unpack_subelements %get3A_371, 0 {pack_format = #tpu.pack_format<interleaved>} : vector<32xbf16> -> vector<16xf32>
        %unpack3A_373 = tpu.unpack_subelements %get3A_371, 1 {pack_format = #tpu.pack_format<interleaved>} : vector<32xbf16> -> vector<16xf32>
        %mul3A_374 = arith.mulf %gather3A_336, %unpack3A_372 : vector<16xf32>
        %mul3A_375 = arith.mulf %gather3A_336, %unpack3A_373 : vector<16xf32>
        %get3A_376 = arith.index_cast %scan3A_327 : i32 to index
        %get3A_377 = arith.constant 128 : index
        %get3A_378 = tpu.vector_load %arg12[%get3A_376, %get3A_377] {strides = array<i32>} : memref<40x512xbf16, #tpu.memory_space<vmem>>, vector<32xbf16>,
        %unpack3A_379 = tpu.unpack_subelements %get3A_378, 0 {pack_format = #tpu.pack_format<interleaved>} : vector<32xbf16> -> vector<16xf32>
        %unpack3A_380 = tpu.unpack_subelements %get3A_378, 1 {pack_format = #tpu.pack_format<interleaved>} : vector<32xbf16> -> vector<16xf32>
        %mul3A_381 = arith.mulf %gather3A_340, %unpack3A_379 : vector<16xf32>
        %add3A_382 = arith.addf %mul3A_353, %mul3A_381 : vector<16xf32>
        %mul3A_383 = arith.mulf %gather3A_340, %unpack3A_380 : vector<16xf32>
        %add3A_384 = arith.addf %mul3A_354, %mul3A_383 : vector<16xf32>
        %get3A_385 = arith.index_cast %scan3A_327 : i32 to index
        %get3A_386 = arith.constant 160 : index
        %get3A_387 = tpu.vector_load %arg12[%get3A_385, %get3A_386] {strides = array<i32>} : memref<40x512xbf16, #tpu.memory_space<vmem>>, vector<32xbf16>,
        %unpack3A_388 = tpu.unpack_subelements %get3A_387, 0 {pack_format = #tpu.pack_format<interleaved>} : vector<32xbf16> -> vector<16xf32>
        %unpack3A_389 = tpu.unpack_subelements %get3A_387, 1 {pack_format = #tpu.pack_format<interleaved>} : vector<32xbf16> -> vector<16xf32>
        %mul3A_390 = arith.mulf %gather3A_340, %unpack3A_388 : vector<16xf32>
        %add3A_391 = arith.addf %mul3A_360, %mul3A_390 : vector<16xf32>
        %mul3A_392 = arith.mulf %gather3A_340, %unpack3A_389 : vector<16xf32>
        %add3A_393 = arith.addf %mul3A_361, %mul3A_392 : vector<16xf32>
        %get3A_394 = arith.index_cast %scan3A_327 : i32 to index
        %get3A_395 = arith.constant 192 : index
        %get3A_396 = tpu.vector_load %arg12[%get3A_394, %get3A_395] {strides = array<i32>} : memref<40x512xbf16, #tpu.memory_space<vmem>>, vector<32xbf16>,
        %unpack3A_397 = tpu.unpack_subelements %get3A_396, 0 {pack_format = #tpu.pack_format<interleaved>} : vector<32xbf16> -> vector<16xf32>
        %unpack3A_398 = tpu.unpack_subelements %get3A_396, 1 {pack_format = #tpu.pack_format<interleaved>} : vector<32xbf16> -> vector<16xf32>
        %mul3A_399 = arith.mulf %gather3A_340, %unpack3A_397 : vector<16xf32>
        %add3A_400 = arith.addf %mul3A_367, %mul3A_399 : vector<16xf32>
        %mul3A_401 = arith.mulf %gather3A_340, %unpack3A_398 : vector<16xf32>
        %add3A_402 = arith.addf %mul3A_368, %mul3A_401 : vector<16xf32>
        %get3A_403 = arith.index_cast %scan3A_327 : i32 to index
        %get3A_404 = arith.constant 224 : index
        %get3A_405 = tpu.vector_load %arg12[%get3A_403, %get3A_404] {strides = array<i32>} : memref<40x512xbf16, #tpu.memory_space<vmem>>, vector<32xbf16>,
        %unpack3A_406 = tpu.unpack_subelements %get3A_405, 0 {pack_format = #tpu.pack_format<interleaved>} : vector<32xbf16> -> vector<16xf32>
        %unpack3A_407 = tpu.unpack_subelements %get3A_405, 1 {pack_format = #tpu.pack_format<interleaved>} : vector<32xbf16> -> vector<16xf32>
        %mul3A_408 = arith.mulf %gather3A_340, %unpack3A_406 : vector<16xf32>
        %add3A_409 = arith.addf %mul3A_374, %mul3A_408 : vector<16xf32>
        %mul3A_410 = arith.mulf %gather3A_340, %unpack3A_407 : vector<16xf32>
        %add3A_411 = arith.addf %mul3A_375, %mul3A_410 : vector<16xf32>
        %get3A_412 = arith.index_cast %scan3A_327 : i32 to index
        %get3A_413 = arith.constant 256 : index
        %get3A_414 = tpu.vector_load %arg12[%get3A_412, %get3A_413] {strides = array<i32>} : memref<40x512xbf16, #tpu.memory_space<vmem>>, vector<32xbf16>,
        %unpack3A_415 = tpu.unpack_subelements %get3A_414, 0 {pack_format = #tpu.pack_format<interleaved>} : vector<32xbf16> -> vector<16xf32>
        %unpack3A_416 = tpu.unpack_subelements %get3A_414, 1 {pack_format = #tpu.pack_format<interleaved>} : vector<32xbf16> -> vector<16xf32>
        %mul3A_417 = arith.mulf %gather3A_344, %unpack3A_415 : vector<16xf32>
        %add3A_418 = arith.addf %add3A_382, %mul3A_417 : vector<16xf32>
        %mul3A_419 = arith.mulf %gather3A_344, %unpack3A_416 : vector<16xf32>
        %add3A_420 = arith.addf %add3A_384, %mul3A_419 : vector<16xf32>
        %get3A_421 = arith.index_cast %scan3A_327 : i32 to index
        %get3A_422 = arith.constant 288 : index
        %get3A_423 = tpu.vector_load %arg12[%get3A_421, %get3A_422] {strides = array<i32>} : memref<40x512xbf16, #tpu.memory_space<vmem>>, vector<32xbf16>,
        %unpack3A_424 = tpu.unpack_subelements %get3A_423, 0 {pack_format = #tpu.pack_format<interleaved>} : vector<32xbf16> -> vector<16xf32>
        %unpack3A_425 = tpu.unpack_subelements %get3A_423, 1 {pack_format = #tpu.pack_format<interleaved>} : vector<32xbf16> -> vector<16xf32>
        %mul3A_426 = arith.mulf %gather3A_344, %unpack3A_424 : vector<16xf32>
        %add3A_427 = arith.addf %add3A_391, %mul3A_426 : vector<16xf32>
        %mul3A_428 = arith.mulf %gather3A_344, %unpack3A_425 : vector<16xf32>
        %add3A_429 = arith.addf %add3A_393, %mul3A_428 : vector<16xf32>
        %get3A_430 = arith.index_cast %scan3A_327 : i32 to index
        %get3A_431 = arith.constant 320 : index
        %get3A_432 = tpu.vector_load %arg12[%get3A_430, %get3A_431] {strides = array<i32>} : memref<40x512xbf16, #tpu.memory_space<vmem>>, vector<32xbf16>,
        %unpack3A_433 = tpu.unpack_subelements %get3A_432, 0 {pack_format = #tpu.pack_format<interleaved>} : vector<32xbf16> -> vector<16xf32>
        %unpack3A_434 = tpu.unpack_subelements %get3A_432, 1 {pack_format = #tpu.pack_format<interleaved>} : vector<32xbf16> -> vector<16xf32>
        %mul3A_435 = arith.mulf %gather3A_344, %unpack3A_433 : vector<16xf32>
        %add3A_436 = arith.addf %add3A_400, %mul3A_435 : vector<16xf32>
        %mul3A_437 = arith.mulf %gather3A_344, %unpack3A_434 : vector<16xf32>
        %add3A_438 = arith.addf %add3A_402, %mul3A_437 : vector<16xf32>
        %get3A_439 = arith.index_cast %scan3A_327 : i32 to index
        %get3A_440 = arith.constant 352 : index
        %get3A_441 = tpu.vector_load %arg12[%get3A_439, %get3A_440] {strides = array<i32>} : memref<40x512xbf16, #tpu.memory_space<vmem>>, vector<32xbf16>,
        %unpack3A_442 = tpu.unpack_subelements %get3A_441, 0 {pack_format = #tpu.pack_format<interleaved>} : vector<32xbf16> -> vector<16xf32>
        %unpack3A_443 = tpu.unpack_subelements %get3A_441, 1 {pack_format = #tpu.pack_format<interleaved>} : vector<32xbf16> -> vector<16xf32>
        %mul3A_444 = arith.mulf %gather3A_344, %unpack3A_442 : vector<16xf32>
        %add3A_445 = arith.addf %add3A_409, %mul3A_444 : vector<16xf32>
        %mul3A_446 = arith.mulf %gather3A_344, %unpack3A_443 : vector<16xf32>
        %add3A_447 = arith.addf %add3A_411, %mul3A_446 : vector<16xf32>
        %get3A_448 = arith.index_cast %scan3A_327 : i32 to index
        %get3A_449 = arith.constant 384 : index
        %get3A_450 = tpu.vector_load %arg12[%get3A_448, %get3A_449] {strides = array<i32>} : memref<40x512xbf16, #tpu.memory_space<vmem>>, vector<32xbf16>,
        %unpack3A_451 = tpu.unpack_subelements %get3A_450, 0 {pack_format = #tpu.pack_format<interleaved>} : vector<32xbf16> -> vector<16xf32>
        %unpack3A_452 = tpu.unpack_subelements %get3A_450, 1 {pack_format = #tpu.pack_format<interleaved>} : vector<32xbf16> -> vector<16xf32>
        %mul3A_453 = arith.mulf %gather3A_348, %unpack3A_451 : vector<16xf32>
        %add3A_454 = arith.addf %add3A_418, %mul3A_453 : vector<16xf32>
        %mul3A_455 = arith.mulf %gather3A_348, %unpack3A_452 : vector<16xf32>
        %add3A_456 = arith.addf %add3A_420, %mul3A_455 : vector<16xf32>
        %get3A_457 = arith.index_cast %scan3A_327 : i32 to index
        %get3A_458 = arith.constant 416 : index
        %get3A_459 = tpu.vector_load %arg12[%get3A_457, %get3A_458] {strides = array<i32>} : memref<40x512xbf16, #tpu.memory_space<vmem>>, vector<32xbf16>,
        %unpack3A_460 = tpu.unpack_subelements %get3A_459, 0 {pack_format = #tpu.pack_format<interleaved>} : vector<32xbf16> -> vector<16xf32>
        %unpack3A_461 = tpu.unpack_subelements %get3A_459, 1 {pack_format = #tpu.pack_format<interleaved>} : vector<32xbf16> -> vector<16xf32>
        %mul3A_462 = arith.mulf %gather3A_348, %unpack3A_460 : vector<16xf32>
        %add3A_463 = arith.addf %add3A_427, %mul3A_462 : vector<16xf32>
        %mul3A_464 = arith.mulf %gather3A_348, %unpack3A_461 : vector<16xf32>
        %add3A_465 = arith.addf %add3A_429, %mul3A_464 : vector<16xf32>
        %get3A_466 = arith.index_cast %scan3A_327 : i32 to index
        %get3A_467 = arith.constant 448 : index
        %get3A_468 = tpu.vector_load %arg12[%get3A_466, %get3A_467] {strides = array<i32>} : memref<40x512xbf16, #tpu.memory_space<vmem>>, vector<32xbf16>,
        %unpack3A_469 = tpu.unpack_subelements %get3A_468, 0 {pack_format = #tpu.pack_format<interleaved>} : vector<32xbf16> -> vector<16xf32>
        %unpack3A_470 = tpu.unpack_subelements %get3A_468, 1 {pack_format = #tpu.pack_format<interleaved>} : vector<32xbf16> -> vector<16xf32>
        %mul3A_471 = arith.mulf %gather3A_348, %unpack3A_469 : vector<16xf32>
        %add3A_472 = arith.addf %add3A_436, %mul3A_471 : vector<16xf32>
        %mul3A_473 = arith.mulf %gather3A_348, %unpack3A_470 : vector<16xf32>
        %add3A_474 = arith.addf %add3A_438, %mul3A_473 : vector<16xf32>
        %get3A_475 = arith.index_cast %scan3A_327 : i32 to index
        %get3A_476 = arith.constant 480 : index
        %get3A_477 = tpu.vector_load %arg12[%get3A_475, %get3A_476] {strides = array<i32>} : memref<40x512xbf16, #tpu.memory_space<vmem>>, vector<32xbf16>,
        %unpack3A_478 = tpu.unpack_subelements %get3A_477, 0 {pack_format = #tpu.pack_format<interleaved>} : vector<32xbf16> -> vector<16xf32>
        %unpack3A_479 = tpu.unpack_subelements %get3A_477, 1 {pack_format = #tpu.pack_format<interleaved>} : vector<32xbf16> -> vector<16xf32>
        %mul3A_480 = arith.mulf %gather3A_348, %unpack3A_478 : vector<16xf32>
        %add3A_481 = arith.addf %add3A_445, %mul3A_480 : vector<16xf32>
        %mul3A_482 = arith.mulf %gather3A_348, %unpack3A_479 : vector<16xf32>
        %add3A_483 = arith.addf %add3A_447, %mul3A_482 : vector<16xf32>
        %swap3A = arith.index_cast %scan3A_327 : i32 to index
        %swap3A_484 = arith.constant 0 : index
        %swap3A_485 = tpu.vector_load %arg18[%swap3A, %swap3A_484] {strides = array<i32>} : memref<40x128xf32, #tpu.memory_space<vmem>>, vector<16xf32>,
        tpu.vector_store %arg18[%swap3A, %swap3A_484], %add3A_454 {strides = array<i32>} : memref<40x128xf32, #tpu.memory_space<vmem>>, vector<16xf32>,
        %swap3A_486 = arith.index_cast %scan3A_327 : i32 to index
        %swap3A_487 = arith.constant 16 : index
        %swap3A_488 = tpu.vector_load %arg18[%swap3A_486, %swap3A_487] {strides = array<i32>} : memref<40x128xf32, #tpu.memory_space<vmem>>, vector<16xf32>,
        tpu.vector_store %arg18[%swap3A_486, %swap3A_487], %add3A_456 {strides = array<i32>} : memref<40x128xf32, #tpu.memory_space<vmem>>, vector<16xf32>,
        %swap3A_489 = arith.index_cast %scan3A_327 : i32 to index
        %swap3A_490 = arith.constant 32 : index
        %swap3A_491 = tpu.vector_load %arg18[%swap3A_489, %swap3A_490] {strides = array<i32>} : memref<40x128xf32, #tpu.memory_space<vmem>>, vector<16xf32>,
        tpu.vector_store %arg18[%swap3A_489, %swap3A_490], %add3A_463 {strides = array<i32>} : memref<40x128xf32, #tpu.memory_space<vmem>>, vector<16xf32>,
        %swap3A_492 = arith.index_cast %scan3A_327 : i32 to index
        %swap3A_493 = arith.constant 48 : index
        %swap3A_494 = tpu.vector_load %arg18[%swap3A_492, %swap3A_493] {strides = array<i32>} : memref<40x128xf32, #tpu.memory_space<vmem>>, vector<16xf32>,
        tpu.vector_store %arg18[%swap3A_492, %swap3A_493], %add3A_465 {strides = array<i32>} : memref<40x128xf32, #tpu.memory_space<vmem>>, vector<16xf32>,
        %swap3A_495 = arith.index_cast %scan3A_327 : i32 to index
        %swap3A_496 = arith.constant 64 : index
        %swap3A_497 = tpu.vector_load %arg18[%swap3A_495, %swap3A_496] {strides = array<i32>} : memref<40x128xf32, #tpu.memory_space<vmem>>, vector<16xf32>,
        tpu.vector_store %arg18[%swap3A_495, %swap3A_496], %add3A_472 {strides = array<i32>} : memref<40x128xf32, #tpu.memory_space<vmem>>, vector<16xf32>,
        %swap3A_498 = arith.index_cast %scan3A_327 : i32 to index
        %swap3A_499 = arith.constant 80 : index
        %swap3A_500 = tpu.vector_load %arg18[%swap3A_498, %swap3A_499] {strides = array<i32>} : memref<40x128xf32, #tpu.memory_space<vmem>>, vector<16xf32>,
        tpu.vector_store %arg18[%swap3A_498, %swap3A_499], %add3A_474 {strides = array<i32>} : memref<40x128xf32, #tpu.memory_space<vmem>>, vector<16xf32>,
        %swap3A_501 = arith.index_cast %scan3A_327 : i32 to index
        %swap3A_502 = arith.constant 96 : index
        %swap3A_503 = tpu.vector_load %arg18[%swap3A_501, %swap3A_502] {strides = array<i32>} : memref<40x128xf32, #tpu.memory_space<vmem>>, vector<16xf32>,
        tpu.vector_store %arg18[%swap3A_501, %swap3A_502], %add3A_481 {strides = array<i32>} : memref<40x128xf32, #tpu.memory_space<vmem>>, vector<16xf32>,
        %swap3A_504 = arith.index_cast %scan3A_327 : i32 to index
        %swap3A_505 = arith.constant 112 : index
        %swap3A_506 = tpu.vector_load %arg18[%swap3A_504, %swap3A_505] {strides = array<i32>} : memref<40x128xf32, #tpu.memory_space<vmem>>, vector<16xf32>,
        tpu.vector_store %arg18[%swap3A_504, %swap3A_505], %add3A_483 {strides = array<i32>} : memref<40x128xf32, #tpu.memory_space<vmem>>, vector<16xf32>,
        %scan3A_507 = arith.constant 0 : i32
        scf.yield %scan3A_507 : i32
      }
      %scan3A_302 = arith.constant 40 : i32
      "tpu.region"() ({
        %run_scoped3A = tpu.sem_alloc : memref<!tpu.dma_semaphore, #tpu.memory_space<semaphore_mem>>
        %dma_start3A_327 = arith.constant 0 : i32
        %dma_start3A_328 = arith.constant 0 : i32
        %dma_start3A_329 = tpu.memref_slice %arg19[%dma_start3A_327, %dma_start3A_328] : memref<10240x128xf32, #tpu.memory_space<vmem_shared>> -> memref<10240x128xf32, #tpu.memory_space<vmem_shared>>
        tpu.enqueue_indirect_dma source(%arg18 : memref<40x128xf32, #tpu.memory_space<vmem>>) target(%dma_start3A_329 : memref<10240x128xf32, #tpu.memory_space<vmem_shared>>) offsets(%arg10 : memref<40xi32, #tpu.memory_space<vmem>>) semaphore(%run_scoped3A : memref<!tpu.dma_semaphore, #tpu.memory_space<semaphore_mem>>) {add = true}
        %dma_wait3A_330 = arith.constant 0 : i32
        %dma_wait3A_331 = arith.constant 0 : i32
        %dma_wait3A_332 = tpu.memref_slice %arg19[%dma_wait3A_330, %dma_wait3A_331] : memref<10240x128xf32, #tpu.memory_space<vmem_shared>> -> memref<10240x128xf32, #tpu.memory_space<vmem_shared>>
        tpu.wait_indirect_dma semaphore(%run_scoped3A : memref<!tpu.dma_semaphore, #tpu.memory_space<semaphore_mem>>) src(%arg18 : memref<40x128xf32, #tpu.memory_space<vmem>>) dst(%dma_wait3A_332 : memref<10240x128xf32, #tpu.memory_space<vmem_shared>>)
        tpu.yield
      }) : () -> ()
      %dma_wait3A_303 = arith.constant 0 : i32
      %dma_wait3A_304 = arith.constant 0 : i32
      %dma_wait3A_305 = tpu.memref_slice %arg6[%dma_wait3A_303, %dma_wait3A_304] : memref<10000x512xbf16, #tpu.memory_space<hbm>> -> memref<10000x512xbf16, #tpu.memory_space<hbm>>
      tpu.wait_indirect_dma semaphore(%arg21 : memref<!tpu.dma_semaphore, #tpu.memory_space<semaphore_mem>>) src(%dma_wait3A_305 : memref<10000x512xbf16, #tpu.memory_space<hbm>>) dst(%arg13 : memref<40x512xbf16, #tpu.memory_space<vmem>>)
      %dma_wait3A_306 = arith.constant 0 : i32
      %dma_wait3A_307 = arith.constant 0 : i32
      %dma_wait3A_308 = tpu.memref_slice %arg5[%dma_wait3A_306, %dma_wait3A_307] : memref<10000x16xf32, #tpu.memory_space<hbm>> -> memref<10000x16xf32, #tpu.memory_space<hbm>>
      tpu.wait_indirect_dma semaphore(%arg23 : memref<!tpu.dma_semaphore, #tpu.memory_space<semaphore_mem>>) src(%dma_wait3A_308 : memref<10000x16xf32, #tpu.memory_space<hbm>>) dst(%arg17 : memref<40x16xf32, #tpu.memory_space<vmem>>)
      %dma_wait3A_309 = arith.constant 0 : i32
      %dma_wait3A_310 = arith.constant 0 : i32
      %dma_wait3A_311 = tpu.memref_slice %arg4[%dma_wait3A_309, %dma_wait3A_310] : memref<320000x16xf32, #tpu.memory_space<hbm>> -> memref<40x16xf32, #tpu.memory_space<hbm>>
      %dma_wait3A_312 = arith.constant 0 : i32
      %dma_wait3A_313 = arith.constant 0 : i32
      %dma_wait3A_314 = tpu.memref_slice %arg4[%dma_wait3A_312, %dma_wait3A_313] : memref<320000x16xf32, #tpu.memory_space<hbm>> -> memref<40x16xf32, #tpu.memory_space<hbm>>
      tpu.wait_dma2 semaphore(%arg25 : memref<!tpu.dma_semaphore, #tpu.memory_space<semaphore_mem>>) src(%dma_wait3A_314 : memref<40x16xf32, #tpu.memory_space<hbm>>) dst(%arg15 : memref<40x16xf32, #tpu.memory_space<vmem>>)
      %add3A_315 = arith.constant 2 : i32
      %add3A_316 = arith.addi %mul3A_269, %add3A_315 : i32
      %lt3A = arith.constant 250 : i32
      %lt3A_317 = arith.cmpi slt, %add3A_316, %lt3A : i32
      %convert_element_type3A = arith.extui %lt3A_317 : i1 to i32
      %cond3A = arith.constant 0 : i32
      %cond3A_318 = arith.cmpi ne, %convert_element_type3A, %cond3A : i32
      scf.if %cond3A_318 {
        %add3A_327 = arith.constant 2 : i32
        %add3A_328 = arith.addi %mul3A_269, %add3A_327 : i32
        %mul3A_329 = arith.constant 40 : i32
        %mul3A_330 = arith.muli %add3A_328, %mul3A_329 : i32
        %add3A_331 = arith.addi %mul3A_2, %mul3A_330 : i32
        "tpu.region"() ({
          %run_scoped3A = tpu.sem_alloc : memref<!tpu.dma_semaphore, #tpu.memory_space<semaphore_mem>>
          %dma_start3A_342 = tpu.memref_slice %arg2[%add3A_331] : memref<320000xi32, #tpu.memory_space<hbm>> -> memref<40xi32, #tpu.memory_space<hbm>>
          %dma_start3A_343 = tpu.memref_slice %arg2[%add3A_331] : memref<320000xi32, #tpu.memory_space<hbm>> -> memref<40xi32, #tpu.memory_space<hbm>>
          tpu.enqueue_dma source(%dma_start3A_343 : memref<40xi32, #tpu.memory_space<hbm>>) target(%arg8 : memref<40xi32, #tpu.memory_space<vmem>>) target_semaphore(%run_scoped3A : memref<!tpu.dma_semaphore, #tpu.memory_space<semaphore_mem>>)
          %dma_wait3A_344 = tpu.memref_slice %arg2[%add3A_331] : memref<320000xi32, #tpu.memory_space<hbm>> -> memref<40xi32, #tpu.memory_space<hbm>>
          %dma_wait3A_345 = tpu.memref_slice %arg2[%add3A_331] : memref<320000xi32, #tpu.memory_space<hbm>> -> memref<40xi32, #tpu.memory_space<hbm>>
          tpu.wait_dma2 semaphore(%run_scoped3A : memref<!tpu.dma_semaphore, #tpu.memory_space<semaphore_mem>>) src(%dma_wait3A_345 : memref<40xi32, #tpu.memory_space<hbm>>) dst(%arg8 : memref<40xi32, #tpu.memory_space<vmem>>)
          tpu.yield
        }) : () -> ()
        "tpu.region"() ({
          %run_scoped3A = tpu.sem_alloc : memref<!tpu.dma_semaphore, #tpu.memory_space<semaphore_mem>>
          %dma_start3A_342 = tpu.memref_slice %arg3[%add3A_331] : memref<320000xi32, #tpu.memory_space<hbm>> -> memref<40xi32, #tpu.memory_space<hbm>>
          %dma_start3A_343 = tpu.memref_slice %arg3[%add3A_331] : memref<320000xi32, #tpu.memory_space<hbm>> -> memref<40xi32, #tpu.memory_space<hbm>>
          tpu.enqueue_dma source(%dma_start3A_343 : memref<40xi32, #tpu.memory_space<hbm>>) target(%arg10 : memref<40xi32, #tpu.memory_space<vmem>>) target_semaphore(%run_scoped3A : memref<!tpu.dma_semaphore, #tpu.memory_space<semaphore_mem>>)
          %dma_wait3A_344 = tpu.memref_slice %arg3[%add3A_331] : memref<320000xi32, #tpu.memory_space<hbm>> -> memref<40xi32, #tpu.memory_space<hbm>>
          %dma_wait3A_345 = tpu.memref_slice %arg3[%add3A_331] : memref<320000xi32, #tpu.memory_space<hbm>> -> memref<40xi32, #tpu.memory_space<hbm>>
          tpu.wait_dma2 semaphore(%run_scoped3A : memref<!tpu.dma_semaphore, #tpu.memory_space<semaphore_mem>>) src(%dma_wait3A_345 : memref<40xi32, #tpu.memory_space<hbm>>) dst(%arg10 : memref<40xi32, #tpu.memory_space<vmem>>)
          tpu.yield
        }) : () -> ()
        %dma_start3A_332 = arith.constant 0 : i32
        %dma_start3A_333 = arith.constant 0 : i32
        %dma_start3A_334 = tpu.memref_slice %arg6[%dma_start3A_332, %dma_start3A_333] : memref<10000x512xbf16, #tpu.memory_space<hbm>> -> memref<10000x512xbf16, #tpu.memory_space<hbm>>
        tpu.enqueue_indirect_dma source(%dma_start3A_334 : memref<10000x512xbf16, #tpu.memory_space<hbm>>) target(%arg12 : memref<40x512xbf16, #tpu.memory_space<vmem>>) offsets(%arg8 : memref<40xi32, #tpu.memory_space<vmem>>) semaphore(%arg20 : memref<!tpu.dma_semaphore, #tpu.memory_space<semaphore_mem>>)
        %dma_start3A_335 = arith.constant 0 : i32
        %dma_start3A_336 = arith.constant 0 : i32
        %dma_start3A_337 = tpu.memref_slice %arg5[%dma_start3A_335, %dma_start3A_336] : memref<10000x16xf32, #tpu.memory_space<hbm>> -> memref<10000x16xf32, #tpu.memory_space<hbm>>
        tpu.enqueue_indirect_dma source(%dma_start3A_337 : memref<10000x16xf32, #tpu.memory_space<hbm>>) target(%arg16 : memref<40x16xf32, #tpu.memory_space<vmem>>) offsets(%arg10 : memref<40xi32, #tpu.memory_space<vmem>>) semaphore(%arg22 : memref<!tpu.dma_semaphore, #tpu.memory_space<semaphore_mem>>)
        %dma_start3A_338 = arith.constant 0 : i32
        %dma_start3A_339 = tpu.memref_slice %arg4[%add3A_331, %dma_start3A_338] : memref<320000x16xf32, #tpu.memory_space<hbm>> -> memref<40x16xf32, #tpu.memory_space<hbm>>
        %dma_start3A_340 = arith.constant 0 : i32
        %dma_start3A_341 = tpu.memref_slice %arg4[%add3A_331, %dma_start3A_340] : memref<320000x16xf32, #tpu.memory_space<hbm>> -> memref<40x16xf32, #tpu.memory_space<hbm>>
        tpu.enqueue_dma source(%dma_start3A_341 : memref<40x16xf32, #tpu.memory_space<hbm>>) target(%arg14 : memref<40x16xf32, #tpu.memory_space<vmem>>) target_semaphore(%arg24 : memref<!tpu.dma_semaphore, #tpu.memory_space<semaphore_mem>>)
      } else {
      }
      %scan3A_319 = arith.constant 0 : i32
      %scan3A_320 = arith.constant 0 : i32
      %scan3A_321 = arith.constant 40 : i32
      %scan3A_322 = arith.addi %scan3A_320, %scan3A_321 : i32
      %scan3A_323 = arith.constant 1 : i32
      %scan3A_324 = scf.for %scan3A_327 = %scan3A_320 to %scan3A_322 step %scan3A_323 iter_args(%scan3A_328 = %scan3A_319) -> (i32)  : i32 {
        %get3A = arith.index_cast %scan3A_327 : i32 to index
        %get3A_329 = arith.constant 0 : index
        %get3A_330 = tpu.vector_load %arg15[%get3A, %get3A_329] {strides = array<i32>} : memref<40x16xf32, #tpu.memory_space<vmem>>, vector<16xf32>,
        %get3A_331 = arith.index_cast %scan3A_327 : i32 to index
        %get3A_332 = arith.constant 0 : index
        %get3A_333 = tpu.vector_load %arg17[%get3A_331, %get3A_332] {strides = array<i32>} : memref<40x16xf32, #tpu.memory_space<vmem>>, vector<16xf32>,
        %mul3A_334 = arith.mulf %get3A_330, %get3A_333 : vector<16xf32>
        %broadcast_in_dim3A = arith.constant 0 : i32
        %broadcast_in_dim3A_335 = vector.broadcast %broadcast_in_dim3A : i32 to vector<16x1xi32>
        %gather3A = vector.shape_cast %broadcast_in_dim3A_335 : vector<16x1xi32> to vector<16xi32>
        %gather3A_336 = tpu.dynamic_gather %mul3A_334[%gather3A] in [0] : vector<16xf32>, vector<16xi32> -> vector<16xf32>
        %broadcast_in_dim3A_337 = arith.constant 1 : i32
        %broadcast_in_dim3A_338 = vector.broadcast %broadcast_in_dim3A_337 : i32 to vector<16x1xi32>
        %gather3A_339 = vector.shape_cast %broadcast_in_dim3A_338 : vector<16x1xi32> to vector<16xi32>
        %gather3A_340 = tpu.dynamic_gather %mul3A_334[%gather3A_339] in [0] : vector<16xf32>, vector<16xi32> -> vector<16xf32>
        %broadcast_in_dim3A_341 = arith.constant 2 : i32
        %broadcast_in_dim3A_342 = vector.broadcast %broadcast_in_dim3A_341 : i32 to vector<16x1xi32>
        %gather3A_343 = vector.shape_cast %broadcast_in_dim3A_342 : vector<16x1xi32> to vector<16xi32>
        %gather3A_344 = tpu.dynamic_gather %mul3A_334[%gather3A_343] in [0] : vector<16xf32>, vector<16xi32> -> vector<16xf32>
        %broadcast_in_dim3A_345 = arith.constant 3 : i32
        %broadcast_in_dim3A_346 = vector.broadcast %broadcast_in_dim3A_345 : i32 to vector<16x1xi32>
        %gather3A_347 = vector.shape_cast %broadcast_in_dim3A_346 : vector<16x1xi32> to vector<16xi32>
        %gather3A_348 = tpu.dynamic_gather %mul3A_334[%gather3A_347] in [0] : vector<16xf32>, vector<16xi32> -> vector<16xf32>
        %get3A_349 = arith.index_cast %scan3A_327 : i32 to index
        %get3A_350 = arith.constant 0 : index
        %get3A_351 = tpu.vector_load %arg13[%get3A_349, %get3A_350] {strides = array<i32>} : memref<40x512xbf16, #tpu.memory_space<vmem>>, vector<32xbf16>,
        %unpack3A = tpu.unpack_subelements %get3A_351, 0 {pack_format = #tpu.pack_format<interleaved>} : vector<32xbf16> -> vector<16xf32>
        %unpack3A_352 = tpu.unpack_subelements %get3A_351, 1 {pack_format = #tpu.pack_format<interleaved>} : vector<32xbf16> -> vector<16xf32>
        %mul3A_353 = arith.mulf %gather3A_336, %unpack3A : vector<16xf32>
        %mul3A_354 = arith.mulf %gather3A_336, %unpack3A_352 : vector<16xf32>
        %get3A_355 = arith.index_cast %scan3A_327 : i32 to index
        %get3A_356 = arith.constant 32 : index
        %get3A_357 = tpu.vector_load %arg13[%get3A_355, %get3A_356] {strides = array<i32>} : memref<40x512xbf16, #tpu.memory_space<vmem>>, vector<32xbf16>,
        %unpack3A_358 = tpu.unpack_subelements %get3A_357, 0 {pack_format = #tpu.pack_format<interleaved>} : vector<32xbf16> -> vector<16xf32>
        %unpack3A_359 = tpu.unpack_subelements %get3A_357, 1 {pack_format = #tpu.pack_format<interleaved>} : vector<32xbf16> -> vector<16xf32>
        %mul3A_360 = arith.mulf %gather3A_336, %unpack3A_358 : vector<16xf32>
        %mul3A_361 = arith.mulf %gather3A_336, %unpack3A_359 : vector<16xf32>
        %get3A_362 = arith.index_cast %scan3A_327 : i32 to index
        %get3A_363 = arith.constant 64 : index
        %get3A_364 = tpu.vector_load %arg13[%get3A_362, %get3A_363] {strides = array<i32>} : memref<40x512xbf16, #tpu.memory_space<vmem>>, vector<32xbf16>,
        %unpack3A_365 = tpu.unpack_subelements %get3A_364, 0 {pack_format = #tpu.pack_format<interleaved>} : vector<32xbf16> -> vector<16xf32>
        %unpack3A_366 = tpu.unpack_subelements %get3A_364, 1 {pack_format = #tpu.pack_format<interleaved>} : vector<32xbf16> -> vector<16xf32>
        %mul3A_367 = arith.mulf %gather3A_336, %unpack3A_365 : vector<16xf32>
        %mul3A_368 = arith.mulf %gather3A_336, %unpack3A_366 : vector<16xf32>
        %get3A_369 = arith.index_cast %scan3A_327 : i32 to index
        %get3A_370 = arith.constant 96 : index
        %get3A_371 = tpu.vector_load %arg13[%get3A_369, %get3A_370] {strides = array<i32>} : memref<40x512xbf16, #tpu.memory_space<vmem>>, vector<32xbf16>,
        %unpack3A_372 = tpu.unpack_subelements %get3A_371, 0 {pack_format = #tpu.pack_format<interleaved>} : vector<32xbf16> -> vector<16xf32>
        %unpack3A_373 = tpu.unpack_subelements %get3A_371, 1 {pack_format = #tpu.pack_format<interleaved>} : vector<32xbf16> -> vector<16xf32>
        %mul3A_374 = arith.mulf %gather3A_336, %unpack3A_372 : vector<16xf32>
        %mul3A_375 = arith.mulf %gather3A_336, %unpack3A_373 : vector<16xf32>
        %get3A_376 = arith.index_cast %scan3A_327 : i32 to index
        %get3A_377 = arith.constant 128 : index
        %get3A_378 = tpu.vector_load %arg13[%get3A_376, %get3A_377] {strides = array<i32>} : memref<40x512xbf16, #tpu.memory_space<vmem>>, vector<32xbf16>,
        %unpack3A_379 = tpu.unpack_subelements %get3A_378, 0 {pack_format = #tpu.pack_format<interleaved>} : vector<32xbf16> -> vector<16xf32>
        %unpack3A_380 = tpu.unpack_subelements %get3A_378, 1 {pack_format = #tpu.pack_format<interleaved>} : vector<32xbf16> -> vector<16xf32>
        %mul3A_381 = arith.mulf %gather3A_340, %unpack3A_379 : vector<16xf32>
        %add3A_382 = arith.addf %mul3A_353, %mul3A_381 : vector<16xf32>
        %mul3A_383 = arith.mulf %gather3A_340, %unpack3A_380 : vector<16xf32>
        %add3A_384 = arith.addf %mul3A_354, %mul3A_383 : vector<16xf32>
        %get3A_385 = arith.index_cast %scan3A_327 : i32 to index
        %get3A_386 = arith.constant 160 : index
        %get3A_387 = tpu.vector_load %arg13[%get3A_385, %get3A_386] {strides = array<i32>} : memref<40x512xbf16, #tpu.memory_space<vmem>>, vector<32xbf16>,
        %unpack3A_388 = tpu.unpack_subelements %get3A_387, 0 {pack_format = #tpu.pack_format<interleaved>} : vector<32xbf16> -> vector<16xf32>
        %unpack3A_389 = tpu.unpack_subelements %get3A_387, 1 {pack_format = #tpu.pack_format<interleaved>} : vector<32xbf16> -> vector<16xf32>
        %mul3A_390 = arith.mulf %gather3A_340, %unpack3A_388 : vector<16xf32>
        %add3A_391 = arith.addf %mul3A_360, %mul3A_390 : vector<16xf32>
        %mul3A_392 = arith.mulf %gather3A_340, %unpack3A_389 : vector<16xf32>
        %add3A_393 = arith.addf %mul3A_361, %mul3A_392 : vector<16xf32>
        %get3A_394 = arith.index_cast %scan3A_327 : i32 to index
        %get3A_395 = arith.constant 192 : index
        %get3A_396 = tpu.vector_load %arg13[%get3A_394, %get3A_395] {strides = array<i32>} : memref<40x512xbf16, #tpu.memory_space<vmem>>, vector<32xbf16>,
        %unpack3A_397 = tpu.unpack_subelements %get3A_396, 0 {pack_format = #tpu.pack_format<interleaved>} : vector<32xbf16> -> vector<16xf32>
        %unpack3A_398 = tpu.unpack_subelements %get3A_396, 1 {pack_format = #tpu.pack_format<interleaved>} : vector<32xbf16> -> vector<16xf32>
        %mul3A_399 = arith.mulf %gather3A_340, %unpack3A_397 : vector<16xf32>
        %add3A_400 = arith.addf %mul3A_367, %mul3A_399 : vector<16xf32>
        %mul3A_401 = arith.mulf %gather3A_340, %unpack3A_398 : vector<16xf32>
        %add3A_402 = arith.addf %mul3A_368, %mul3A_401 : vector<16xf32>
        %get3A_403 = arith.index_cast %scan3A_327 : i32 to index
        %get3A_404 = arith.constant 224 : index
        %get3A_405 = tpu.vector_load %arg13[%get3A_403, %get3A_404] {strides = array<i32>} : memref<40x512xbf16, #tpu.memory_space<vmem>>, vector<32xbf16>,
        %unpack3A_406 = tpu.unpack_subelements %get3A_405, 0 {pack_format = #tpu.pack_format<interleaved>} : vector<32xbf16> -> vector<16xf32>
        %unpack3A_407 = tpu.unpack_subelements %get3A_405, 1 {pack_format = #tpu.pack_format<interleaved>} : vector<32xbf16> -> vector<16xf32>
        %mul3A_408 = arith.mulf %gather3A_340, %unpack3A_406 : vector<16xf32>
        %add3A_409 = arith.addf %mul3A_374, %mul3A_408 : vector<16xf32>
        %mul3A_410 = arith.mulf %gather3A_340, %unpack3A_407 : vector<16xf32>
        %add3A_411 = arith.addf %mul3A_375, %mul3A_410 : vector<16xf32>
        %get3A_412 = arith.index_cast %scan3A_327 : i32 to index
        %get3A_413 = arith.constant 256 : index
        %get3A_414 = tpu.vector_load %arg13[%get3A_412, %get3A_413] {strides = array<i32>} : memref<40x512xbf16, #tpu.memory_space<vmem>>, vector<32xbf16>,
        %unpack3A_415 = tpu.unpack_subelements %get3A_414, 0 {pack_format = #tpu.pack_format<interleaved>} : vector<32xbf16> -> vector<16xf32>
        %unpack3A_416 = tpu.unpack_subelements %get3A_414, 1 {pack_format = #tpu.pack_format<interleaved>} : vector<32xbf16> -> vector<16xf32>
        %mul3A_417 = arith.mulf %gather3A_344, %unpack3A_415 : vector<16xf32>
        %add3A_418 = arith.addf %add3A_382, %mul3A_417 : vector<16xf32>
        %mul3A_419 = arith.mulf %gather3A_344, %unpack3A_416 : vector<16xf32>
        %add3A_420 = arith.addf %add3A_384, %mul3A_419 : vector<16xf32>
        %get3A_421 = arith.index_cast %scan3A_327 : i32 to index
        %get3A_422 = arith.constant 288 : index
        %get3A_423 = tpu.vector_load %arg13[%get3A_421, %get3A_422] {strides = array<i32>} : memref<40x512xbf16, #tpu.memory_space<vmem>>, vector<32xbf16>,
        %unpack3A_424 = tpu.unpack_subelements %get3A_423, 0 {pack_format = #tpu.pack_format<interleaved>} : vector<32xbf16> -> vector<16xf32>
        %unpack3A_425 = tpu.unpack_subelements %get3A_423, 1 {pack_format = #tpu.pack_format<interleaved>} : vector<32xbf16> -> vector<16xf32>
        %mul3A_426 = arith.mulf %gather3A_344, %unpack3A_424 : vector<16xf32>
        %add3A_427 = arith.addf %add3A_391, %mul3A_426 : vector<16xf32>
        %mul3A_428 = arith.mulf %gather3A_344, %unpack3A_425 : vector<16xf32>
        %add3A_429 = arith.addf %add3A_393, %mul3A_428 : vector<16xf32>
        %get3A_430 = arith.index_cast %scan3A_327 : i32 to index
        %get3A_431 = arith.constant 320 : index
        %get3A_432 = tpu.vector_load %arg13[%get3A_430, %get3A_431] {strides = array<i32>} : memref<40x512xbf16, #tpu.memory_space<vmem>>, vector<32xbf16>,
        %unpack3A_433 = tpu.unpack_subelements %get3A_432, 0 {pack_format = #tpu.pack_format<interleaved>} : vector<32xbf16> -> vector<16xf32>
        %unpack3A_434 = tpu.unpack_subelements %get3A_432, 1 {pack_format = #tpu.pack_format<interleaved>} : vector<32xbf16> -> vector<16xf32>
        %mul3A_435 = arith.mulf %gather3A_344, %unpack3A_433 : vector<16xf32>
        %add3A_436 = arith.addf %add3A_400, %mul3A_435 : vector<16xf32>
        %mul3A_437 = arith.mulf %gather3A_344, %unpack3A_434 : vector<16xf32>
        %add3A_438 = arith.addf %add3A_402, %mul3A_437 : vector<16xf32>
        %get3A_439 = arith.index_cast %scan3A_327 : i32 to index
        %get3A_440 = arith.constant 352 : index
        %get3A_441 = tpu.vector_load %arg13[%get3A_439, %get3A_440] {strides = array<i32>} : memref<40x512xbf16, #tpu.memory_space<vmem>>, vector<32xbf16>,
        %unpack3A_442 = tpu.unpack_subelements %get3A_441, 0 {pack_format = #tpu.pack_format<interleaved>} : vector<32xbf16> -> vector<16xf32>
        %unpack3A_443 = tpu.unpack_subelements %get3A_441, 1 {pack_format = #tpu.pack_format<interleaved>} : vector<32xbf16> -> vector<16xf32>
        %mul3A_444 = arith.mulf %gather3A_344, %unpack3A_442 : vector<16xf32>
        %add3A_445 = arith.addf %add3A_409, %mul3A_444 : vector<16xf32>
        %mul3A_446 = arith.mulf %gather3A_344, %unpack3A_443 : vector<16xf32>
        %add3A_447 = arith.addf %add3A_411, %mul3A_446 : vector<16xf32>
        %get3A_448 = arith.index_cast %scan3A_327 : i32 to index
        %get3A_449 = arith.constant 384 : index
        %get3A_450 = tpu.vector_load %arg13[%get3A_448, %get3A_449] {strides = array<i32>} : memref<40x512xbf16, #tpu.memory_space<vmem>>, vector<32xbf16>,
        %unpack3A_451 = tpu.unpack_subelements %get3A_450, 0 {pack_format = #tpu.pack_format<interleaved>} : vector<32xbf16> -> vector<16xf32>
        %unpack3A_452 = tpu.unpack_subelements %get3A_450, 1 {pack_format = #tpu.pack_format<interleaved>} : vector<32xbf16> -> vector<16xf32>
        %mul3A_453 = arith.mulf %gather3A_348, %unpack3A_451 : vector<16xf32>
        %add3A_454 = arith.addf %add3A_418, %mul3A_453 : vector<16xf32>
        %mul3A_455 = arith.mulf %gather3A_348, %unpack3A_452 : vector<16xf32>
        %add3A_456 = arith.addf %add3A_420, %mul3A_455 : vector<16xf32>
        %get3A_457 = arith.index_cast %scan3A_327 : i32 to index
        %get3A_458 = arith.constant 416 : index
        %get3A_459 = tpu.vector_load %arg13[%get3A_457, %get3A_458] {strides = array<i32>} : memref<40x512xbf16, #tpu.memory_space<vmem>>, vector<32xbf16>,
        %unpack3A_460 = tpu.unpack_subelements %get3A_459, 0 {pack_format = #tpu.pack_format<interleaved>} : vector<32xbf16> -> vector<16xf32>
        %unpack3A_461 = tpu.unpack_subelements %get3A_459, 1 {pack_format = #tpu.pack_format<interleaved>} : vector<32xbf16> -> vector<16xf32>
        %mul3A_462 = arith.mulf %gather3A_348, %unpack3A_460 : vector<16xf32>
        %add3A_463 = arith.addf %add3A_427, %mul3A_462 : vector<16xf32>
        %mul3A_464 = arith.mulf %gather3A_348, %unpack3A_461 : vector<16xf32>
        %add3A_465 = arith.addf %add3A_429, %mul3A_464 : vector<16xf32>
        %get3A_466 = arith.index_cast %scan3A_327 : i32 to index
        %get3A_467 = arith.constant 448 : index
        %get3A_468 = tpu.vector_load %arg13[%get3A_466, %get3A_467] {strides = array<i32>} : memref<40x512xbf16, #tpu.memory_space<vmem>>, vector<32xbf16>,
        %unpack3A_469 = tpu.unpack_subelements %get3A_468, 0 {pack_format = #tpu.pack_format<interleaved>} : vector<32xbf16> -> vector<16xf32>
        %unpack3A_470 = tpu.unpack_subelements %get3A_468, 1 {pack_format = #tpu.pack_format<interleaved>} : vector<32xbf16> -> vector<16xf32>
        %mul3A_471 = arith.mulf %gather3A_348, %unpack3A_469 : vector<16xf32>
        %add3A_472 = arith.addf %add3A_436, %mul3A_471 : vector<16xf32>
        %mul3A_473 = arith.mulf %gather3A_348, %unpack3A_470 : vector<16xf32>
        %add3A_474 = arith.addf %add3A_438, %mul3A_473 : vector<16xf32>
        %get3A_475 = arith.index_cast %scan3A_327 : i32 to index
        %get3A_476 = arith.constant 480 : index
        %get3A_477 = tpu.vector_load %arg13[%get3A_475, %get3A_476] {strides = array<i32>} : memref<40x512xbf16, #tpu.memory_space<vmem>>, vector<32xbf16>,
        %unpack3A_478 = tpu.unpack_subelements %get3A_477, 0 {pack_format = #tpu.pack_format<interleaved>} : vector<32xbf16> -> vector<16xf32>
        %unpack3A_479 = tpu.unpack_subelements %get3A_477, 1 {pack_format = #tpu.pack_format<interleaved>} : vector<32xbf16> -> vector<16xf32>
        %mul3A_480 = arith.mulf %gather3A_348, %unpack3A_478 : vector<16xf32>
        %add3A_481 = arith.addf %add3A_445, %mul3A_480 : vector<16xf32>
        %mul3A_482 = arith.mulf %gather3A_348, %unpack3A_479 : vector<16xf32>
        %add3A_483 = arith.addf %add3A_447, %mul3A_482 : vector<16xf32>
        %swap3A = arith.index_cast %scan3A_327 : i32 to index
        %swap3A_484 = arith.constant 0 : index
        %swap3A_485 = tpu.vector_load %arg18[%swap3A, %swap3A_484] {strides = array<i32>} : memref<40x128xf32, #tpu.memory_space<vmem>>, vector<16xf32>,
        tpu.vector_store %arg18[%swap3A, %swap3A_484], %add3A_454 {strides = array<i32>} : memref<40x128xf32, #tpu.memory_space<vmem>>, vector<16xf32>,
        %swap3A_486 = arith.index_cast %scan3A_327 : i32 to index
        %swap3A_487 = arith.constant 16 : index
        %swap3A_488 = tpu.vector_load %arg18[%swap3A_486, %swap3A_487] {strides = array<i32>} : memref<40x128xf32, #tpu.memory_space<vmem>>, vector<16xf32>,
        tpu.vector_store %arg18[%swap3A_486, %swap3A_487], %add3A_456 {strides = array<i32>} : memref<40x128xf32, #tpu.memory_space<vmem>>, vector<16xf32>,
        %swap3A_489 = arith.index_cast %scan3A_327 : i32 to index
        %swap3A_490 = arith.constant 32 : index
        %swap3A_491 = tpu.vector_load %arg18[%swap3A_489, %swap3A_490] {strides = array<i32>} : memref<40x128xf32, #tpu.memory_space<vmem>>, vector<16xf32>,
        tpu.vector_store %arg18[%swap3A_489, %swap3A_490], %add3A_463 {strides = array<i32>} : memref<40x128xf32, #tpu.memory_space<vmem>>, vector<16xf32>,
        %swap3A_492 = arith.index_cast %scan3A_327 : i32 to index
        %swap3A_493 = arith.constant 48 : index
        %swap3A_494 = tpu.vector_load %arg18[%swap3A_492, %swap3A_493] {strides = array<i32>} : memref<40x128xf32, #tpu.memory_space<vmem>>, vector<16xf32>,
        tpu.vector_store %arg18[%swap3A_492, %swap3A_493], %add3A_465 {strides = array<i32>} : memref<40x128xf32, #tpu.memory_space<vmem>>, vector<16xf32>,
        %swap3A_495 = arith.index_cast %scan3A_327 : i32 to index
        %swap3A_496 = arith.constant 64 : index
        %swap3A_497 = tpu.vector_load %arg18[%swap3A_495, %swap3A_496] {strides = array<i32>} : memref<40x128xf32, #tpu.memory_space<vmem>>, vector<16xf32>,
        tpu.vector_store %arg18[%swap3A_495, %swap3A_496], %add3A_472 {strides = array<i32>} : memref<40x128xf32, #tpu.memory_space<vmem>>, vector<16xf32>,
        %swap3A_498 = arith.index_cast %scan3A_327 : i32 to index
        %swap3A_499 = arith.constant 80 : index
        %swap3A_500 = tpu.vector_load %arg18[%swap3A_498, %swap3A_499] {strides = array<i32>} : memref<40x128xf32, #tpu.memory_space<vmem>>, vector<16xf32>,
        tpu.vector_store %arg18[%swap3A_498, %swap3A_499], %add3A_474 {strides = array<i32>} : memref<40x128xf32, #tpu.memory_space<vmem>>, vector<16xf32>,
        %swap3A_501 = arith.index_cast %scan3A_327 : i32 to index
        %swap3A_502 = arith.constant 96 : index
        %swap3A_503 = tpu.vector_load %arg18[%swap3A_501, %swap3A_502] {strides = array<i32>} : memref<40x128xf32, #tpu.memory_space<vmem>>, vector<16xf32>,
        tpu.vector_store %arg18[%swap3A_501, %swap3A_502], %add3A_481 {strides = array<i32>} : memref<40x128xf32, #tpu.memory_space<vmem>>, vector<16xf32>,
        %swap3A_504 = arith.index_cast %scan3A_327 : i32 to index
        %swap3A_505 = arith.constant 112 : index
        %swap3A_506 = tpu.vector_load %arg18[%swap3A_504, %swap3A_505] {strides = array<i32>} : memref<40x128xf32, #tpu.memory_space<vmem>>, vector<16xf32>,
        tpu.vector_store %arg18[%swap3A_504, %swap3A_505], %add3A_483 {strides = array<i32>} : memref<40x128xf32, #tpu.memory_space<vmem>>, vector<16xf32>,
        %scan3A_507 = arith.constant 0 : i32
        scf.yield %scan3A_507 : i32
      }
      %scan3A_325 = arith.constant 40 : i32
      "tpu.region"() ({
        %run_scoped3A = tpu.sem_alloc : memref<!tpu.dma_semaphore, #tpu.memory_space<semaphore_mem>>
        %dma_start3A_327 = arith.constant 0 : i32
        %dma_start3A_328 = arith.constant 0 : i32
        %dma_start3A_329 = tpu.memref_slice %arg19[%dma_start3A_327, %dma_start3A_328] : memref<10240x128xf32, #tpu.memory_space<vmem_shared>> -> memref<10240x128xf32, #tpu.memory_space<vmem_shared>>
        tpu.enqueue_indirect_dma source(%arg18 : memref<40x128xf32, #tpu.memory_space<vmem>>) target(%dma_start3A_329 : memref<10240x128xf32, #tpu.memory_space<vmem_shared>>) offsets(%arg11 : memref<40xi32, #tpu.memory_space<vmem>>) semaphore(%run_scoped3A : memref<!tpu.dma_semaphore, #tpu.memory_space<semaphore_mem>>) {add = true}
        %dma_wait3A_330 = arith.constant 0 : i32
        %dma_wait3A_331 = arith.constant 0 : i32
        %dma_wait3A_332 = tpu.memref_slice %arg19[%dma_wait3A_330, %dma_wait3A_331] : memref<10240x128xf32, #tpu.memory_space<vmem_shared>> -> memref<10240x128xf32, #tpu.memory_space<vmem_shared>>
        tpu.wait_indirect_dma semaphore(%run_scoped3A : memref<!tpu.dma_semaphore, #tpu.memory_space<semaphore_mem>>) src(%arg18 : memref<40x128xf32, #tpu.memory_space<vmem>>) dst(%dma_wait3A_332 : memref<10240x128xf32, #tpu.memory_space<vmem_shared>>)
        tpu.yield
      }) : () -> ()
      %scan3A_326 = arith.constant 0 : i32
      scf.yield %scan3A_326 : i32
    }
    %scan3A_88 = arith.constant 125 : i32
    %barrier3A_89 = arith.constant 0 : index
    tpu.barrier barrier_id(%barrier3A_89)
    %mul3A_90 = arith.constant 640 : i32
    %mul3A_91 = arith.muli %arg1, %mul3A_90 : i32
    %add3A_92 = arith.constant 0 : i32
    %add3A_93 = arith.addi %mul3A_91, %add3A_92 : i32
    "tpu.region"() ({
      %run_scoped3A = tpu.sem_alloc : memref<!tpu.dma_semaphore, #tpu.memory_space<semaphore_mem>>
      %dma_start3A_266 = arith.constant 0 : i32
      %dma_start3A_267 = tpu.memref_slice %arg19[%add3A_93, %dma_start3A_266] : memref<10240x128xf32, #tpu.memory_space<vmem_shared>> -> memref<40x128xf32, #tpu.memory_space<vmem_shared>>
      %dma_start3A_268 = arith.constant 0 : i32
      %dma_start3A_269 = tpu.memref_slice %arg19[%add3A_93, %dma_start3A_268] : memref<10240x128xf32, #tpu.memory_space<vmem_shared>> -> memref<40x128xf32, #tpu.memory_space<vmem_shared>>
      tpu.enqueue_dma source(%dma_start3A_269 : memref<40x128xf32, #tpu.memory_space<vmem_shared>>) target(%arg18 : memref<40x128xf32, #tpu.memory_space<vmem>>) target_semaphore(%run_scoped3A : memref<!tpu.dma_semaphore, #tpu.memory_space<semaphore_mem>>)
      %dma_wait3A = arith.constant 0 : i32
      %dma_wait3A_270 = tpu.memref_slice %arg19[%add3A_93, %dma_wait3A] : memref<10240x128xf32, #tpu.memory_space<vmem_shared>> -> memref<40x128xf32, #tpu.memory_space<vmem_shared>>
      %dma_wait3A_271 = arith.constant 0 : i32
      %dma_wait3A_272 = tpu.memref_slice %arg19[%add3A_93, %dma_wait3A_271] : memref<10240x128xf32, #tpu.memory_space<vmem_shared>> -> memref<40x128xf32, #tpu.memory_space<vmem_shared>>
      tpu.wait_dma2 semaphore(%run_scoped3A : memref<!tpu.dma_semaphore, #tpu.memory_space<semaphore_mem>>) src(%dma_wait3A_272 : memref<40x128xf32, #tpu.memory_space<vmem_shared>>) dst(%arg18 : memref<40x128xf32, #tpu.memory_space<vmem>>)
      tpu.yield
    }) : () -> ()
    %mul3A_94 = arith.constant 10240 : i32
    %mul3A_95 = arith.muli %arg0, %mul3A_94 : i32
    %mul3A_96 = arith.constant 640 : i32
    %mul3A_97 = arith.muli %arg1, %mul3A_96 : i32
    %add3A_98 = arith.addi %mul3A_95, %mul3A_97 : i32
    %add3A_99 = arith.constant 0 : i32
    %add3A_100 = arith.addi %add3A_98, %add3A_99 : i32
    "tpu.region"() ({
      %run_scoped3A = tpu.sem_alloc : memref<!tpu.dma_semaphore, #tpu.memory_space<semaphore_mem>>
      %dma_start3A_266 = arith.constant 0 : i32
      %dma_start3A_267 = tpu.memref_slice %arg7[%add3A_100, %dma_start3A_266] : memref<20480x128xf32, #tpu.memory_space<hbm>> -> memref<40x128xf32, #tpu.memory_space<hbm>>
      %dma_start3A_268 = arith.constant 0 : i32
      %dma_start3A_269 = tpu.memref_slice %arg7[%add3A_100, %dma_start3A_268] : memref<20480x128xf32, #tpu.memory_space<hbm>> -> memref<40x128xf32, #tpu.memory_space<hbm>>
      tpu.enqueue_dma source(%arg18 : memref<40x128xf32, #tpu.memory_space<vmem>>) target(%dma_start3A_269 : memref<40x128xf32, #tpu.memory_space<hbm>>) target_semaphore(%run_scoped3A : memref<!tpu.dma_semaphore, #tpu.memory_space<semaphore_mem>>)
      %dma_wait3A = arith.constant 0 : i32
      %dma_wait3A_270 = tpu.memref_slice %arg7[%add3A_100, %dma_wait3A] : memref<20480x128xf32, #tpu.memory_space<hbm>> -> memref<40x128xf32, #tpu.memory_space<hbm>>
      %dma_wait3A_271 = arith.constant 0 : i32
      %dma_wait3A_272 = tpu.memref_slice %arg7[%add3A_100, %dma_wait3A_271] : memref<20480x128xf32, #tpu.memory_space<hbm>> -> memref<40x128xf32, #tpu.memory_space<hbm>>
      tpu.wait_dma2 semaphore(%run_scoped3A : memref<!tpu.dma_semaphore, #tpu.memory_space<semaphore_mem>>) src(%arg18 : memref<40x128xf32, #tpu.memory_space<vmem>>) dst(%dma_wait3A_272 : memref<40x128xf32, #tpu.memory_space<hbm>>)
      tpu.yield
    }) : () -> ()
    %mul3A_101 = arith.constant 640 : i32
    %mul3A_102 = arith.muli %arg1, %mul3A_101 : i32
    %add3A_103 = arith.constant 40 : i32
    %add3A_104 = arith.addi %mul3A_102, %add3A_103 : i32
    "tpu.region"() ({
      %run_scoped3A = tpu.sem_alloc : memref<!tpu.dma_semaphore, #tpu.memory_space<semaphore_mem>>
      %dma_start3A_266 = arith.constant 0 : i32
      %dma_start3A_267 = tpu.memref_slice %arg19[%add3A_104, %dma_start3A_266] : memref<10240x128xf32, #tpu.memory_space<vmem_shared>> -> memref<40x128xf32, #tpu.memory_space<vmem_shared>>
      %dma_start3A_268 = arith.constant 0 : i32
      %dma_start3A_269 = tpu.memref_slice %arg19[%add3A_104, %dma_start3A_268] : memref<10240x128xf32, #tpu.memory_space<vmem_shared>> -> memref<40x128xf32, #tpu.memory_space<vmem_shared>>
      tpu.enqueue_dma source(%dma_start3A_269 : memref<40x128xf32, #tpu.memory_space<vmem_shared>>) target(%arg18 : memref<40x128xf32, #tpu.memory_space<vmem>>) target_semaphore(%run_scoped3A : memref<!tpu.dma_semaphore, #tpu.memory_space<semaphore_mem>>)
      %dma_wait3A = arith.constant 0 : i32
      %dma_wait3A_270 = tpu.memref_slice %arg19[%add3A_104, %dma_wait3A] : memref<10240x128xf32, #tpu.memory_space<vmem_shared>> -> memref<40x128xf32, #tpu.memory_space<vmem_shared>>
      %dma_wait3A_271 = arith.constant 0 : i32
      %dma_wait3A_272 = tpu.memref_slice %arg19[%add3A_104, %dma_wait3A_271] : memref<10240x128xf32, #tpu.memory_space<vmem_shared>> -> memref<40x128xf32, #tpu.memory_space<vmem_shared>>
      tpu.wait_dma2 semaphore(%run_scoped3A : memref<!tpu.dma_semaphore, #tpu.memory_space<semaphore_mem>>) src(%dma_wait3A_272 : memref<40x128xf32, #tpu.memory_space<vmem_shared>>) dst(%arg18 : memref<40x128xf32, #tpu.memory_space<vmem>>)
      tpu.yield
    }) : () -> ()
    %mul3A_105 = arith.constant 10240 : i32
    %mul3A_106 = arith.muli %arg0, %mul3A_105 : i32
    %mul3A_107 = arith.constant 640 : i32
    %mul3A_108 = arith.muli %arg1, %mul3A_107 : i32
    %add3A_109 = arith.addi %mul3A_106, %mul3A_108 : i32
    %add3A_110 = arith.constant 40 : i32
    %add3A_111 = arith.addi %add3A_109, %add3A_110 : i32
    "tpu.region"() ({
      %run_scoped3A = tpu.sem_alloc : memref<!tpu.dma_semaphore, #tpu.memory_space<semaphore_mem>>
      %dma_start3A_266 = arith.constant 0 : i32
      %dma_start3A_267 = tpu.memref_slice %arg7[%add3A_111, %dma_start3A_266] : memref<20480x128xf32, #tpu.memory_space<hbm>> -> memref<40x128xf32, #tpu.memory_space<hbm>>
      %dma_start3A_268 = arith.constant 0 : i32
      %dma_start3A_269 = tpu.memref_slice %arg7[%add3A_111, %dma_start3A_268] : memref<20480x128xf32, #tpu.memory_space<hbm>> -> memref<40x128xf32, #tpu.memory_space<hbm>>
      tpu.enqueue_dma source(%arg18 : memref<40x128xf32, #tpu.memory_space<vmem>>) target(%dma_start3A_269 : memref<40x128xf32, #tpu.memory_space<hbm>>) target_semaphore(%run_scoped3A : memref<!tpu.dma_semaphore, #tpu.memory_space<semaphore_mem>>)
      %dma_wait3A = arith.constant 0 : i32
      %dma_wait3A_270 = tpu.memref_slice %arg7[%add3A_111, %dma_wait3A] : memref<20480x128xf32, #tpu.memory_space<hbm>> -> memref<40x128xf32, #tpu.memory_space<hbm>>
      %dma_wait3A_271 = arith.constant 0 : i32
      %dma_wait3A_272 = tpu.memref_slice %arg7[%add3A_111, %dma_wait3A_271] : memref<20480x128xf32, #tpu.memory_space<hbm>> -> memref<40x128xf32, #tpu.memory_space<hbm>>
      tpu.wait_dma2 semaphore(%run_scoped3A : memref<!tpu.dma_semaphore, #tpu.memory_space<semaphore_mem>>) src(%arg18 : memref<40x128xf32, #tpu.memory_space<vmem>>) dst(%dma_wait3A_272 : memref<40x128xf32, #tpu.memory_space<hbm>>)
      tpu.yield
    }) : () -> ()
    %mul3A_112 = arith.constant 640 : i32
    %mul3A_113 = arith.muli %arg1, %mul3A_112 : i32
    %add3A_114 = arith.constant 80 : i32
    %add3A_115 = arith.addi %mul3A_113, %add3A_114 : i32
    "tpu.region"() ({
      %run_scoped3A = tpu.sem_alloc : memref<!tpu.dma_semaphore, #tpu.memory_space<semaphore_mem>>
      %dma_start3A_266 = arith.constant 0 : i32
      %dma_start3A_267 = tpu.memref_slice %arg19[%add3A_115, %dma_start3A_266] : memref<10240x128xf32, #tpu.memory_space<vmem_shared>> -> memref<40x128xf32, #tpu.memory_space<vmem_shared>>
      %dma_start3A_268 = arith.constant 0 : i32
      %dma_start3A_269 = tpu.memref_slice %arg19[%add3A_115, %dma_start3A_268] : memref<10240x128xf32, #tpu.memory_space<vmem_shared>> -> memref<40x128xf32, #tpu.memory_space<vmem_shared>>
      tpu.enqueue_dma source(%dma_start3A_269 : memref<40x128xf32, #tpu.memory_space<vmem_shared>>) target(%arg18 : memref<40x128xf32, #tpu.memory_space<vmem>>) target_semaphore(%run_scoped3A : memref<!tpu.dma_semaphore, #tpu.memory_space<semaphore_mem>>)
      %dma_wait3A = arith.constant 0 : i32
      %dma_wait3A_270 = tpu.memref_slice %arg19[%add3A_115, %dma_wait3A] : memref<10240x128xf32, #tpu.memory_space<vmem_shared>> -> memref<40x128xf32, #tpu.memory_space<vmem_shared>>
      %dma_wait3A_271 = arith.constant 0 : i32
      %dma_wait3A_272 = tpu.memref_slice %arg19[%add3A_115, %dma_wait3A_271] : memref<10240x128xf32, #tpu.memory_space<vmem_shared>> -> memref<40x128xf32, #tpu.memory_space<vmem_shared>>
      tpu.wait_dma2 semaphore(%run_scoped3A : memref<!tpu.dma_semaphore, #tpu.memory_space<semaphore_mem>>) src(%dma_wait3A_272 : memref<40x128xf32, #tpu.memory_space<vmem_shared>>) dst(%arg18 : memref<40x128xf32, #tpu.memory_space<vmem>>)
      tpu.yield
    }) : () -> ()
    %mul3A_116 = arith.constant 10240 : i32
    %mul3A_117 = arith.muli %arg0, %mul3A_116 : i32
    %mul3A_118 = arith.constant 640 : i32
    %mul3A_119 = arith.muli %arg1, %mul3A_118 : i32
    %add3A_120 = arith.addi %mul3A_117, %mul3A_119 : i32
    %add3A_121 = arith.constant 80 : i32
    %add3A_122 = arith.addi %add3A_120, %add3A_121 : i32
    "tpu.region"() ({
      %run_scoped3A = tpu.sem_alloc : memref<!tpu.dma_semaphore, #tpu.memory_space<semaphore_mem>>
      %dma_start3A_266 = arith.constant 0 : i32
      %dma_start3A_267 = tpu.memref_slice %arg7[%add3A_122, %dma_start3A_266] : memref<20480x128xf32, #tpu.memory_space<hbm>> -> memref<40x128xf32, #tpu.memory_space<hbm>>
      %dma_start3A_268 = arith.constant 0 : i32
      %dma_start3A_269 = tpu.memref_slice %arg7[%add3A_122, %dma_start3A_268] : memref<20480x128xf32, #tpu.memory_space<hbm>> -> memref<40x128xf32, #tpu.memory_space<hbm>>
      tpu.enqueue_dma source(%arg18 : memref<40x128xf32, #tpu.memory_space<vmem>>) target(%dma_start3A_269 : memref<40x128xf32, #tpu.memory_space<hbm>>) target_semaphore(%run_scoped3A : memref<!tpu.dma_semaphore, #tpu.memory_space<semaphore_mem>>)
      %dma_wait3A = arith.constant 0 : i32
      %dma_wait3A_270 = tpu.memref_slice %arg7[%add3A_122, %dma_wait3A] : memref<20480x128xf32, #tpu.memory_space<hbm>> -> memref<40x128xf32, #tpu.memory_space<hbm>>
      %dma_wait3A_271 = arith.constant 0 : i32
      %dma_wait3A_272 = tpu.memref_slice %arg7[%add3A_122, %dma_wait3A_271] : memref<20480x128xf32, #tpu.memory_space<hbm>> -> memref<40x128xf32, #tpu.memory_space<hbm>>
      tpu.wait_dma2 semaphore(%run_scoped3A : memref<!tpu.dma_semaphore, #tpu.memory_space<semaphore_mem>>) src(%arg18 : memref<40x128xf32, #tpu.memory_space<vmem>>) dst(%dma_wait3A_272 : memref<40x128xf32, #tpu.memory_space<hbm>>)
      tpu.yield
    }) : () -> ()
    %mul3A_123 = arith.constant 640 : i32
    %mul3A_124 = arith.muli %arg1, %mul3A_123 : i32
    %add3A_125 = arith.constant 120 : i32
    %add3A_126 = arith.addi %mul3A_124, %add3A_125 : i32
    "tpu.region"() ({
      %run_scoped3A = tpu.sem_alloc : memref<!tpu.dma_semaphore, #tpu.memory_space<semaphore_mem>>
      %dma_start3A_266 = arith.constant 0 : i32
      %dma_start3A_267 = tpu.memref_slice %arg19[%add3A_126, %dma_start3A_266] : memref<10240x128xf32, #tpu.memory_space<vmem_shared>> -> memref<40x128xf32, #tpu.memory_space<vmem_shared>>
      %dma_start3A_268 = arith.constant 0 : i32
      %dma_start3A_269 = tpu.memref_slice %arg19[%add3A_126, %dma_start3A_268] : memref<10240x128xf32, #tpu.memory_space<vmem_shared>> -> memref<40x128xf32, #tpu.memory_space<vmem_shared>>
      tpu.enqueue_dma source(%dma_start3A_269 : memref<40x128xf32, #tpu.memory_space<vmem_shared>>) target(%arg18 : memref<40x128xf32, #tpu.memory_space<vmem>>) target_semaphore(%run_scoped3A : memref<!tpu.dma_semaphore, #tpu.memory_space<semaphore_mem>>)
      %dma_wait3A = arith.constant 0 : i32
      %dma_wait3A_270 = tpu.memref_slice %arg19[%add3A_126, %dma_wait3A] : memref<10240x128xf32, #tpu.memory_space<vmem_shared>> -> memref<40x128xf32, #tpu.memory_space<vmem_shared>>
      %dma_wait3A_271 = arith.constant 0 : i32
      %dma_wait3A_272 = tpu.memref_slice %arg19[%add3A_126, %dma_wait3A_271] : memref<10240x128xf32, #tpu.memory_space<vmem_shared>> -> memref<40x128xf32, #tpu.memory_space<vmem_shared>>
      tpu.wait_dma2 semaphore(%run_scoped3A : memref<!tpu.dma_semaphore, #tpu.memory_space<semaphore_mem>>) src(%dma_wait3A_272 : memref<40x128xf32, #tpu.memory_space<vmem_shared>>) dst(%arg18 : memref<40x128xf32, #tpu.memory_space<vmem>>)
      tpu.yield
    }) : () -> ()
    %mul3A_127 = arith.constant 10240 : i32
    %mul3A_128 = arith.muli %arg0, %mul3A_127 : i32
    %mul3A_129 = arith.constant 640 : i32
    %mul3A_130 = arith.muli %arg1, %mul3A_129 : i32
    %add3A_131 = arith.addi %mul3A_128, %mul3A_130 : i32
    %add3A_132 = arith.constant 120 : i32
    %add3A_133 = arith.addi %add3A_131, %add3A_132 : i32
    "tpu.region"() ({
      %run_scoped3A = tpu.sem_alloc : memref<!tpu.dma_semaphore, #tpu.memory_space<semaphore_mem>>
      %dma_start3A_266 = arith.constant 0 : i32
      %dma_start3A_267 = tpu.memref_slice %arg7[%add3A_133, %dma_start3A_266] : memref<20480x128xf32, #tpu.memory_space<hbm>> -> memref<40x128xf32, #tpu.memory_space<hbm>>
      %dma_start3A_268 = arith.constant 0 : i32
      %dma_start3A_269 = tpu.memref_slice %arg7[%add3A_133, %dma_start3A_268] : memref<20480x128xf32, #tpu.memory_space<hbm>> -> memref<40x128xf32, #tpu.memory_space<hbm>>
      tpu.enqueue_dma source(%arg18 : memref<40x128xf32, #tpu.memory_space<vmem>>) target(%dma_start3A_269 : memref<40x128xf32, #tpu.memory_space<hbm>>) target_semaphore(%run_scoped3A : memref<!tpu.dma_semaphore, #tpu.memory_space<semaphore_mem>>)
      %dma_wait3A = arith.constant 0 : i32
      %dma_wait3A_270 = tpu.memref_slice %arg7[%add3A_133, %dma_wait3A] : memref<20480x128xf32, #tpu.memory_space<hbm>> -> memref<40x128xf32, #tpu.memory_space<hbm>>
      %dma_wait3A_271 = arith.constant 0 : i32
      %dma_wait3A_272 = tpu.memref_slice %arg7[%add3A_133, %dma_wait3A_271] : memref<20480x128xf32, #tpu.memory_space<hbm>> -> memref<40x128xf32, #tpu.memory_space<hbm>>
      tpu.wait_dma2 semaphore(%run_scoped3A : memref<!tpu.dma_semaphore, #tpu.memory_space<semaphore_mem>>) src(%arg18 : memref<40x128xf32, #tpu.memory_space<vmem>>) dst(%dma_wait3A_272 : memref<40x128xf32, #tpu.memory_space<hbm>>)
      tpu.yield
    }) : () -> ()
    %mul3A_134 = arith.constant 640 : i32
    %mul3A_135 = arith.muli %arg1, %mul3A_134 : i32
    %add3A_136 = arith.constant 160 : i32
    %add3A_137 = arith.addi %mul3A_135, %add3A_136 : i32
    "tpu.region"() ({
      %run_scoped3A = tpu.sem_alloc : memref<!tpu.dma_semaphore, #tpu.memory_space<semaphore_mem>>
      %dma_start3A_266 = arith.constant 0 : i32
      %dma_start3A_267 = tpu.memref_slice %arg19[%add3A_137, %dma_start3A_266] : memref<10240x128xf32, #tpu.memory_space<vmem_shared>> -> memref<40x128xf32, #tpu.memory_space<vmem_shared>>
      %dma_start3A_268 = arith.constant 0 : i32
      %dma_start3A_269 = tpu.memref_slice %arg19[%add3A_137, %dma_start3A_268] : memref<10240x128xf32, #tpu.memory_space<vmem_shared>> -> memref<40x128xf32, #tpu.memory_space<vmem_shared>>
      tpu.enqueue_dma source(%dma_start3A_269 : memref<40x128xf32, #tpu.memory_space<vmem_shared>>) target(%arg18 : memref<40x128xf32, #tpu.memory_space<vmem>>) target_semaphore(%run_scoped3A : memref<!tpu.dma_semaphore, #tpu.memory_space<semaphore_mem>>)
      %dma_wait3A = arith.constant 0 : i32
      %dma_wait3A_270 = tpu.memref_slice %arg19[%add3A_137, %dma_wait3A] : memref<10240x128xf32, #tpu.memory_space<vmem_shared>> -> memref<40x128xf32, #tpu.memory_space<vmem_shared>>
      %dma_wait3A_271 = arith.constant 0 : i32
      %dma_wait3A_272 = tpu.memref_slice %arg19[%add3A_137, %dma_wait3A_271] : memref<10240x128xf32, #tpu.memory_space<vmem_shared>> -> memref<40x128xf32, #tpu.memory_space<vmem_shared>>
      tpu.wait_dma2 semaphore(%run_scoped3A : memref<!tpu.dma_semaphore, #tpu.memory_space<semaphore_mem>>) src(%dma_wait3A_272 : memref<40x128xf32, #tpu.memory_space<vmem_shared>>) dst(%arg18 : memref<40x128xf32, #tpu.memory_space<vmem>>)
      tpu.yield
    }) : () -> ()
    %mul3A_138 = arith.constant 10240 : i32
    %mul3A_139 = arith.muli %arg0, %mul3A_138 : i32
    %mul3A_140 = arith.constant 640 : i32
    %mul3A_141 = arith.muli %arg1, %mul3A_140 : i32
    %add3A_142 = arith.addi %mul3A_139, %mul3A_141 : i32
    %add3A_143 = arith.constant 160 : i32
    %add3A_144 = arith.addi %add3A_142, %add3A_143 : i32
    "tpu.region"() ({
      %run_scoped3A = tpu.sem_alloc : memref<!tpu.dma_semaphore, #tpu.memory_space<semaphore_mem>>
      %dma_start3A_266 = arith.constant 0 : i32
      %dma_start3A_267 = tpu.memref_slice %arg7[%add3A_144, %dma_start3A_266] : memref<20480x128xf32, #tpu.memory_space<hbm>> -> memref<40x128xf32, #tpu.memory_space<hbm>>
      %dma_start3A_268 = arith.constant 0 : i32
      %dma_start3A_269 = tpu.memref_slice %arg7[%add3A_144, %dma_start3A_268] : memref<20480x128xf32, #tpu.memory_space<hbm>> -> memref<40x128xf32, #tpu.memory_space<hbm>>
      tpu.enqueue_dma source(%arg18 : memref<40x128xf32, #tpu.memory_space<vmem>>) target(%dma_start3A_269 : memref<40x128xf32, #tpu.memory_space<hbm>>) target_semaphore(%run_scoped3A : memref<!tpu.dma_semaphore, #tpu.memory_space<semaphore_mem>>)
      %dma_wait3A = arith.constant 0 : i32
      %dma_wait3A_270 = tpu.memref_slice %arg7[%add3A_144, %dma_wait3A] : memref<20480x128xf32, #tpu.memory_space<hbm>> -> memref<40x128xf32, #tpu.memory_space<hbm>>
      %dma_wait3A_271 = arith.constant 0 : i32
      %dma_wait3A_272 = tpu.memref_slice %arg7[%add3A_144, %dma_wait3A_271] : memref<20480x128xf32, #tpu.memory_space<hbm>> -> memref<40x128xf32, #tpu.memory_space<hbm>>
      tpu.wait_dma2 semaphore(%run_scoped3A : memref<!tpu.dma_semaphore, #tpu.memory_space<semaphore_mem>>) src(%arg18 : memref<40x128xf32, #tpu.memory_space<vmem>>) dst(%dma_wait3A_272 : memref<40x128xf32, #tpu.memory_space<hbm>>)
      tpu.yield
    }) : () -> ()
    %mul3A_145 = arith.constant 640 : i32
    %mul3A_146 = arith.muli %arg1, %mul3A_145 : i32
    %add3A_147 = arith.constant 200 : i32
    %add3A_148 = arith.addi %mul3A_146, %add3A_147 : i32
    "tpu.region"() ({
      %run_scoped3A = tpu.sem_alloc : memref<!tpu.dma_semaphore, #tpu.memory_space<semaphore_mem>>
      %dma_start3A_266 = arith.constant 0 : i32
      %dma_start3A_267 = tpu.memref_slice %arg19[%add3A_148, %dma_start3A_266] : memref<10240x128xf32, #tpu.memory_space<vmem_shared>> -> memref<40x128xf32, #tpu.memory_space<vmem_shared>>
      %dma_start3A_268 = arith.constant 0 : i32
      %dma_start3A_269 = tpu.memref_slice %arg19[%add3A_148, %dma_start3A_268] : memref<10240x128xf32, #tpu.memory_space<vmem_shared>> -> memref<40x128xf32, #tpu.memory_space<vmem_shared>>
      tpu.enqueue_dma source(%dma_start3A_269 : memref<40x128xf32, #tpu.memory_space<vmem_shared>>) target(%arg18 : memref<40x128xf32, #tpu.memory_space<vmem>>) target_semaphore(%run_scoped3A : memref<!tpu.dma_semaphore, #tpu.memory_space<semaphore_mem>>)
      %dma_wait3A = arith.constant 0 : i32
      %dma_wait3A_270 = tpu.memref_slice %arg19[%add3A_148, %dma_wait3A] : memref<10240x128xf32, #tpu.memory_space<vmem_shared>> -> memref<40x128xf32, #tpu.memory_space<vmem_shared>>
      %dma_wait3A_271 = arith.constant 0 : i32
      %dma_wait3A_272 = tpu.memref_slice %arg19[%add3A_148, %dma_wait3A_271] : memref<10240x128xf32, #tpu.memory_space<vmem_shared>> -> memref<40x128xf32, #tpu.memory_space<vmem_shared>>
      tpu.wait_dma2 semaphore(%run_scoped3A : memref<!tpu.dma_semaphore, #tpu.memory_space<semaphore_mem>>) src(%dma_wait3A_272 : memref<40x128xf32, #tpu.memory_space<vmem_shared>>) dst(%arg18 : memref<40x128xf32, #tpu.memory_space<vmem>>)
      tpu.yield
    }) : () -> ()
    %mul3A_149 = arith.constant 10240 : i32
    %mul3A_150 = arith.muli %arg0, %mul3A_149 : i32
    %mul3A_151 = arith.constant 640 : i32
    %mul3A_152 = arith.muli %arg1, %mul3A_151 : i32
    %add3A_153 = arith.addi %mul3A_150, %mul3A_152 : i32
    %add3A_154 = arith.constant 200 : i32
    %add3A_155 = arith.addi %add3A_153, %add3A_154 : i32
    "tpu.region"() ({
      %run_scoped3A = tpu.sem_alloc : memref<!tpu.dma_semaphore, #tpu.memory_space<semaphore_mem>>
      %dma_start3A_266 = arith.constant 0 : i32
      %dma_start3A_267 = tpu.memref_slice %arg7[%add3A_155, %dma_start3A_266] : memref<20480x128xf32, #tpu.memory_space<hbm>> -> memref<40x128xf32, #tpu.memory_space<hbm>>
      %dma_start3A_268 = arith.constant 0 : i32
      %dma_start3A_269 = tpu.memref_slice %arg7[%add3A_155, %dma_start3A_268] : memref<20480x128xf32, #tpu.memory_space<hbm>> -> memref<40x128xf32, #tpu.memory_space<hbm>>
      tpu.enqueue_dma source(%arg18 : memref<40x128xf32, #tpu.memory_space<vmem>>) target(%dma_start3A_269 : memref<40x128xf32, #tpu.memory_space<hbm>>) target_semaphore(%run_scoped3A : memref<!tpu.dma_semaphore, #tpu.memory_space<semaphore_mem>>)
      %dma_wait3A = arith.constant 0 : i32
      %dma_wait3A_270 = tpu.memref_slice %arg7[%add3A_155, %dma_wait3A] : memref<20480x128xf32, #tpu.memory_space<hbm>> -> memref<40x128xf32, #tpu.memory_space<hbm>>
      %dma_wait3A_271 = arith.constant 0 : i32
      %dma_wait3A_272 = tpu.memref_slice %arg7[%add3A_155, %dma_wait3A_271] : memref<20480x128xf32, #tpu.memory_space<hbm>> -> memref<40x128xf32, #tpu.memory_space<hbm>>
      tpu.wait_dma2 semaphore(%run_scoped3A : memref<!tpu.dma_semaphore, #tpu.memory_space<semaphore_mem>>) src(%arg18 : memref<40x128xf32, #tpu.memory_space<vmem>>) dst(%dma_wait3A_272 : memref<40x128xf32, #tpu.memory_space<hbm>>)
      tpu.yield
    }) : () -> ()
    %mul3A_156 = arith.constant 640 : i32
    %mul3A_157 = arith.muli %arg1, %mul3A_156 : i32
    %add3A_158 = arith.constant 240 : i32
    %add3A_159 = arith.addi %mul3A_157, %add3A_158 : i32
    "tpu.region"() ({
      %run_scoped3A = tpu.sem_alloc : memref<!tpu.dma_semaphore, #tpu.memory_space<semaphore_mem>>
      %dma_start3A_266 = arith.constant 0 : i32
      %dma_start3A_267 = tpu.memref_slice %arg19[%add3A_159, %dma_start3A_266] : memref<10240x128xf32, #tpu.memory_space<vmem_shared>> -> memref<40x128xf32, #tpu.memory_space<vmem_shared>>
      %dma_start3A_268 = arith.constant 0 : i32
      %dma_start3A_269 = tpu.memref_slice %arg19[%add3A_159, %dma_start3A_268] : memref<10240x128xf32, #tpu.memory_space<vmem_shared>> -> memref<40x128xf32, #tpu.memory_space<vmem_shared>>
      tpu.enqueue_dma source(%dma_start3A_269 : memref<40x128xf32, #tpu.memory_space<vmem_shared>>) target(%arg18 : memref<40x128xf32, #tpu.memory_space<vmem>>) target_semaphore(%run_scoped3A : memref<!tpu.dma_semaphore, #tpu.memory_space<semaphore_mem>>)
      %dma_wait3A = arith.constant 0 : i32
      %dma_wait3A_270 = tpu.memref_slice %arg19[%add3A_159, %dma_wait3A] : memref<10240x128xf32, #tpu.memory_space<vmem_shared>> -> memref<40x128xf32, #tpu.memory_space<vmem_shared>>
      %dma_wait3A_271 = arith.constant 0 : i32
      %dma_wait3A_272 = tpu.memref_slice %arg19[%add3A_159, %dma_wait3A_271] : memref<10240x128xf32, #tpu.memory_space<vmem_shared>> -> memref<40x128xf32, #tpu.memory_space<vmem_shared>>
      tpu.wait_dma2 semaphore(%run_scoped3A : memref<!tpu.dma_semaphore, #tpu.memory_space<semaphore_mem>>) src(%dma_wait3A_272 : memref<40x128xf32, #tpu.memory_space<vmem_shared>>) dst(%arg18 : memref<40x128xf32, #tpu.memory_space<vmem>>)
      tpu.yield
    }) : () -> ()
    %mul3A_160 = arith.constant 10240 : i32
    %mul3A_161 = arith.muli %arg0, %mul3A_160 : i32
    %mul3A_162 = arith.constant 640 : i32
    %mul3A_163 = arith.muli %arg1, %mul3A_162 : i32
    %add3A_164 = arith.addi %mul3A_161, %mul3A_163 : i32
    %add3A_165 = arith.constant 240 : i32
    %add3A_166 = arith.addi %add3A_164, %add3A_165 : i32
    "tpu.region"() ({
      %run_scoped3A = tpu.sem_alloc : memref<!tpu.dma_semaphore, #tpu.memory_space<semaphore_mem>>
      %dma_start3A_266 = arith.constant 0 : i32
      %dma_start3A_267 = tpu.memref_slice %arg7[%add3A_166, %dma_start3A_266] : memref<20480x128xf32, #tpu.memory_space<hbm>> -> memref<40x128xf32, #tpu.memory_space<hbm>>
      %dma_start3A_268 = arith.constant 0 : i32
      %dma_start3A_269 = tpu.memref_slice %arg7[%add3A_166, %dma_start3A_268] : memref<20480x128xf32, #tpu.memory_space<hbm>> -> memref<40x128xf32, #tpu.memory_space<hbm>>
      tpu.enqueue_dma source(%arg18 : memref<40x128xf32, #tpu.memory_space<vmem>>) target(%dma_start3A_269 : memref<40x128xf32, #tpu.memory_space<hbm>>) target_semaphore(%run_scoped3A : memref<!tpu.dma_semaphore, #tpu.memory_space<semaphore_mem>>)
      %dma_wait3A = arith.constant 0 : i32
      %dma_wait3A_270 = tpu.memref_slice %arg7[%add3A_166, %dma_wait3A] : memref<20480x128xf32, #tpu.memory_space<hbm>> -> memref<40x128xf32, #tpu.memory_space<hbm>>
      %dma_wait3A_271 = arith.constant 0 : i32
      %dma_wait3A_272 = tpu.memref_slice %arg7[%add3A_166, %dma_wait3A_271] : memref<20480x128xf32, #tpu.memory_space<hbm>> -> memref<40x128xf32, #tpu.memory_space<hbm>>
      tpu.wait_dma2 semaphore(%run_scoped3A : memref<!tpu.dma_semaphore, #tpu.memory_space<semaphore_mem>>) src(%arg18 : memref<40x128xf32, #tpu.memory_space<vmem>>) dst(%dma_wait3A_272 : memref<40x128xf32, #tpu.memory_space<hbm>>)
      tpu.yield
    }) : () -> ()
    %mul3A_167 = arith.constant 640 : i32
    %mul3A_168 = arith.muli %arg1, %mul3A_167 : i32
    %add3A_169 = arith.constant 280 : i32
    %add3A_170 = arith.addi %mul3A_168, %add3A_169 : i32
    "tpu.region"() ({
      %run_scoped3A = tpu.sem_alloc : memref<!tpu.dma_semaphore, #tpu.memory_space<semaphore_mem>>
      %dma_start3A_266 = arith.constant 0 : i32
      %dma_start3A_267 = tpu.memref_slice %arg19[%add3A_170, %dma_start3A_266] : memref<10240x128xf32, #tpu.memory_space<vmem_shared>> -> memref<40x128xf32, #tpu.memory_space<vmem_shared>>
      %dma_start3A_268 = arith.constant 0 : i32
      %dma_start3A_269 = tpu.memref_slice %arg19[%add3A_170, %dma_start3A_268] : memref<10240x128xf32, #tpu.memory_space<vmem_shared>> -> memref<40x128xf32, #tpu.memory_space<vmem_shared>>
      tpu.enqueue_dma source(%dma_start3A_269 : memref<40x128xf32, #tpu.memory_space<vmem_shared>>) target(%arg18 : memref<40x128xf32, #tpu.memory_space<vmem>>) target_semaphore(%run_scoped3A : memref<!tpu.dma_semaphore, #tpu.memory_space<semaphore_mem>>)
      %dma_wait3A = arith.constant 0 : i32
      %dma_wait3A_270 = tpu.memref_slice %arg19[%add3A_170, %dma_wait3A] : memref<10240x128xf32, #tpu.memory_space<vmem_shared>> -> memref<40x128xf32, #tpu.memory_space<vmem_shared>>
      %dma_wait3A_271 = arith.constant 0 : i32
      %dma_wait3A_272 = tpu.memref_slice %arg19[%add3A_170, %dma_wait3A_271] : memref<10240x128xf32, #tpu.memory_space<vmem_shared>> -> memref<40x128xf32, #tpu.memory_space<vmem_shared>>
      tpu.wait_dma2 semaphore(%run_scoped3A : memref<!tpu.dma_semaphore, #tpu.memory_space<semaphore_mem>>) src(%dma_wait3A_272 : memref<40x128xf32, #tpu.memory_space<vmem_shared>>) dst(%arg18 : memref<40x128xf32, #tpu.memory_space<vmem>>)
      tpu.yield
    }) : () -> ()
    %mul3A_171 = arith.constant 10240 : i32
    %mul3A_172 = arith.muli %arg0, %mul3A_171 : i32
    %mul3A_173 = arith.constant 640 : i32
    %mul3A_174 = arith.muli %arg1, %mul3A_173 : i32
    %add3A_175 = arith.addi %mul3A_172, %mul3A_174 : i32
    %add3A_176 = arith.constant 280 : i32
    %add3A_177 = arith.addi %add3A_175, %add3A_176 : i32
    "tpu.region"() ({
      %run_scoped3A = tpu.sem_alloc : memref<!tpu.dma_semaphore, #tpu.memory_space<semaphore_mem>>
      %dma_start3A_266 = arith.constant 0 : i32
      %dma_start3A_267 = tpu.memref_slice %arg7[%add3A_177, %dma_start3A_266] : memref<20480x128xf32, #tpu.memory_space<hbm>> -> memref<40x128xf32, #tpu.memory_space<hbm>>
      %dma_start3A_268 = arith.constant 0 : i32
      %dma_start3A_269 = tpu.memref_slice %arg7[%add3A_177, %dma_start3A_268] : memref<20480x128xf32, #tpu.memory_space<hbm>> -> memref<40x128xf32, #tpu.memory_space<hbm>>
      tpu.enqueue_dma source(%arg18 : memref<40x128xf32, #tpu.memory_space<vmem>>) target(%dma_start3A_269 : memref<40x128xf32, #tpu.memory_space<hbm>>) target_semaphore(%run_scoped3A : memref<!tpu.dma_semaphore, #tpu.memory_space<semaphore_mem>>)
      %dma_wait3A = arith.constant 0 : i32
      %dma_wait3A_270 = tpu.memref_slice %arg7[%add3A_177, %dma_wait3A] : memref<20480x128xf32, #tpu.memory_space<hbm>> -> memref<40x128xf32, #tpu.memory_space<hbm>>
      %dma_wait3A_271 = arith.constant 0 : i32
      %dma_wait3A_272 = tpu.memref_slice %arg7[%add3A_177, %dma_wait3A_271] : memref<20480x128xf32, #tpu.memory_space<hbm>> -> memref<40x128xf32, #tpu.memory_space<hbm>>
      tpu.wait_dma2 semaphore(%run_scoped3A : memref<!tpu.dma_semaphore, #tpu.memory_space<semaphore_mem>>) src(%arg18 : memref<40x128xf32, #tpu.memory_space<vmem>>) dst(%dma_wait3A_272 : memref<40x128xf32, #tpu.memory_space<hbm>>)
      tpu.yield
    }) : () -> ()
    %mul3A_178 = arith.constant 640 : i32
    %mul3A_179 = arith.muli %arg1, %mul3A_178 : i32
    %add3A_180 = arith.constant 320 : i32
    %add3A_181 = arith.addi %mul3A_179, %add3A_180 : i32
    "tpu.region"() ({
      %run_scoped3A = tpu.sem_alloc : memref<!tpu.dma_semaphore, #tpu.memory_space<semaphore_mem>>
      %dma_start3A_266 = arith.constant 0 : i32
      %dma_start3A_267 = tpu.memref_slice %arg19[%add3A_181, %dma_start3A_266] : memref<10240x128xf32, #tpu.memory_space<vmem_shared>> -> memref<40x128xf32, #tpu.memory_space<vmem_shared>>
      %dma_start3A_268 = arith.constant 0 : i32
      %dma_start3A_269 = tpu.memref_slice %arg19[%add3A_181, %dma_start3A_268] : memref<10240x128xf32, #tpu.memory_space<vmem_shared>> -> memref<40x128xf32, #tpu.memory_space<vmem_shared>>
      tpu.enqueue_dma source(%dma_start3A_269 : memref<40x128xf32, #tpu.memory_space<vmem_shared>>) target(%arg18 : memref<40x128xf32, #tpu.memory_space<vmem>>) target_semaphore(%run_scoped3A : memref<!tpu.dma_semaphore, #tpu.memory_space<semaphore_mem>>)
      %dma_wait3A = arith.constant 0 : i32
      %dma_wait3A_270 = tpu.memref_slice %arg19[%add3A_181, %dma_wait3A] : memref<10240x128xf32, #tpu.memory_space<vmem_shared>> -> memref<40x128xf32, #tpu.memory_space<vmem_shared>>
      %dma_wait3A_271 = arith.constant 0 : i32
      %dma_wait3A_272 = tpu.memref_slice %arg19[%add3A_181, %dma_wait3A_271] : memref<10240x128xf32, #tpu.memory_space<vmem_shared>> -> memref<40x128xf32, #tpu.memory_space<vmem_shared>>
      tpu.wait_dma2 semaphore(%run_scoped3A : memref<!tpu.dma_semaphore, #tpu.memory_space<semaphore_mem>>) src(%dma_wait3A_272 : memref<40x128xf32, #tpu.memory_space<vmem_shared>>) dst(%arg18 : memref<40x128xf32, #tpu.memory_space<vmem>>)
      tpu.yield
    }) : () -> ()
    %mul3A_182 = arith.constant 10240 : i32
    %mul3A_183 = arith.muli %arg0, %mul3A_182 : i32
    %mul3A_184 = arith.constant 640 : i32
    %mul3A_185 = arith.muli %arg1, %mul3A_184 : i32
    %add3A_186 = arith.addi %mul3A_183, %mul3A_185 : i32
    %add3A_187 = arith.constant 320 : i32
    %add3A_188 = arith.addi %add3A_186, %add3A_187 : i32
    "tpu.region"() ({
      %run_scoped3A = tpu.sem_alloc : memref<!tpu.dma_semaphore, #tpu.memory_space<semaphore_mem>>
      %dma_start3A_266 = arith.constant 0 : i32
      %dma_start3A_267 = tpu.memref_slice %arg7[%add3A_188, %dma_start3A_266] : memref<20480x128xf32, #tpu.memory_space<hbm>> -> memref<40x128xf32, #tpu.memory_space<hbm>>
      %dma_start3A_268 = arith.constant 0 : i32
      %dma_start3A_269 = tpu.memref_slice %arg7[%add3A_188, %dma_start3A_268] : memref<20480x128xf32, #tpu.memory_space<hbm>> -> memref<40x128xf32, #tpu.memory_space<hbm>>
      tpu.enqueue_dma source(%arg18 : memref<40x128xf32, #tpu.memory_space<vmem>>) target(%dma_start3A_269 : memref<40x128xf32, #tpu.memory_space<hbm>>) target_semaphore(%run_scoped3A : memref<!tpu.dma_semaphore, #tpu.memory_space<semaphore_mem>>)
      %dma_wait3A = arith.constant 0 : i32
      %dma_wait3A_270 = tpu.memref_slice %arg7[%add3A_188, %dma_wait3A] : memref<20480x128xf32, #tpu.memory_space<hbm>> -> memref<40x128xf32, #tpu.memory_space<hbm>>
      %dma_wait3A_271 = arith.constant 0 : i32
      %dma_wait3A_272 = tpu.memref_slice %arg7[%add3A_188, %dma_wait3A_271] : memref<20480x128xf32, #tpu.memory_space<hbm>> -> memref<40x128xf32, #tpu.memory_space<hbm>>
      tpu.wait_dma2 semaphore(%run_scoped3A : memref<!tpu.dma_semaphore, #tpu.memory_space<semaphore_mem>>) src(%arg18 : memref<40x128xf32, #tpu.memory_space<vmem>>) dst(%dma_wait3A_272 : memref<40x128xf32, #tpu.memory_space<hbm>>)
      tpu.yield
    }) : () -> ()
    %mul3A_189 = arith.constant 640 : i32
    %mul3A_190 = arith.muli %arg1, %mul3A_189 : i32
    %add3A_191 = arith.constant 360 : i32
    %add3A_192 = arith.addi %mul3A_190, %add3A_191 : i32
    "tpu.region"() ({
      %run_scoped3A = tpu.sem_alloc : memref<!tpu.dma_semaphore, #tpu.memory_space<semaphore_mem>>
      %dma_start3A_266 = arith.constant 0 : i32
      %dma_start3A_267 = tpu.memref_slice %arg19[%add3A_192, %dma_start3A_266] : memref<10240x128xf32, #tpu.memory_space<vmem_shared>> -> memref<40x128xf32, #tpu.memory_space<vmem_shared>>
      %dma_start3A_268 = arith.constant 0 : i32
      %dma_start3A_269 = tpu.memref_slice %arg19[%add3A_192, %dma_start3A_268] : memref<10240x128xf32, #tpu.memory_space<vmem_shared>> -> memref<40x128xf32, #tpu.memory_space<vmem_shared>>
      tpu.enqueue_dma source(%dma_start3A_269 : memref<40x128xf32, #tpu.memory_space<vmem_shared>>) target(%arg18 : memref<40x128xf32, #tpu.memory_space<vmem>>) target_semaphore(%run_scoped3A : memref<!tpu.dma_semaphore, #tpu.memory_space<semaphore_mem>>)
      %dma_wait3A = arith.constant 0 : i32
      %dma_wait3A_270 = tpu.memref_slice %arg19[%add3A_192, %dma_wait3A] : memref<10240x128xf32, #tpu.memory_space<vmem_shared>> -> memref<40x128xf32, #tpu.memory_space<vmem_shared>>
      %dma_wait3A_271 = arith.constant 0 : i32
      %dma_wait3A_272 = tpu.memref_slice %arg19[%add3A_192, %dma_wait3A_271] : memref<10240x128xf32, #tpu.memory_space<vmem_shared>> -> memref<40x128xf32, #tpu.memory_space<vmem_shared>>
      tpu.wait_dma2 semaphore(%run_scoped3A : memref<!tpu.dma_semaphore, #tpu.memory_space<semaphore_mem>>) src(%dma_wait3A_272 : memref<40x128xf32, #tpu.memory_space<vmem_shared>>) dst(%arg18 : memref<40x128xf32, #tpu.memory_space<vmem>>)
      tpu.yield
    }) : () -> ()
    %mul3A_193 = arith.constant 10240 : i32
    %mul3A_194 = arith.muli %arg0, %mul3A_193 : i32
    %mul3A_195 = arith.constant 640 : i32
    %mul3A_196 = arith.muli %arg1, %mul3A_195 : i32
    %add3A_197 = arith.addi %mul3A_194, %mul3A_196 : i32
    %add3A_198 = arith.constant 360 : i32
    %add3A_199 = arith.addi %add3A_197, %add3A_198 : i32
    "tpu.region"() ({
      %run_scoped3A = tpu.sem_alloc : memref<!tpu.dma_semaphore, #tpu.memory_space<semaphore_mem>>
      %dma_start3A_266 = arith.constant 0 : i32
      %dma_start3A_267 = tpu.memref_slice %arg7[%add3A_199, %dma_start3A_266] : memref<20480x128xf32, #tpu.memory_space<hbm>> -> memref<40x128xf32, #tpu.memory_space<hbm>>
      %dma_start3A_268 = arith.constant 0 : i32
      %dma_start3A_269 = tpu.memref_slice %arg7[%add3A_199, %dma_start3A_268] : memref<20480x128xf32, #tpu.memory_space<hbm>> -> memref<40x128xf32, #tpu.memory_space<hbm>>
      tpu.enqueue_dma source(%arg18 : memref<40x128xf32, #tpu.memory_space<vmem>>) target(%dma_start3A_269 : memref<40x128xf32, #tpu.memory_space<hbm>>) target_semaphore(%run_scoped3A : memref<!tpu.dma_semaphore, #tpu.memory_space<semaphore_mem>>)
      %dma_wait3A = arith.constant 0 : i32
      %dma_wait3A_270 = tpu.memref_slice %arg7[%add3A_199, %dma_wait3A] : memref<20480x128xf32, #tpu.memory_space<hbm>> -> memref<40x128xf32, #tpu.memory_space<hbm>>
      %dma_wait3A_271 = arith.constant 0 : i32
      %dma_wait3A_272 = tpu.memref_slice %arg7[%add3A_199, %dma_wait3A_271] : memref<20480x128xf32, #tpu.memory_space<hbm>> -> memref<40x128xf32, #tpu.memory_space<hbm>>
      tpu.wait_dma2 semaphore(%run_scoped3A : memref<!tpu.dma_semaphore, #tpu.memory_space<semaphore_mem>>) src(%arg18 : memref<40x128xf32, #tpu.memory_space<vmem>>) dst(%dma_wait3A_272 : memref<40x128xf32, #tpu.memory_space<hbm>>)
      tpu.yield
    }) : () -> ()
    %mul3A_200 = arith.constant 640 : i32
    %mul3A_201 = arith.muli %arg1, %mul3A_200 : i32
    %add3A_202 = arith.constant 400 : i32
    %add3A_203 = arith.addi %mul3A_201, %add3A_202 : i32
    "tpu.region"() ({
      %run_scoped3A = tpu.sem_alloc : memref<!tpu.dma_semaphore, #tpu.memory_space<semaphore_mem>>
      %dma_start3A_266 = arith.constant 0 : i32
      %dma_start3A_267 = tpu.memref_slice %arg19[%add3A_203, %dma_start3A_266] : memref<10240x128xf32, #tpu.memory_space<vmem_shared>> -> memref<40x128xf32, #tpu.memory_space<vmem_shared>>
      %dma_start3A_268 = arith.constant 0 : i32
      %dma_start3A_269 = tpu.memref_slice %arg19[%add3A_203, %dma_start3A_268] : memref<10240x128xf32, #tpu.memory_space<vmem_shared>> -> memref<40x128xf32, #tpu.memory_space<vmem_shared>>
      tpu.enqueue_dma source(%dma_start3A_269 : memref<40x128xf32, #tpu.memory_space<vmem_shared>>) target(%arg18 : memref<40x128xf32, #tpu.memory_space<vmem>>) target_semaphore(%run_scoped3A : memref<!tpu.dma_semaphore, #tpu.memory_space<semaphore_mem>>)
      %dma_wait3A = arith.constant 0 : i32
      %dma_wait3A_270 = tpu.memref_slice %arg19[%add3A_203, %dma_wait3A] : memref<10240x128xf32, #tpu.memory_space<vmem_shared>> -> memref<40x128xf32, #tpu.memory_space<vmem_shared>>
      %dma_wait3A_271 = arith.constant 0 : i32
      %dma_wait3A_272 = tpu.memref_slice %arg19[%add3A_203, %dma_wait3A_271] : memref<10240x128xf32, #tpu.memory_space<vmem_shared>> -> memref<40x128xf32, #tpu.memory_space<vmem_shared>>
      tpu.wait_dma2 semaphore(%run_scoped3A : memref<!tpu.dma_semaphore, #tpu.memory_space<semaphore_mem>>) src(%dma_wait3A_272 : memref<40x128xf32, #tpu.memory_space<vmem_shared>>) dst(%arg18 : memref<40x128xf32, #tpu.memory_space<vmem>>)
      tpu.yield
    }) : () -> ()
    %mul3A_204 = arith.constant 10240 : i32
    %mul3A_205 = arith.muli %arg0, %mul3A_204 : i32
    %mul3A_206 = arith.constant 640 : i32
    %mul3A_207 = arith.muli %arg1, %mul3A_206 : i32
    %add3A_208 = arith.addi %mul3A_205, %mul3A_207 : i32
    %add3A_209 = arith.constant 400 : i32
    %add3A_210 = arith.addi %add3A_208, %add3A_209 : i32
    "tpu.region"() ({
      %run_scoped3A = tpu.sem_alloc : memref<!tpu.dma_semaphore, #tpu.memory_space<semaphore_mem>>
      %dma_start3A_266 = arith.constant 0 : i32
      %dma_start3A_267 = tpu.memref_slice %arg7[%add3A_210, %dma_start3A_266] : memref<20480x128xf32, #tpu.memory_space<hbm>> -> memref<40x128xf32, #tpu.memory_space<hbm>>
      %dma_start3A_268 = arith.constant 0 : i32
      %dma_start3A_269 = tpu.memref_slice %arg7[%add3A_210, %dma_start3A_268] : memref<20480x128xf32, #tpu.memory_space<hbm>> -> memref<40x128xf32, #tpu.memory_space<hbm>>
      tpu.enqueue_dma source(%arg18 : memref<40x128xf32, #tpu.memory_space<vmem>>) target(%dma_start3A_269 : memref<40x128xf32, #tpu.memory_space<hbm>>) target_semaphore(%run_scoped3A : memref<!tpu.dma_semaphore, #tpu.memory_space<semaphore_mem>>)
      %dma_wait3A = arith.constant 0 : i32
      %dma_wait3A_270 = tpu.memref_slice %arg7[%add3A_210, %dma_wait3A] : memref<20480x128xf32, #tpu.memory_space<hbm>> -> memref<40x128xf32, #tpu.memory_space<hbm>>
      %dma_wait3A_271 = arith.constant 0 : i32
      %dma_wait3A_272 = tpu.memref_slice %arg7[%add3A_210, %dma_wait3A_271] : memref<20480x128xf32, #tpu.memory_space<hbm>> -> memref<40x128xf32, #tpu.memory_space<hbm>>
      tpu.wait_dma2 semaphore(%run_scoped3A : memref<!tpu.dma_semaphore, #tpu.memory_space<semaphore_mem>>) src(%arg18 : memref<40x128xf32, #tpu.memory_space<vmem>>) dst(%dma_wait3A_272 : memref<40x128xf32, #tpu.memory_space<hbm>>)
      tpu.yield
    }) : () -> ()
    %mul3A_211 = arith.constant 640 : i32
    %mul3A_212 = arith.muli %arg1, %mul3A_211 : i32
    %add3A_213 = arith.constant 440 : i32
    %add3A_214 = arith.addi %mul3A_212, %add3A_213 : i32
    "tpu.region"() ({
      %run_scoped3A = tpu.sem_alloc : memref<!tpu.dma_semaphore, #tpu.memory_space<semaphore_mem>>
      %dma_start3A_266 = arith.constant 0 : i32
      %dma_start3A_267 = tpu.memref_slice %arg19[%add3A_214, %dma_start3A_266] : memref<10240x128xf32, #tpu.memory_space<vmem_shared>> -> memref<40x128xf32, #tpu.memory_space<vmem_shared>>
      %dma_start3A_268 = arith.constant 0 : i32
      %dma_start3A_269 = tpu.memref_slice %arg19[%add3A_214, %dma_start3A_268] : memref<10240x128xf32, #tpu.memory_space<vmem_shared>> -> memref<40x128xf32, #tpu.memory_space<vmem_shared>>
      tpu.enqueue_dma source(%dma_start3A_269 : memref<40x128xf32, #tpu.memory_space<vmem_shared>>) target(%arg18 : memref<40x128xf32, #tpu.memory_space<vmem>>) target_semaphore(%run_scoped3A : memref<!tpu.dma_semaphore, #tpu.memory_space<semaphore_mem>>)
      %dma_wait3A = arith.constant 0 : i32
      %dma_wait3A_270 = tpu.memref_slice %arg19[%add3A_214, %dma_wait3A] : memref<10240x128xf32, #tpu.memory_space<vmem_shared>> -> memref<40x128xf32, #tpu.memory_space<vmem_shared>>
      %dma_wait3A_271 = arith.constant 0 : i32
      %dma_wait3A_272 = tpu.memref_slice %arg19[%add3A_214, %dma_wait3A_271] : memref<10240x128xf32, #tpu.memory_space<vmem_shared>> -> memref<40x128xf32, #tpu.memory_space<vmem_shared>>
      tpu.wait_dma2 semaphore(%run_scoped3A : memref<!tpu.dma_semaphore, #tpu.memory_space<semaphore_mem>>) src(%dma_wait3A_272 : memref<40x128xf32, #tpu.memory_space<vmem_shared>>) dst(%arg18 : memref<40x128xf32, #tpu.memory_space<vmem>>)
      tpu.yield
    }) : () -> ()
    %mul3A_215 = arith.constant 10240 : i32
    %mul3A_216 = arith.muli %arg0, %mul3A_215 : i32
    %mul3A_217 = arith.constant 640 : i32
    %mul3A_218 = arith.muli %arg1, %mul3A_217 : i32
    %add3A_219 = arith.addi %mul3A_216, %mul3A_218 : i32
    %add3A_220 = arith.constant 440 : i32
    %add3A_221 = arith.addi %add3A_219, %add3A_220 : i32
    "tpu.region"() ({
      %run_scoped3A = tpu.sem_alloc : memref<!tpu.dma_semaphore, #tpu.memory_space<semaphore_mem>>
      %dma_start3A_266 = arith.constant 0 : i32
      %dma_start3A_267 = tpu.memref_slice %arg7[%add3A_221, %dma_start3A_266] : memref<20480x128xf32, #tpu.memory_space<hbm>> -> memref<40x128xf32, #tpu.memory_space<hbm>>
      %dma_start3A_268 = arith.constant 0 : i32
      %dma_start3A_269 = tpu.memref_slice %arg7[%add3A_221, %dma_start3A_268] : memref<20480x128xf32, #tpu.memory_space<hbm>> -> memref<40x128xf32, #tpu.memory_space<hbm>>
      tpu.enqueue_dma source(%arg18 : memref<40x128xf32, #tpu.memory_space<vmem>>) target(%dma_start3A_269 : memref<40x128xf32, #tpu.memory_space<hbm>>) target_semaphore(%run_scoped3A : memref<!tpu.dma_semaphore, #tpu.memory_space<semaphore_mem>>)
      %dma_wait3A = arith.constant 0 : i32
      %dma_wait3A_270 = tpu.memref_slice %arg7[%add3A_221, %dma_wait3A] : memref<20480x128xf32, #tpu.memory_space<hbm>> -> memref<40x128xf32, #tpu.memory_space<hbm>>
      %dma_wait3A_271 = arith.constant 0 : i32
      %dma_wait3A_272 = tpu.memref_slice %arg7[%add3A_221, %dma_wait3A_271] : memref<20480x128xf32, #tpu.memory_space<hbm>> -> memref<40x128xf32, #tpu.memory_space<hbm>>
      tpu.wait_dma2 semaphore(%run_scoped3A : memref<!tpu.dma_semaphore, #tpu.memory_space<semaphore_mem>>) src(%arg18 : memref<40x128xf32, #tpu.memory_space<vmem>>) dst(%dma_wait3A_272 : memref<40x128xf32, #tpu.memory_space<hbm>>)
      tpu.yield
    }) : () -> ()
    %mul3A_222 = arith.constant 640 : i32
    %mul3A_223 = arith.muli %arg1, %mul3A_222 : i32
    %add3A_224 = arith.constant 480 : i32
    %add3A_225 = arith.addi %mul3A_223, %add3A_224 : i32
    "tpu.region"() ({
      %run_scoped3A = tpu.sem_alloc : memref<!tpu.dma_semaphore, #tpu.memory_space<semaphore_mem>>
      %dma_start3A_266 = arith.constant 0 : i32
      %dma_start3A_267 = tpu.memref_slice %arg19[%add3A_225, %dma_start3A_266] : memref<10240x128xf32, #tpu.memory_space<vmem_shared>> -> memref<40x128xf32, #tpu.memory_space<vmem_shared>>
      %dma_start3A_268 = arith.constant 0 : i32
      %dma_start3A_269 = tpu.memref_slice %arg19[%add3A_225, %dma_start3A_268] : memref<10240x128xf32, #tpu.memory_space<vmem_shared>> -> memref<40x128xf32, #tpu.memory_space<vmem_shared>>
      tpu.enqueue_dma source(%dma_start3A_269 : memref<40x128xf32, #tpu.memory_space<vmem_shared>>) target(%arg18 : memref<40x128xf32, #tpu.memory_space<vmem>>) target_semaphore(%run_scoped3A : memref<!tpu.dma_semaphore, #tpu.memory_space<semaphore_mem>>)
      %dma_wait3A = arith.constant 0 : i32
      %dma_wait3A_270 = tpu.memref_slice %arg19[%add3A_225, %dma_wait3A] : memref<10240x128xf32, #tpu.memory_space<vmem_shared>> -> memref<40x128xf32, #tpu.memory_space<vmem_shared>>
      %dma_wait3A_271 = arith.constant 0 : i32
      %dma_wait3A_272 = tpu.memref_slice %arg19[%add3A_225, %dma_wait3A_271] : memref<10240x128xf32, #tpu.memory_space<vmem_shared>> -> memref<40x128xf32, #tpu.memory_space<vmem_shared>>
      tpu.wait_dma2 semaphore(%run_scoped3A : memref<!tpu.dma_semaphore, #tpu.memory_space<semaphore_mem>>) src(%dma_wait3A_272 : memref<40x128xf32, #tpu.memory_space<vmem_shared>>) dst(%arg18 : memref<40x128xf32, #tpu.memory_space<vmem>>)
      tpu.yield
    }) : () -> ()
    %mul3A_226 = arith.constant 10240 : i32
    %mul3A_227 = arith.muli %arg0, %mul3A_226 : i32
    %mul3A_228 = arith.constant 640 : i32
    %mul3A_229 = arith.muli %arg1, %mul3A_228 : i32
    %add3A_230 = arith.addi %mul3A_227, %mul3A_229 : i32
    %add3A_231 = arith.constant 480 : i32
    %add3A_232 = arith.addi %add3A_230, %add3A_231 : i32
    "tpu.region"() ({
      %run_scoped3A = tpu.sem_alloc : memref<!tpu.dma_semaphore, #tpu.memory_space<semaphore_mem>>
      %dma_start3A_266 = arith.constant 0 : i32
      %dma_start3A_267 = tpu.memref_slice %arg7[%add3A_232, %dma_start3A_266] : memref<20480x128xf32, #tpu.memory_space<hbm>> -> memref<40x128xf32, #tpu.memory_space<hbm>>
      %dma_start3A_268 = arith.constant 0 : i32
      %dma_start3A_269 = tpu.memref_slice %arg7[%add3A_232, %dma_start3A_268] : memref<20480x128xf32, #tpu.memory_space<hbm>> -> memref<40x128xf32, #tpu.memory_space<hbm>>
      tpu.enqueue_dma source(%arg18 : memref<40x128xf32, #tpu.memory_space<vmem>>) target(%dma_start3A_269 : memref<40x128xf32, #tpu.memory_space<hbm>>) target_semaphore(%run_scoped3A : memref<!tpu.dma_semaphore, #tpu.memory_space<semaphore_mem>>)
      %dma_wait3A = arith.constant 0 : i32
      %dma_wait3A_270 = tpu.memref_slice %arg7[%add3A_232, %dma_wait3A] : memref<20480x128xf32, #tpu.memory_space<hbm>> -> memref<40x128xf32, #tpu.memory_space<hbm>>
      %dma_wait3A_271 = arith.constant 0 : i32
      %dma_wait3A_272 = tpu.memref_slice %arg7[%add3A_232, %dma_wait3A_271] : memref<20480x128xf32, #tpu.memory_space<hbm>> -> memref<40x128xf32, #tpu.memory_space<hbm>>
      tpu.wait_dma2 semaphore(%run_scoped3A : memref<!tpu.dma_semaphore, #tpu.memory_space<semaphore_mem>>) src(%arg18 : memref<40x128xf32, #tpu.memory_space<vmem>>) dst(%dma_wait3A_272 : memref<40x128xf32, #tpu.memory_space<hbm>>)
      tpu.yield
    }) : () -> ()
    %mul3A_233 = arith.constant 640 : i32
    %mul3A_234 = arith.muli %arg1, %mul3A_233 : i32
    %add3A_235 = arith.constant 520 : i32
    %add3A_236 = arith.addi %mul3A_234, %add3A_235 : i32
    "tpu.region"() ({
      %run_scoped3A = tpu.sem_alloc : memref<!tpu.dma_semaphore, #tpu.memory_space<semaphore_mem>>
      %dma_start3A_266 = arith.constant 0 : i32
      %dma_start3A_267 = tpu.memref_slice %arg19[%add3A_236, %dma_start3A_266] : memref<10240x128xf32, #tpu.memory_space<vmem_shared>> -> memref<40x128xf32, #tpu.memory_space<vmem_shared>>
      %dma_start3A_268 = arith.constant 0 : i32
      %dma_start3A_269 = tpu.memref_slice %arg19[%add3A_236, %dma_start3A_268] : memref<10240x128xf32, #tpu.memory_space<vmem_shared>> -> memref<40x128xf32, #tpu.memory_space<vmem_shared>>
      tpu.enqueue_dma source(%dma_start3A_269 : memref<40x128xf32, #tpu.memory_space<vmem_shared>>) target(%arg18 : memref<40x128xf32, #tpu.memory_space<vmem>>) target_semaphore(%run_scoped3A : memref<!tpu.dma_semaphore, #tpu.memory_space<semaphore_mem>>)
      %dma_wait3A = arith.constant 0 : i32
      %dma_wait3A_270 = tpu.memref_slice %arg19[%add3A_236, %dma_wait3A] : memref<10240x128xf32, #tpu.memory_space<vmem_shared>> -> memref<40x128xf32, #tpu.memory_space<vmem_shared>>
      %dma_wait3A_271 = arith.constant 0 : i32
      %dma_wait3A_272 = tpu.memref_slice %arg19[%add3A_236, %dma_wait3A_271] : memref<10240x128xf32, #tpu.memory_space<vmem_shared>> -> memref<40x128xf32, #tpu.memory_space<vmem_shared>>
      tpu.wait_dma2 semaphore(%run_scoped3A : memref<!tpu.dma_semaphore, #tpu.memory_space<semaphore_mem>>) src(%dma_wait3A_272 : memref<40x128xf32, #tpu.memory_space<vmem_shared>>) dst(%arg18 : memref<40x128xf32, #tpu.memory_space<vmem>>)
      tpu.yield
    }) : () -> ()
    %mul3A_237 = arith.constant 10240 : i32
    %mul3A_238 = arith.muli %arg0, %mul3A_237 : i32
    %mul3A_239 = arith.constant 640 : i32
    %mul3A_240 = arith.muli %arg1, %mul3A_239 : i32
    %add3A_241 = arith.addi %mul3A_238, %mul3A_240 : i32
    %add3A_242 = arith.constant 520 : i32
    %add3A_243 = arith.addi %add3A_241, %add3A_242 : i32
    "tpu.region"() ({
      %run_scoped3A = tpu.sem_alloc : memref<!tpu.dma_semaphore, #tpu.memory_space<semaphore_mem>>
      %dma_start3A_266 = arith.constant 0 : i32
      %dma_start3A_267 = tpu.memref_slice %arg7[%add3A_243, %dma_start3A_266] : memref<20480x128xf32, #tpu.memory_space<hbm>> -> memref<40x128xf32, #tpu.memory_space<hbm>>
      %dma_start3A_268 = arith.constant 0 : i32
      %dma_start3A_269 = tpu.memref_slice %arg7[%add3A_243, %dma_start3A_268] : memref<20480x128xf32, #tpu.memory_space<hbm>> -> memref<40x128xf32, #tpu.memory_space<hbm>>
      tpu.enqueue_dma source(%arg18 : memref<40x128xf32, #tpu.memory_space<vmem>>) target(%dma_start3A_269 : memref<40x128xf32, #tpu.memory_space<hbm>>) target_semaphore(%run_scoped3A : memref<!tpu.dma_semaphore, #tpu.memory_space<semaphore_mem>>)
      %dma_wait3A = arith.constant 0 : i32
      %dma_wait3A_270 = tpu.memref_slice %arg7[%add3A_243, %dma_wait3A] : memref<20480x128xf32, #tpu.memory_space<hbm>> -> memref<40x128xf32, #tpu.memory_space<hbm>>
      %dma_wait3A_271 = arith.constant 0 : i32
      %dma_wait3A_272 = tpu.memref_slice %arg7[%add3A_243, %dma_wait3A_271] : memref<20480x128xf32, #tpu.memory_space<hbm>> -> memref<40x128xf32, #tpu.memory_space<hbm>>
      tpu.wait_dma2 semaphore(%run_scoped3A : memref<!tpu.dma_semaphore, #tpu.memory_space<semaphore_mem>>) src(%arg18 : memref<40x128xf32, #tpu.memory_space<vmem>>) dst(%dma_wait3A_272 : memref<40x128xf32, #tpu.memory_space<hbm>>)
      tpu.yield
    }) : () -> ()
    %mul3A_244 = arith.constant 640 : i32
    %mul3A_245 = arith.muli %arg1, %mul3A_244 : i32
    %add3A_246 = arith.constant 560 : i32
    %add3A_247 = arith.addi %mul3A_245, %add3A_246 : i32
    "tpu.region"() ({
      %run_scoped3A = tpu.sem_alloc : memref<!tpu.dma_semaphore, #tpu.memory_space<semaphore_mem>>
      %dma_start3A_266 = arith.constant 0 : i32
      %dma_start3A_267 = tpu.memref_slice %arg19[%add3A_247, %dma_start3A_266] : memref<10240x128xf32, #tpu.memory_space<vmem_shared>> -> memref<40x128xf32, #tpu.memory_space<vmem_shared>>
      %dma_start3A_268 = arith.constant 0 : i32
      %dma_start3A_269 = tpu.memref_slice %arg19[%add3A_247, %dma_start3A_268] : memref<10240x128xf32, #tpu.memory_space<vmem_shared>> -> memref<40x128xf32, #tpu.memory_space<vmem_shared>>
      tpu.enqueue_dma source(%dma_start3A_269 : memref<40x128xf32, #tpu.memory_space<vmem_shared>>) target(%arg18 : memref<40x128xf32, #tpu.memory_space<vmem>>) target_semaphore(%run_scoped3A : memref<!tpu.dma_semaphore, #tpu.memory_space<semaphore_mem>>)
      %dma_wait3A = arith.constant 0 : i32
      %dma_wait3A_270 = tpu.memref_slice %arg19[%add3A_247, %dma_wait3A] : memref<10240x128xf32, #tpu.memory_space<vmem_shared>> -> memref<40x128xf32, #tpu.memory_space<vmem_shared>>
      %dma_wait3A_271 = arith.constant 0 : i32
      %dma_wait3A_272 = tpu.memref_slice %arg19[%add3A_247, %dma_wait3A_271] : memref<10240x128xf32, #tpu.memory_space<vmem_shared>> -> memref<40x128xf32, #tpu.memory_space<vmem_shared>>
      tpu.wait_dma2 semaphore(%run_scoped3A : memref<!tpu.dma_semaphore, #tpu.memory_space<semaphore_mem>>) src(%dma_wait3A_272 : memref<40x128xf32, #tpu.memory_space<vmem_shared>>) dst(%arg18 : memref<40x128xf32, #tpu.memory_space<vmem>>)
      tpu.yield
    }) : () -> ()
    %mul3A_248 = arith.constant 10240 : i32
    %mul3A_249 = arith.muli %arg0, %mul3A_248 : i32
    %mul3A_250 = arith.constant 640 : i32
    %mul3A_251 = arith.muli %arg1, %mul3A_250 : i32
    %add3A_252 = arith.addi %mul3A_249, %mul3A_251 : i32
    %add3A_253 = arith.constant 560 : i32
    %add3A_254 = arith.addi %add3A_252, %add3A_253 : i32
    "tpu.region"() ({
      %run_scoped3A = tpu.sem_alloc : memref<!tpu.dma_semaphore, #tpu.memory_space<semaphore_mem>>
      %dma_start3A_266 = arith.constant 0 : i32
      %dma_start3A_267 = tpu.memref_slice %arg7[%add3A_254, %dma_start3A_266] : memref<20480x128xf32, #tpu.memory_space<hbm>> -> memref<40x128xf32, #tpu.memory_space<hbm>>
      %dma_start3A_268 = arith.constant 0 : i32
      %dma_start3A_269 = tpu.memref_slice %arg7[%add3A_254, %dma_start3A_268] : memref<20480x128xf32, #tpu.memory_space<hbm>> -> memref<40x128xf32, #tpu.memory_space<hbm>>
      tpu.enqueue_dma source(%arg18 : memref<40x128xf32, #tpu.memory_space<vmem>>) target(%dma_start3A_269 : memref<40x128xf32, #tpu.memory_space<hbm>>) target_semaphore(%run_scoped3A : memref<!tpu.dma_semaphore, #tpu.memory_space<semaphore_mem>>)
      %dma_wait3A = arith.constant 0 : i32
      %dma_wait3A_270 = tpu.memref_slice %arg7[%add3A_254, %dma_wait3A] : memref<20480x128xf32, #tpu.memory_space<hbm>> -> memref<40x128xf32, #tpu.memory_space<hbm>>
      %dma_wait3A_271 = arith.constant 0 : i32
      %dma_wait3A_272 = tpu.memref_slice %arg7[%add3A_254, %dma_wait3A_271] : memref<20480x128xf32, #tpu.memory_space<hbm>> -> memref<40x128xf32, #tpu.memory_space<hbm>>
      tpu.wait_dma2 semaphore(%run_scoped3A : memref<!tpu.dma_semaphore, #tpu.memory_space<semaphore_mem>>) src(%arg18 : memref<40x128xf32, #tpu.memory_space<vmem>>) dst(%dma_wait3A_272 : memref<40x128xf32, #tpu.memory_space<hbm>>)
      tpu.yield
    }) : () -> ()
    %mul3A_255 = arith.constant 640 : i32
    %mul3A_256 = arith.muli %arg1, %mul3A_255 : i32
    %add3A_257 = arith.constant 600 : i32
    %add3A_258 = arith.addi %mul3A_256, %add3A_257 : i32
    "tpu.region"() ({
      %run_scoped3A = tpu.sem_alloc : memref<!tpu.dma_semaphore, #tpu.memory_space<semaphore_mem>>
      %dma_start3A_266 = arith.constant 0 : i32
      %dma_start3A_267 = tpu.memref_slice %arg19[%add3A_258, %dma_start3A_266] : memref<10240x128xf32, #tpu.memory_space<vmem_shared>> -> memref<40x128xf32, #tpu.memory_space<vmem_shared>>
      %dma_start3A_268 = arith.constant 0 : i32
      %dma_start3A_269 = tpu.memref_slice %arg19[%add3A_258, %dma_start3A_268] : memref<10240x128xf32, #tpu.memory_space<vmem_shared>> -> memref<40x128xf32, #tpu.memory_space<vmem_shared>>
      tpu.enqueue_dma source(%dma_start3A_269 : memref<40x128xf32, #tpu.memory_space<vmem_shared>>) target(%arg18 : memref<40x128xf32, #tpu.memory_space<vmem>>) target_semaphore(%run_scoped3A : memref<!tpu.dma_semaphore, #tpu.memory_space<semaphore_mem>>)
      %dma_wait3A = arith.constant 0 : i32
      %dma_wait3A_270 = tpu.memref_slice %arg19[%add3A_258, %dma_wait3A] : memref<10240x128xf32, #tpu.memory_space<vmem_shared>> -> memref<40x128xf32, #tpu.memory_space<vmem_shared>>
      %dma_wait3A_271 = arith.constant 0 : i32
      %dma_wait3A_272 = tpu.memref_slice %arg19[%add3A_258, %dma_wait3A_271] : memref<10240x128xf32, #tpu.memory_space<vmem_shared>> -> memref<40x128xf32, #tpu.memory_space<vmem_shared>>
      tpu.wait_dma2 semaphore(%run_scoped3A : memref<!tpu.dma_semaphore, #tpu.memory_space<semaphore_mem>>) src(%dma_wait3A_272 : memref<40x128xf32, #tpu.memory_space<vmem_shared>>) dst(%arg18 : memref<40x128xf32, #tpu.memory_space<vmem>>)
      tpu.yield
    }) : () -> ()
    %mul3A_259 = arith.constant 10240 : i32
    %mul3A_260 = arith.muli %arg0, %mul3A_259 : i32
    %mul3A_261 = arith.constant 640 : i32
    %mul3A_262 = arith.muli %arg1, %mul3A_261 : i32
    %add3A_263 = arith.addi %mul3A_260, %mul3A_262 : i32
    %add3A_264 = arith.constant 600 : i32
    %add3A_265 = arith.addi %add3A_263, %add3A_264 : i32
    "tpu.region"() ({
      %run_scoped3A = tpu.sem_alloc : memref<!tpu.dma_semaphore, #tpu.memory_space<semaphore_mem>>
      %dma_start3A_266 = arith.constant 0 : i32
      %dma_start3A_267 = tpu.memref_slice %arg7[%add3A_265, %dma_start3A_266] : memref<20480x128xf32, #tpu.memory_space<hbm>> -> memref<40x128xf32, #tpu.memory_space<hbm>>
      %dma_start3A_268 = arith.constant 0 : i32
      %dma_start3A_269 = tpu.memref_slice %arg7[%add3A_265, %dma_start3A_268] : memref<20480x128xf32, #tpu.memory_space<hbm>> -> memref<40x128xf32, #tpu.memory_space<hbm>>
      tpu.enqueue_dma source(%arg18 : memref<40x128xf32, #tpu.memory_space<vmem>>) target(%dma_start3A_269 : memref<40x128xf32, #tpu.memory_space<hbm>>) target_semaphore(%run_scoped3A : memref<!tpu.dma_semaphore, #tpu.memory_space<semaphore_mem>>)
      %dma_wait3A = arith.constant 0 : i32
      %dma_wait3A_270 = tpu.memref_slice %arg7[%add3A_265, %dma_wait3A] : memref<20480x128xf32, #tpu.memory_space<hbm>> -> memref<40x128xf32, #tpu.memory_space<hbm>>
      %dma_wait3A_271 = arith.constant 0 : i32
      %dma_wait3A_272 = tpu.memref_slice %arg7[%add3A_265, %dma_wait3A_271] : memref<20480x128xf32, #tpu.memory_space<hbm>> -> memref<40x128xf32, #tpu.memory_space<hbm>>
      tpu.wait_dma2 semaphore(%run_scoped3A : memref<!tpu.dma_semaphore, #tpu.memory_space<semaphore_mem>>) src(%arg18 : memref<40x128xf32, #tpu.memory_space<vmem>>) dst(%dma_wait3A_272 : memref<40x128xf32, #tpu.memory_space<hbm>>)
      tpu.yield
    }) : () -> ()
    return
  }
}

module attributes {stable_mosaic.version = 14 : i64} {
  func.func @_proj_body(%arg0: i32, %arg1: memref<2000x128xf32, #tpu.memory_space<vmem>>, %arg2: memref<128x512xf32, #tpu.memory_space<vmem>>, %arg3: memref<1x512xf32, #tpu.memory_space<vmem>>, %arg4: memref<1x512xf32, #tpu.memory_space<vmem>>, %arg5: memref<512x16xf32, #tpu.memory_space<vmem>>, %arg6: memref<2000x512xbf16, #tpu.memory_space<vmem>>, %arg7: memref<2000x16xf32, #tpu.memory_space<vmem>>, %arg8: memref<2000x16xf32, #tpu.memory_space<vmem>>) attributes {dimension_semantics = [#tpu.dimension_semantics<arbitrary>], iteration_bounds = array<i64: 5>, scalar_prefetch = 0 : i64, scratch_operands = 0 : i64, tpu.core_type = #tpu.core_type<tc>, window_params = [{transform_indices = @transform_0, window_bounds = array<i64: 2000, 128>}, {pipeline_mode = #tpu.pipeline_mode<synchronous>, transform_indices = @transform_1, window_bounds = array<i64: 128, 512>}, {pipeline_mode = #tpu.pipeline_mode<synchronous>, transform_indices = @transform_2, window_bounds = array<i64: 1, 512>}, {pipeline_mode = #tpu.pipeline_mode<synchronous>, transform_indices = @transform_3, window_bounds = array<i64: 1, 512>}, {pipeline_mode = #tpu.pipeline_mode<synchronous>, transform_indices = @transform_4, window_bounds = array<i64: 512, 16>}, {transform_indices = @transform_5, window_bounds = array<i64: 2000, 512>}, {transform_indices = @transform_6, window_bounds = array<i64: 2000, 16>}, {transform_indices = @transform_7, window_bounds = array<i64: 2000, 16>}]} {
    %get3A = arith.constant 0 : index
    %get3A_0 = arith.constant 0 : index
    %get3A_1 = vector.load %arg1[%get3A, %get3A_0] : memref<2000x128xf32, #tpu.memory_space<vmem>>, vector<2000x128xf32>
    %get3A_2 = arith.constant 0 : index
    %get3A_3 = arith.constant 0 : index
    %get3A_4 = vector.load %arg2[%get3A_2, %get3A_3] : memref<128x512xf32, #tpu.memory_space<vmem>>, vector<128x512xf32>
    %dot_general3A = arith.constant dense<0.000000e+00> : vector<2000x512xf32>
    %dot_general3A_5 = tpu.matmul %get3A_1, %get3A_4, %dot_general3A {dimension_numbers = #tpu.dot_dimension_numbers<[1], [0], [0], [1], [0, 0, 1, 1], [], []>, transpose_lhs_hint = false} : vector<2000x128xf32>, vector<128x512xf32>, vector<2000x512xf32> -> vector<2000x512xf32>
    %convert_element_type3A = arith.truncf %dot_general3A_5 : vector<2000x512xf32> to vector<2000x512xbf16>
    %swap3A = arith.constant 0 : index
    %swap3A_6 = arith.constant 0 : index
    %swap3A_7 = vector.load %arg6[%swap3A, %swap3A_6] : memref<2000x512xbf16, #tpu.memory_space<vmem>>, vector<2000x512xbf16>
    tpu.vector_store %arg6[%swap3A, %swap3A_6], %convert_element_type3A {strides = array<i32>} : memref<2000x512xbf16, #tpu.memory_space<vmem>>, vector<2000x512xbf16>,
    %get3A_8 = arith.constant 0 : index
    %get3A_9 = arith.constant 0 : index
    %get3A_10 = vector.load %arg3[%get3A_8, %get3A_9] : memref<1x512xf32, #tpu.memory_space<vmem>>, vector<1x512xf32>
    %mul3A = vector.broadcast %get3A_10 : vector<1x512xf32> to vector<2000x512xf32>
    %mul3A_11 = arith.mulf %dot_general3A_5, %mul3A : vector<2000x512xf32>
    %get3A_12 = arith.constant 0 : index
    %get3A_13 = arith.constant 0 : index
    %get3A_14 = vector.load %arg5[%get3A_12, %get3A_13] : memref<512x16xf32, #tpu.memory_space<vmem>>, vector<512x16xf32>
    %dot_general3A_15 = arith.constant dense<0.000000e+00> : vector<2000x16xf32>
    %dot_general3A_16 = tpu.matmul %mul3A_11, %get3A_14, %dot_general3A_15 {dimension_numbers = #tpu.dot_dimension_numbers<[1], [0], [0], [1], [0, 0, 1, 1], [], []>, transpose_lhs_hint = false} : vector<2000x512xf32>, vector<512x16xf32>, vector<2000x16xf32> -> vector<2000x16xf32>
    %swap3A_17 = arith.constant 0 : index
    %swap3A_18 = arith.constant 0 : index
    %swap3A_19 = vector.load %arg7[%swap3A_17, %swap3A_18] : memref<2000x16xf32, #tpu.memory_space<vmem>>, vector<2000x16xf32>
    tpu.vector_store %arg7[%swap3A_17, %swap3A_18], %dot_general3A_16 {strides = array<i32>} : memref<2000x16xf32, #tpu.memory_space<vmem>>, vector<2000x16xf32>,
    %get3A_20 = arith.constant 0 : index
    %get3A_21 = arith.constant 0 : index
    %get3A_22 = vector.load %arg4[%get3A_20, %get3A_21] : memref<1x512xf32, #tpu.memory_space<vmem>>, vector<1x512xf32>
    %mul3A_23 = vector.broadcast %get3A_22 : vector<1x512xf32> to vector<2000x512xf32>
    %mul3A_24 = arith.mulf %dot_general3A_5, %mul3A_23 : vector<2000x512xf32>
    %get3A_25 = arith.constant 0 : index
    %get3A_26 = arith.constant 0 : index
    %get3A_27 = vector.load %arg5[%get3A_25, %get3A_26] : memref<512x16xf32, #tpu.memory_space<vmem>>, vector<512x16xf32>
    %dot_general3A_28 = arith.constant dense<0.000000e+00> : vector<2000x16xf32>
    %dot_general3A_29 = tpu.matmul %mul3A_24, %get3A_27, %dot_general3A_28 {dimension_numbers = #tpu.dot_dimension_numbers<[1], [0], [0], [1], [0, 0, 1, 1], [], []>, transpose_lhs_hint = false} : vector<2000x512xf32>, vector<512x16xf32>, vector<2000x16xf32> -> vector<2000x16xf32>
    %swap3A_30 = arith.constant 0 : index
    %swap3A_31 = arith.constant 0 : index
    %swap3A_32 = vector.load %arg8[%swap3A_30, %swap3A_31] : memref<2000x16xf32, #tpu.memory_space<vmem>>, vector<2000x16xf32>
    tpu.vector_store %arg8[%swap3A_30, %swap3A_31], %dot_general3A_29 {strides = array<i32>} : memref<2000x16xf32, #tpu.memory_space<vmem>>, vector<2000x16xf32>,
    return
  }
  func.func @transform_0(%arg0: i32) -> (i32, i32) {
    %c0_i32 = arith.constant 0 : i32
    %c0_i32_0 = arith.constant 0 : i32
    return %arg0, %c0_i32 : i32, i32
  }
  func.func @transform_1(%arg0: i32) -> (i32, i32) {
    %c0_i32 = arith.constant 0 : i32
    %c0_i32_0 = arith.constant 0 : i32
    %c0_i32_1 = arith.constant 0 : i32
    return %c0_i32, %c0_i32_0 : i32, i32
  }
  func.func @transform_2(%arg0: i32) -> (i32, i32) {
    %c0_i32 = arith.constant 0 : i32
    %c0_i32_0 = arith.constant 0 : i32
    %c0_i32_1 = arith.constant 0 : i32
    return %c0_i32, %c0_i32_0 : i32, i32
  }
  func.func @transform_3(%arg0: i32) -> (i32, i32) {
    %c0_i32 = arith.constant 0 : i32
    %c0_i32_0 = arith.constant 0 : i32
    %c0_i32_1 = arith.constant 0 : i32
    return %c0_i32, %c0_i32_0 : i32, i32
  }
  func.func @transform_4(%arg0: i32) -> (i32, i32) {
    %c0_i32 = arith.constant 0 : i32
    %c0_i32_0 = arith.constant 0 : i32
    %c0_i32_1 = arith.constant 0 : i32
    return %c0_i32, %c0_i32_0 : i32, i32
  }
  func.func @transform_5(%arg0: i32) -> (i32, i32) {
    %c0_i32 = arith.constant 0 : i32
    %c0_i32_0 = arith.constant 0 : i32
    return %arg0, %c0_i32 : i32, i32
  }
  func.func @transform_6(%arg0: i32) -> (i32, i32) {
    %c0_i32 = arith.constant 0 : i32
    %c0_i32_0 = arith.constant 0 : i32
    return %arg0, %c0_i32 : i32, i32
  }
  func.func @transform_7(%arg0: i32) -> (i32, i32) {
    %c0_i32 = arith.constant 0 : i32
    %c0_i32_0 = arith.constant 0 : i32
    return %arg0, %c0_i32 : i32, i32
  }
}

module attributes {stable_mosaic.version = 14 : i64} {
  func.func @_rd_body(%arg0: memref<20480x16xf32, #tpu.memory_space<vmem>>, %arg1: memref<10000x16xf32, #tpu.memory_space<vmem>>) attributes {dimension_semantics = [], scalar_prefetch = 0 : i64, scratch_operands = 0 : i64, tpu.core_type = #tpu.core_type<tc>} {
    %get3A = arith.constant 0 : index
    %get3A_0 = arith.constant 0 : index
    %get3A_1 = vector.load %arg0[%get3A, %get3A_0] : memref<20480x16xf32, #tpu.memory_space<vmem>>, vector<10000x16xf32>
    %get3A_2 = arith.constant 10240 : index
    %get3A_3 = arith.constant 0 : index
    %get3A_4 = vector.load %arg0[%get3A_2, %get3A_3] : memref<20480x16xf32, #tpu.memory_space<vmem>>, vector<10000x16xf32>
    %add3A = arith.addf %get3A_1, %get3A_4 : vector<10000x16xf32>
    %eq3A = arith.constant 0.000000e+00 : f32
    %eq3A_5 = vector.broadcast %eq3A : f32 to vector<10000x16xf32>
    %eq3A_6 = arith.cmpf oeq, %add3A, %eq3A_5 : vector<10000x16xf32>
    %jit3A = arith.constant 1.000000e+00 : f32
    %broadcast_in_dim3A = vector.broadcast %jit3A : f32 to vector<10000x16xf32>
    %select_n3A = arith.select %eq3A_6, %broadcast_in_dim3A, %add3A : vector<10000x16xi1>, vector<10000x16xf32>
    %div3A = arith.constant 2.500000e-01 : f32
    %div3A_7 = vector.broadcast %div3A : f32 to vector<10000x16xf32>
    %div3A_8 = arith.divf %div3A_7, %select_n3A : vector<10000x16xf32>
    %swap3A = arith.constant 0 : index
    %swap3A_9 = arith.constant 0 : index
    %swap3A_10 = vector.load %arg1[%swap3A, %swap3A_9] : memref<10000x16xf32, #tpu.memory_space<vmem>>, vector<10000x16xf32>
    tpu.vector_store %arg1[%swap3A, %swap3A_9], %div3A_8 {strides = array<i32>} : memref<10000x16xf32, #tpu.memory_space<vmem>>, vector<10000x16xf32>,
    return
  }
}

module attributes {stable_mosaic.version = 14 : i64} {
  func.func @_fin_body(%arg0: memref<20480x128xf32, #tpu.memory_space<vmem>>, %arg1: memref<4x128xf32, #tpu.memory_space<vmem>>, %arg2: memref<10000x128xf32, #tpu.memory_space<vmem>>) attributes {dimension_semantics = [], scalar_prefetch = 0 : i64, scratch_operands = 0 : i64, tpu.core_type = #tpu.core_type<tc>} {
    %get3A = arith.constant 0 : index
    %get3A_0 = arith.constant 0 : index
    %get3A_1 = vector.load %arg1[%get3A, %get3A_0] : memref<4x128xf32, #tpu.memory_space<vmem>>, vector<4x128xf32>
    %reduce_sum3A = arith.constant dense<0.000000e+00> : vector<128xf32>
    %reduce_sum3A_2 = vector.multi_reduction <add>, %get3A_1, %reduce_sum3A [0] : vector<4x128xf32> to vector<128xf32>
    %broadcast_in_dim3A = vector.shape_cast %reduce_sum3A_2 : vector<128xf32> to vector<1x128xf32>
    %div3A = arith.constant 4.000000e+00 : f32
    %div3A_3 = vector.broadcast %div3A : f32 to vector<1x128xf32>
    %div3A_4 = arith.divf %broadcast_in_dim3A, %div3A_3 : vector<1x128xf32>
    %get3A_5 = arith.constant 0 : index
    %get3A_6 = arith.constant 0 : index
    %get3A_7 = vector.load %arg0[%get3A_5, %get3A_6] : memref<20480x128xf32, #tpu.memory_space<vmem>>, vector<10000x128xf32>
    %get3A_8 = arith.constant 10240 : index
    %get3A_9 = arith.constant 0 : index
    %get3A_10 = vector.load %arg0[%get3A_8, %get3A_9] : memref<20480x128xf32, #tpu.memory_space<vmem>>, vector<10000x128xf32>
    %add3A = arith.addf %get3A_7, %get3A_10 : vector<10000x128xf32>
    %add3A_11 = vector.broadcast %div3A_4 : vector<1x128xf32> to vector<10000x128xf32>
    %add3A_12 = arith.addf %add3A, %add3A_11 : vector<10000x128xf32>
    %swap3A = arith.constant 0 : index
    %swap3A_13 = arith.constant 0 : index
    %swap3A_14 = vector.load %arg2[%swap3A, %swap3A_13] : memref<10000x128xf32, #tpu.memory_space<vmem>>, vector<10000x128xf32>
    tpu.vector_store %arg2[%swap3A, %swap3A_13], %add3A_12 {strides = array<i32>} : memref<10000x128xf32, #tpu.memory_space<vmem>>, vector<10000x128xf32>,
    return
  }
}

</mosaic_0001>

<sc_bundles>
// kernel: kernel.10.cloned.1.call-start
scs
__scs_entry_jumppad:
0x0: {  	(pc) =	sbr.rel $0x88, $3  }
0x1: {  	(tag) =	ssettag $0x0;
	lr =	simm.s32 $0x1  }
0x2: {  	[smem:$0x3F9B] =	sst lr;
	_ =	strace $0xD0000000  }
0x3: {  	_ = 	snop  }
0x4: {  	_ = 	snop  }
0x5: {  	_ = 	snop  }
0x6: {  	_ = 	snop  }
0x7: {  	_ = 	snop  }
__scs_overlays_trampoline_lowered:
0x8: {  	[smem:$0x3FAA] =	sst s0  }
0x9: {  	[smem:$0x3FAB] =	sst s1  }
0xa: {  	[smem:$0x3FAC] =	sst s2  }
0xb: {  	[smem:$0x3FAD] =	sst s3  }
0xc: {  	[smem:$0x3FAE] =	sst s4  }
0xd: {  	[smem:$0x3FAF] =	sst s5  }
0xe: {  	[smem:$0x3FB0] =	sst s6  }
0xf: {  	[smem:$0x3FB1] =	sst s7  }
0x10: {  	[smem:$0x3FB2] =	sst s8  }
0x11: {  	[smem:$0x3FB3] =	sst s9;
	s0 =	simm.s32 @!p0 $0x0  }
0x12: {  	s1 =	sld [smem:$0x3F99];
	s0 =	simm.s32 @p0 $0x1  }
0x13: {  	[smem:$0x3FB4] =	sst s0;
	s0 =	simm.s32 @!p1 $0x0  }
0x14: {  	s2 =	sld [smem:$0x3F98];
	s0 =	simm.s32 @p1 $0x1  }
0x15: {  	[smem:$0x3FB5] =	sst s0;
	s0 =	simm.s32 @!p2 $0x0  }
0x16: {  	s3 =	sld [smem:$0x3FDB];
	s0 =	simm.s32 @p2 $0x1  }
0x17: {  	s4 =	simm.s32 $0x1BF5;
	[smem:$0x3FB7] =	sst s0  }
0x18: {  	s0 =	sld [smem:$0x3F9A];
	_ =	swait.ge [sflag:s4], $0x0  }
0x19: {  	s7 =	sld [smem:$0x3F9B]  }
0x1a: {  	s8 =	sadd.s32 $0xFFFFE003, lr  }
0x1b: {  	s9 =	sadd.s32 $0xFFFFFEF7, lr;
	s5 =	simm.s32 $0xFFFFFFFF;
	p2 =	slt.u32 s8, $0xFFFFF086  }
0x1c: {  	p1 =	slt.u32 s9, $0xF7A;
	s5 =	simm.s32 @!p2 $0x0  }
0x1d: {  	s5 =	simm.s32 @p1 $0x1;
	p0 =	seq.s32 s7, s2  }
0x1e: {  	s7 =	smul.u32 @!p0 $0xF7A, s2;
	p2 =	seq.s32 @!p0 s5, $0x0  }
0x1f: {  	s9 =	smul.u32 $0xF7A, s1;
	s8 =	simm.s32 @!p0 $0x1BF5;
	p2 =	por !p2, p0  }
0x20: {  	[sflag:s8] =	ssyncset.s32 @!p0 $0xFFFFF086;
	s6 =	sadd.s32 @!p0 s3, s7;
	s7 =	simm.s32 @!p0 $0x108  }
0x21: {  	s3 =	sadd.s32 s3, s9;
	s6 =	sadd.s32 @!p0 $0x88, s6;
	s7 =	simm.s32 @p2 $0x1082  }
0x22: {  	[simem:s7], [sflag:s8] =	dma.local @!p0 [hbm:s6], $0xF7A  }
0x23: {  	s9 =	sor.u32 $0xD0000000, s2;
	s6 =	simm.s32 $0x108;
	_ =	swait.ge @!p0 [sflag:s8], $0x0  }
0x24: {  	s3 =	sadd.s32 $0x88, s3;
	s6 =	simm.s32 @!p1 $0x1082;
	[sflag:s4] =	ssyncset.s32 $0xFFFFF086  }
0x25: {  	[simem:s6], [sflag:s4] =	dma.local [hbm:s3], $0xF7A  }
0x26: {  	[smem:$0x3F9B] =	sst s1;
	(tag) =	ssettag s2;
	_ =	strace s9  }
0x27: {  	s1 =	sld [smem:$0x3FAB]  }
0x28: {  	s2 =	sld [smem:$0x3FAC]  }
0x29: {  	s4 =	sld [smem:$0x3FAE]  }
0x2a: {  	p0 =	seq.s32 s5, $0x0;
	s5 =	sld [smem:$0x3FAF]  }
0x2b: {  	s6 =	sld [smem:$0x3FB0]  }
0x2c: {  	s7 =	sld [smem:$0x3FB1]  }
0x2d: {  	s3 =	simm.s32 $0x108;
	s8 =	sld [smem:$0x3FB2]  }
0x2e: {  	s3 =	simm.s32 @!p0 $0x1082;
	s9 =	sld [smem:$0x3FB3]  }
0x2f: {  	lr =	sadd.s32 s0, s3;
	s0 =	sld [smem:$0x3FAA]  }
0x30: {  	s3 =	sld [smem:$0x3FAD]  }
0x31: {  	[smem:$0x3FB6] =	sst s10  }
0x32: {  	s10 =	sld [smem:$0x3FB4];
	_ =	sdelay $0x3  }
0x33: {  	p0 =	seq.s32 s10, $0x1;
	s10 =	sld [smem:$0x3FB6];
	_ =	sdelay $0x3  }
0x34: {  	[smem:$0x3FB6] =	sst s10  }
0x35: {  	s10 =	sld [smem:$0x3FB5];
	_ =	sdelay $0x3  }
0x36: {  	p1 =	seq.s32 s10, $0x1;
	s10 =	sld [smem:$0x3FB6];
	_ =	sdelay $0x3  }
0x37: {  	[smem:$0x3FB6] =	sst s10  }
0x38: {  	s10 =	sld [smem:$0x3FB7]  }
0x39: {  	_ = 	snop;
	(pc) =	sbr.ind lr, $3  }
0x3a: {  	_ = 	snop  }
0x3b: {  	_ = 	snop  }
0x3c: {  	p2 =	seq.s32 s10, $0x1;
	s10 =	sld [smem:$0x3FB6]  }
0x3d: {  	_ =	shalt  }
0x3e: {  	_ =	shalt  }
0x3f: {  	_ =	shalt  }
0x40: {  	_ =	shalt  }
0x41: {  	_ =	shalt  }
0x42: {  	_ =	shalt  }
0x43: {  	_ =	shalt  }
0x44: {  	_ =	shalt  }
0x45: {  	_ =	shalt  }
0x46: {  	_ =	shalt  }
0x47: {  	_ =	shalt  }
0x48: {  	_ =	shalt  }
0x49: {  	_ =	shalt  }
0x4a: {  	_ =	shalt  }
0x4b: {  	_ =	shalt  }
0x4c: {  	_ =	shalt  }
0x4d: {  	_ =	shalt  }
0x4e: {  	_ =	shalt  }
0x4f: {  	_ =	shalt  }
0x50: {  	_ =	shalt  }
0x51: {  	_ =	shalt  }
0x52: {  	_ =	shalt  }
0x53: {  	_ =	shalt  }
0x54: {  	_ =	shalt  }
0x55: {  	_ =	shalt  }
0x56: {  	_ =	shalt  }
0x57: {  	_ =	shalt  }
0x58: {  	_ =	shalt  }
0x59: {  	_ =	shalt  }
0x5a: {  	_ =	shalt  }
0x5b: {  	_ =	shalt  }
0x5c: {  	_ =	shalt  }
0x5d: {  	_ =	shalt  }
0x5e: {  	_ =	shalt  }
0x5f: {  	_ =	shalt  }
0x60: {  	_ =	shalt  }
0x61: {  	_ =	shalt  }
0x62: {  	_ =	shalt  }
0x63: {  	_ =	shalt  }
0x64: {  	_ =	shalt  }
0x65: {  	_ =	shalt  }
0x66: {  	_ =	shalt  }
0x67: {  	_ =	shalt  }
0x68: {  	_ =	shalt  }
0x69: {  	_ =	shalt  }
0x6a: {  	_ =	shalt  }
0x6b: {  	_ =	shalt  }
0x6c: {  	_ =	shalt  }
0x6d: {  	_ =	shalt  }
0x6e: {  	_ =	shalt  }
0x6f: {  	_ =	shalt  }
0x70: {  	_ =	shalt  }
0x71: {  	_ =	shalt  }
0x72: {  	_ =	shalt  }
0x73: {  	_ =	shalt  }
0x74: {  	_ =	shalt  }
0x75: {  	_ =	shalt  }
0x76: {  	_ =	shalt  }
0x77: {  	_ =	shalt  }
0x78: {  	_ =	shalt  }
0x79: {  	_ =	shalt  }
0x7a: {  	_ =	shalt  }
0x7b: {  	_ =	shalt  }
0x7c: {  	_ =	shalt  }
0x7d: {  	_ =	shalt  }
0x7e: {  	_ =	shalt  }
0x7f: {  	_ =	shalt  }
0x80: {  	_ =	shalt  }
0x81: {  	_ =	shalt  }
0x82: {  	_ =	shalt  }
0x83: {  	_ =	shalt  }
0x84: {  	_ =	shalt  }
0x85: {  	_ =	shalt  }
0x86: {  	_ =	shalt  }
0x87: {  	_ =	shalt  }
.Lfunc_end0:
.L_simem_size_0:
called_computation.1_lowered:
.L_overlay_start_0:
0x88: {  	s2 =	sld [smem:$0x3FD9]  }
0x89: {  	s3 =	sld [smem:$0x3FFE];
	_ =	sdelay $0x1  }
0x8a: {  	s1 =	srdreg.scid  }
0x8b: {  	s0 =	sand.u32 $0x1, s1  }
0x8c: {  	s17 =	sshll.u32 s0, $0xA;
	s2 =	sadd.s32 s3, s2  }
0x8d: {  	s2 =	sadd.s32 s2, s17  }
0x8e: {  	[smem:$0x3FC2] =	sst s2  }
0x8f: {  	_ = 	snop  }
0x90: {  	s2 =	sld [smem:$0x3FD0];
	(tm) =	ssettm $0x1  }
0x91: {  	s18 =	sld [smem:$0x3FFB];
	_ =	sdelay $0x3  }
0x92: {  	_ =	strace s18  }
0x93: {  	s3 =	sld [smem:$0x3FFC];
	_ =	sdelay $0x3  }
0x94: {  	_ =	strace s3  }
0x95: {  	s3 =	sld [smem:$0x3FFD];
	_ =	sdelay $0x3  }
0x96: {  	_ =	strace s3  }
0x97: {  	_ =	strace $0x8FFFFFFF  }
0x98: {  	s19 =	sld [smem:$0x3FDB];
	_ =	sdelay $0x1  }
0x99: {  	s4 =	simm.s32 $_scs_section_size  }
0x9a: {  	s5 =	simm.s32 $_size__tile_overlayer_lowered;
	s6 =	simm.s32 $_tile_overlayer_lowered  }
0x9b: {  	s22 =	simm.s32 $0x1BFF;
	s21 =	sshll.u32 s6, $0x1;
	s3 =	sadd.s32 s4, s19  }
0x9c: {  	s7 =	simm.s32 $0x0;
	s20 =	sshll.u32 s5, $0x1;
	s5 =	sadd.s32 s21, s3  }
0x9d: {  	[timem:s7], [sflag:s22] =	dma.local [hbm:s5], s20  }
0x9e: {  	_ =	swait.ge [sflag:s22], s20  }
0x9f: {  	s4 =	ssub.s32 $0x0, s20;
	[sflag:s22] =	ssyncset.done $0x0  }
0xa0: {  	[sflag:s22] =	ssyncadd.s32 s4;
	_ =	sdelay $0x1  }
0xa1: {  	s23 =	simm.s32 $0x1B8B  }
0xa2: {  	_ =	swait.ge [sflag:s23], $0x1  }
0xa3: {  	[sflag:s23] =	ssyncset.done $0x0  }
0xa4: {  	s25 =	simm.s32 $0x1B8E;
	s24 =	sld [smem:$0x3FFE];
	[sflag:s23] =	ssyncadd.s32 $0xFFFFFFFF  }
0xa5: {  	s26 =	simm.s32 $execute0_lowered;
	[smem:$0x3FD2] =	sst s25  }
0xa6: {  	s5 =	sshll.u32 s26, $0x1;
	_ =	strace $0x80000049;
	[dreg:$0x1] =	wrdreg $0xFFFFFFFF  }
0xa7: {  	s28 =	simm.s32 $_size_execute0_lowered;
	s3 =	sadd.s32 s3, s5;
	[dreg:$0x0] =	wrdreg $0x0  }
0xa8: {  	s5 =	sshll.u32 s28, $0x1;
	[dreg:$0x2] =	wrdreg s3  }
0xa9: {  	[dreg:$0x3] =	wrdreg s5  }
0xaa: {  	[dreg:$0x4] =	wrdreg $0xC0  }
0xab: {  	_ =	task [dreg:s7], $0x5FFFF  }
0xac: {  	[dreg:$0x1] =	wrdreg $0xFFFFFFFF  }
0xad: {  	[dreg:$0x0] =	wrdreg $0x60  }
0xae: {  	[dreg:$0x2] =	wrdreg s24  }
0xaf: {  	[dreg:$0x3] =	wrdreg s2  }
0xb0: {  	[dreg:$0x4] =	wrdreg $0x6EA00  }
0xb1: {  	[dreg:$0x5] =	wrdreg $0x9  }
0xb2: {  	_ =	task.clear_ibuf [dreg:s7], $0x6FFFF;
	_ =	strace $0x90000049  }
0xb3: {  	s29 =	simm.s32 $0x9;
	_ =	strace $0x8000004B  }
0xb4: {  	_ =	swait.ge [sflag:s29], $0x1  }
0xb5: {  	[sflag:s29] =	ssyncadd.s32 $0xFFFFFFFF  }
0xb6: {  	_ =	strace $0x9000004B  }
0xb7: {  	_ =	sfence  }
0xb8: {  	s30 =	sld [smem:$0x0];
	_ =	sdelay $0x2  }
0xb9: {  	s31 =	sshll.u32 s1, $0xD;
	s1 =	sshrl.u32 s1, $0x2  }
0xba: {  	s3 =	sand.u32 $0x4000, s31;
	s1 =	sadd.s32 s1, s30  }
0xbb: {  	s0 =	sor.u32 s3, s0;
	s1 =	sshll.u32 s1, $0x11  }
0xbc: {  	s0 =	sor.u32 s1, s0  }
0xbd: {  	s0 =	sadd.s32 $0x8F2B, s0  }
0xbe: {  	[sflag:s0] =	ssyncadd.remote.s32 $0x1  }
0xbf: {  	_ =	sfence.sel $0xFFFF  }
0xc0: {  	[dreg:$0x0] =	wrdreg $0xFFFFFFFF;
	(pc) =	sbr.abs _section_cstart, $3  }
0xc1: {  	[dreg:$0x1] =	wrdreg $0xFFFFFFFF  }
0xc2: {  	_ =	task.clear_ibuf [dreg:s7], $0x2FFFF;
	_ =	strace $0x9FFFFFFF  }
0xc3: {  	(tm) =	ssettm $0x7FFFFFFF  }
tec
execute0_lowered:
.L_overlay_start_1:
0x0: {  	(tag) =	ssettag $0x1  }
0x1: {  	s0 =	rddreg [dreg:$0x0]  }
0x2: {  	s1 =	rddreg [dreg:$0x1]  }
0x3: {  	s3 =	rddreg [dreg:$0x2]  }
0x4: {  	s4 =	simm.s32 $0x0;
	s2 =	srdreg.scid;
	s12 =	stileid.u32  }
0x5: {  	[smem:$0x7FF] =	sst s4;
	s2 =	sand.u32 $0x1, s2;
	s18 =	smul.u32 $0x280, s12  }
0x6: {  	s5 =	sadd.s32 $0xC000, s0;
	s9 =	smul.u32 $0x2800, s2;
	s10 =	sshll.u32 s2, $0x4  }
0x7: {  	s6 =	sadd.s32 $0x2200, s0;
	s19 =	sor.u32 s12, s10;
	s12 =	smul.u32 $0x50000, s12  }
0x8: {  	s7 =	sadd.s32 $0x6E000, s0;
	s8 =	sadd.s32 $0x15E00, s0;
	s13 =	smul.u32 $0x4E20, s19  }
0x9: {  	s4 =	sadd.s32 s18, s9;
	s11 =	smul.u32 $0x2710, s19;
	s23 =	sshrl.u32 s12, $0x2  }
0xa: {  	s4 =	sshll.u32 s4, $0x4;
	s19 =	sadd.s32 s23, s3;
	s23 =	sadd.s32 s7, s13  }
0xb: {  	_ =	strace $0x8000004A;
	s0 =	sadd.s32 s4, s0;
	[dreg:$0x13] =	wrdreg s23  }
0xc: {  	s21 =	sadd.s32 $0x10A400, s0;
	[dreg:$0x8] =	wrdreg s19  }
0xd: {  	s22 =	sadd.s32 $0x10A680, s0;
	[dreg:$0x4] =	wrdreg s21  }
0xe: {  	s24 =	sadd.s32 $0x10A900, s0;
	[dreg:$0x5] =	wrdreg s22  }
0xf: {  	s25 =	sadd.s32 $0x10AB80, s0;
	[dreg:$0x6] =	wrdreg s24  }
0x10: {  	s26 =	sadd.s32 $0x10AE00, s0;
	[dreg:$0x7] =	wrdreg s25  }
0x11: {  	s12 =	sadd.s32 $0x10B080, s0;
	[dreg:$0x9] =	wrdreg s26  }
0x12: {  	s15 =	sadd.s32 $0x10B300, s0;
	[dreg:$0xa] =	wrdreg s12  }
0x13: {  	s14 =	sshrl.u32 s11, $0x3;
	s16 =	sadd.s32 $0x10B580, s0;
	[dreg:$0xb] =	wrdreg s15  }
0x14: {  	s2 =	ssub.s32 $0x2, s2;
	s17 =	sadd.s32 s5, s14;
	[dreg:$0xc] =	wrdreg s16  }
0x15: {  	s20 =	sshrl.u32 s2, $0x1;
	s18 =	sadd.s32 $0x10B800, s0;
	[dreg:$0xd] =	wrdreg s17  }
0x16: {  	s2 =	ssub.s32 s2, s20;
	s20 =	sadd.s32 $0x10BA80, s0;
	[dreg:$0xe] =	wrdreg s18  }
0x17: {  	s9 =	sadd.s32 $0x28, s11;
	s4 =	sadd.s32 s6, s14;
	[dreg:$0xf] =	wrdreg s20  }
0x18: {  	s10 =	sadd.s32 $0x50, s11;
	s11 =	sadd.s32 $0x8C00, s19;
	[dreg:$0x10] =	wrdreg s4  }
0x19: {  	s13 =	sadd.s32 $0xB400, s19;
	[dreg:$0x1f] =	wrdreg s11  }
0x1a: {  	s14 =	sadd.s32 $0xC800, s19;
	[smem:$0x7F7] =	sst s13  }
0x1b: {  	s23 =	sadd.s32 $0x5000, s19;
	[smem:$0x7F8] =	sst s14  }
0x1c: {  	s21 =	sadd.s32 $0x10BD00, s0;
	[dreg:$0x1c] =	wrdreg s23  }
0x1d: {  	s22 =	sadd.s32 $0x10BF80, s0;
	[dreg:$0x11] =	wrdreg s21  }
0x1e: {  	s24 =	sadd.s32 $0x10C200, s0;
	[dreg:$0x12] =	wrdreg s22  }
0x1f: {  	s25 =	sadd.s32 $0x10C480, s0;
	[dreg:$0x14] =	wrdreg s24  }
0x20: {  	s26 =	sadd.s32 $0x10C700, s0;
	[dreg:$0x15] =	wrdreg s25  }
0x21: {  	s28 =	simm.s32 $0x7;
	s0 =	sadd.s32 $0x10C980, s0;
	[dreg:$0x16] =	wrdreg s26  }
0x22: {  	s29 =	simm.s32 $0x50;
	s4 =	smax.u32 s2, $0x1;
	[dreg:$0x17] =	wrdreg s0  }
0x23: {  	s30 =	simm.s32 $0x28;
	s12 =	sadd.s32 $0xA000, s19;
	[dreg:$0x18] =	wrdreg s4  }
0x24: {  	s31 =	simm.s32 $0x1;
	s15 =	sadd.s32 $0xDC00, s19;
	[smem:$0x7F6] =	sst s12  }
0x25: {  	s20 =	sadd.s32 $0x1400, s19;
	s16 =	sadd.s32 $0xF000, s19;
	[smem:$0x7F9] =	sst s15  }
0x26: {  	s17 =	sadd.s32 $0x10400, s19;
	s18 =	sadd.s32 $0x11800, s19;
	[smem:$0x7FA] =	sst s16  }
0x27: {  	s2 =	simm.s32 $0x5;
	s11 =	simm.s32 $0x78;
	[smem:$0x7FB] =	sst s17  }
0x28: {  	s13 =	simm.s32 $0x5820;
	s14 =	simm.s32 $0x5320;
	[smem:$0x7FC] =	sst s18  }
0x29: {  	s21 =	sadd.s32 $0x2800, s19;
	s26 =	sadd.s32 $0x12C00, s19;
	[dreg:$0x19] =	wrdreg s20  }
0x2a: {  	s22 =	sadd.s32 $0x3C00, s19;
	s24 =	sadd.s32 $0x6400, s19;
	[smem:$0x7FD] =	sst s26  }
0x2b: {  	s25 =	sadd.s32 $0x7800, s19;
	s0 =	simm.s32 $0x3;
	[dreg:$0x1a] =	wrdreg s21  }
0x2c: {  	s12 =	simm.s32 $0x28A0;
	s16 =	simm.s32 $0x2;
	[dreg:$0x1b] =	wrdreg s22  }
0x2d: {  	v0 =	vimm.f32 $0.0e+00;
	v1 =	vimm.s32 $0x0;
	s17 =	simm.s32 $0x4;
	s18 =	simm.s32 $0x6;
	[dreg:$0x1d] =	wrdreg s24  }
0x2e: {  	v2 =	vimm.s32 $0x1;
	v3 =	vimm.s32 $0x2;
	v4 =	vimm.s32 $0x3;
	s15 =	simm.s32 $0x0;
	s26 =	simm.s32 $0x5AA0;
	[dreg:$0x1e] =	wrdreg s25  }
.LBB2_1:
0x2f: {  	[smem:$0x7F5] =	sst s15;
	s4 =	simm.s32 $0x0;
	s15 =	simm.s32 $0x200  }
.LBB2_2:
0x30: {  	p0 =	sne.s32 s15, $0x4E00;
	[tilespmem:s4+$0x5B10] =	vst v0  }
0x31: {  	[tilespmem:s4+$0x5AA0] =	vst v0  }
0x32: {  	[tilespmem:s4+$0x5AB0] =	vst v0  }
.Ltmp0:
0x33: {  	[tilespmem:s4+$0x5AC0] =	vst v0;
	(pc) =	sbr.rel @p0 .LBB2_2-.Ltmp0, $4  }
0x34: {  	[tilespmem:s4+$0x5AD0] =	vst v0  }
0x35: {  	[tilespmem:s4+$0x5AE0] =	vst v0  }
0x36: {  	[tilespmem:s4+$0x5AF0] =	vst v0  }
0x37: {  	[tilespmem:s4+$0x5B00] =	vst v0;
	s4 =	sshra.s32 s15, $0x2;
	s15 =	sadd.s32 $0x200, s15  }
0x38: {  	[tilespmem:s4+$0x5B10] =	vst v0  }
0x39: {  	[tilespmem:s4+$0x5AA0] =	vst v0  }
0x3a: {  	[tilespmem:s4+$0x5AB0] =	vst v0  }
0x3b: {  	[tilespmem:s4+$0x5AC0] =	vst v0  }
0x3c: {  	[tilespmem:s4+$0x5AD0] =	vst v0  }
0x3d: {  	[tilespmem:s4+$0x5AE0] =	vst v0  }
0x3e: {  	[tilespmem:s4+$0x5AF0] =	vst v0  }
0x3f: {  	[tilespmem:s4+$0x5B00] =	vst v0  }
0x40: {  	[spmem:s19] =	stream.linear.scatter [tilespmem:s26], [sflag:$0x7], $0x1400, $0x38;
	[tilespmem:$0x1AEA0] =	vst v63  }
0x41: {  	_ =	swait.ge [sflag:s28], $0x1400  }
0x42: {  	[sflag:s28] =	ssyncset.done $0x0  }
0x43: {  	[sflag:s28] =	ssyncadd.s32 $0xFFFFEC00  }
0x44: {  	[spmem:s20] =	stream.linear.scatter [tilespmem:s26], [sflag:$0x7], $0x1400, $0x38;
	[tilespmem:$0x1AEA0] =	vst v63  }
0x45: {  	_ =	swait.ge [sflag:s28], $0x1400  }
0x46: {  	[sflag:s28] =	ssyncset.done $0x0  }
0x47: {  	[sflag:s28] =	ssyncadd.s32 $0xFFFFEC00  }
0x48: {  	[spmem:s21] =	stream.linear.scatter [tilespmem:s26], [sflag:$0x7], $0x1400, $0x38;
	[tilespmem:$0x1AEA0] =	vst v63  }
0x49: {  	_ =	swait.ge [sflag:s28], $0x1400  }
0x4a: {  	[sflag:s28] =	ssyncset.done $0x0  }
0x4b: {  	[sflag:s28] =	ssyncadd.s32 $0xFFFFEC00  }
0x4c: {  	[spmem:s22] =	stream.linear.scatter [tilespmem:s26], [sflag:$0x7], $0x1400, $0x38;
	[tilespmem:$0x1AEA0] =	vst v63  }
0x4d: {  	_ =	swait.ge [sflag:s28], $0x1400  }
0x4e: {  	[sflag:s28] =	ssyncset.done $0x0  }
0x4f: {  	[sflag:s28] =	ssyncadd.s32 $0xFFFFEC00  }
0x50: {  	[spmem:s23] =	stream.linear.scatter [tilespmem:s26], [sflag:$0x7], $0x1400, $0x38;
	[tilespmem:$0x1AEA0] =	vst v63  }
0x51: {  	_ =	swait.ge [sflag:s28], $0x1400  }
0x52: {  	[sflag:s28] =	ssyncset.done $0x0  }
0x53: {  	[sflag:s28] =	ssyncadd.s32 $0xFFFFEC00  }
0x54: {  	[spmem:s24] =	stream.linear.scatter [tilespmem:s26], [sflag:$0x7], $0x1400, $0x38;
	[tilespmem:$0x1AEA0] =	vst v63  }
0x55: {  	_ =	swait.ge [sflag:s28], $0x1400  }
0x56: {  	[sflag:s28] =	ssyncset.done $0x0  }
0x57: {  	[sflag:s28] =	ssyncadd.s32 $0xFFFFEC00  }
0x58: {  	[spmem:s25] =	stream.linear.scatter [tilespmem:s26], [sflag:$0x7], $0x1400, $0x38;
	[tilespmem:$0x1AEA0] =	vst v63  }
0x59: {  	_ =	swait.ge [sflag:s28], $0x1400  }
0x5a: {  	[sflag:s28] =	ssyncset.done $0x0  }
0x5b: {  	s20 =	rddreg [dreg:$0x1f];
	[sflag:s28] =	ssyncadd.s32 $0xFFFFEC00  }
0x5c: {  	[spmem:s20] =	stream.linear.scatter [tilespmem:s26], [sflag:$0x7], $0x1400, $0x38;
	[tilespmem:$0x1AEA0] =	vst v63  }
0x5d: {  	_ =	swait.ge [sflag:s28], $0x1400  }
0x5e: {  	s21 =	sld [smem:$0x7F6]  }
0x5f: {  	[sflag:s28] =	ssyncset.done $0x0  }
0x60: {  	[sflag:s28] =	ssyncadd.s32 $0xFFFFEC00  }
0x61: {  	[spmem:s21] =	stream.linear.scatter [tilespmem:s26], [sflag:$0x7], $0x1400, $0x38;
	[tilespmem:$0x1AEA0] =	vst v63  }
0x62: {  	_ =	swait.ge [sflag:s28], $0x1400  }
0x63: {  	s22 =	sld [smem:$0x7F7]  }
0x64: {  	[sflag:s28] =	ssyncset.done $0x0  }
0x65: {  	[sflag:s28] =	ssyncadd.s32 $0xFFFFEC00  }
0x66: {  	[spmem:s22] =	stream.linear.scatter [tilespmem:s26], [sflag:$0x7], $0x1400, $0x38;
	[tilespmem:$0x1AEA0] =	vst v63  }
0x67: {  	_ =	swait.ge [sflag:s28], $0x1400  }
0x68: {  	s23 =	sld [smem:$0x7F8]  }
0x69: {  	[sflag:s28] =	ssyncset.done $0x0  }
0x6a: {  	[sflag:s28] =	ssyncadd.s32 $0xFFFFEC00  }
0x6b: {  	[spmem:s23] =	stream.linear.scatter [tilespmem:s26], [sflag:$0x7], $0x1400, $0x38;
	[tilespmem:$0x1AEA0] =	vst v63  }
0x6c: {  	_ =	swait.ge [sflag:s28], $0x1400  }
0x6d: {  	s24 =	sld [smem:$0x7F9]  }
0x6e: {  	[sflag:s28] =	ssyncset.done $0x0  }
0x6f: {  	[sflag:s28] =	ssyncadd.s32 $0xFFFFEC00  }
0x70: {  	[spmem:s24] =	stream.linear.scatter [tilespmem:s26], [sflag:$0x7], $0x1400, $0x38;
	[tilespmem:$0x1AEA0] =	vst v63  }
0x71: {  	_ =	swait.ge [sflag:s28], $0x1400  }
0x72: {  	s25 =	sld [smem:$0x7FA]  }
0x73: {  	[sflag:s28] =	ssyncset.done $0x0  }
0x74: {  	[sflag:s28] =	ssyncadd.s32 $0xFFFFEC00  }
0x75: {  	[spmem:s25] =	stream.linear.scatter [tilespmem:s26], [sflag:$0x7], $0x1400, $0x38;
	[tilespmem:$0x1AEA0] =	vst v63  }
0x76: {  	_ =	swait.ge [sflag:s28], $0x1400  }
0x77: {  	s15 =	sld [smem:$0x7FB]  }
0x78: {  	[sflag:s28] =	ssyncset.done $0x0  }
0x79: {  	[sflag:s28] =	ssyncadd.s32 $0xFFFFEC00  }
0x7a: {  	[spmem:s15] =	stream.linear.scatter [tilespmem:s26], [sflag:$0x7], $0x1400, $0x38;
	[tilespmem:$0x1AEA0] =	vst v63  }
0x7b: {  	_ =	swait.ge [sflag:s28], $0x1400  }
0x7c: {  	s19 =	sld [smem:$0x7FC]  }
0x7d: {  	[sflag:s28] =	ssyncset.done $0x0  }
0x7e: {  	[sflag:s28] =	ssyncadd.s32 $0xFFFFEC00  }
0x7f: {  	[spmem:s19] =	stream.linear.scatter [tilespmem:s26], [sflag:$0x7], $0x1400, $0x38;
	[tilespmem:$0x1AEA0] =	vst v63  }
0x80: {  	_ =	swait.ge [sflag:s28], $0x1400  }
0x81: {  	s20 =	sld [smem:$0x7FD]  }
0x82: {  	[sflag:s28] =	ssyncset.done $0x0  }
0x83: {  	[sflag:s28] =	ssyncadd.s32 $0xFFFFEC00  }
0x84: {  	[spmem:s20] =	stream.linear.scatter [tilespmem:s26], [sflag:$0x7], $0x1400, $0x38;
	[tilespmem:$0x1AEA0] =	vst v63  }
0x85: {  	_ =	swait.ge [sflag:s28], $0x1400  }
0x86: {  	[sflag:s28] =	ssyncset.done $0x0  }
0x87: {  	[sflag:s28] =	ssyncadd.s32 $0xFFFFEC00  }
0x88: {  	[bflag:$0x0] =	sbarrier.arrive $0xFFFF  }
0x89: {  	s20 =	simm.s32 $0x0;
	s21 =	rddreg [dreg:$0xd]  }
0x8a: {  	[tilespmem:s20], [sflag:$0x7] =	stream.linear.gather [hbm4b:s21+s20], $0x28, $0x38;
	[tilespmem:$0x1AEA0] =	vst v63  }
0x8b: {  	_ =	swait.ge [sflag:s28], $0x28  }
0x8c: {  	[sflag:s28] =	ssyncset.done $0x0  }
0x8d: {  	s22 =	rddreg [dreg:$0x10];
	[sflag:s28] =	ssyncadd.s32 $0xFFFFFFD8  }
0x8e: {  	[tilespmem:s29], [sflag:$0x7] =	stream.linear.gather [hbm4b:s22+s20], $0x28, $0x38;
	[tilespmem:$0x1AEA0] =	vst v63  }
0x8f: {  	_ =	swait.ge [sflag:s28], $0x28  }
0x90: {  	[sflag:s28] =	ssyncset.done $0x0  }
0x91: {  	s23 =	simm.s32 $0xA0;
	[sflag:s28] =	ssyncadd.s32 $0xFFFFFFD8  }
0x92: {  	[tilespmem:s23], [sflag:$0x1] =	stream.indirect.gather [hbm4b:s8+s30], $0x100, s20, s30, $0xb8;
	[tilespmem:$0x1AEA0] =	vst v63  }
0x93: {  	s24 =	simm.s32 $0x55A0  }
0x94: {  	[tilespmem:s24], [sflag:$0x3] =	stream.indirect.gather [hbm4b:s1+s30], $0x10, s29, s30, $0xb8;
	[tilespmem:$0x1AEA0] =	vst v63  }
0x95: {  	s15 =	simm.s32 $0x50A0;
	s21 =	simm.s32 $0x0;
	s25 =	rddreg [dreg:$0x13]  }
0x96: {  	[tilespmem:s15], [sflag:$0x5] =	stream.linear.gather [hbm4b:s25+s20], $0x280, $0x38;
	[tilespmem:$0x1AEA0] =	vst v63  }
.LBB2_4:
0x97: {  	_ =	swait.ge [sflag:s31], $0x2800  }
0x98: {  	[sflag:s31] =	ssyncset.done $0x0  }
0x99: {  	[sflag:s31] =	ssyncadd.s32 $0xFFFFD800  }
0x9a: {  	_ =	swait.ge [sflag:s0], $0x280  }
0x9b: {  	s22 =	smul.u32 $0x50, s21;
	[sflag:s0] =	ssyncset.done $0x0  }
0x9c: {  	[sflag:s0] =	ssyncadd.s32 $0xFFFFFD80  }
0x9d: {  	s4 =	sadd.s32 s22, s9;
	_ =	swait.ge [sflag:s2], $0x280  }
0x9e: {  	s15 =	sshrl.u32 s4, $0x3;
	[sflag:s2] =	ssyncset.done $0x0  }
0x9f: {  	s19 =	sadd.s32 s5, s15;
	[sflag:s2] =	ssyncadd.s32 $0xFFFFFD80  }
0xa0: {  	[tilespmem:s30], [sflag:$0x7] =	stream.linear.gather [hbm4b:s19+s20], $0x28, $0x38;
	[tilespmem:$0x1AEA0] =	vst v63  }
0xa1: {  	_ =	swait.ge [sflag:s28], $0x28  }
0xa2: {  	[sflag:s28] =	ssyncset.done $0x0  }
0xa3: {  	s15 =	sadd.s32 s6, s15;
	[sflag:s28] =	ssyncadd.s32 $0xFFFFFFD8  }
0xa4: {  	[tilespmem:s11], [sflag:$0x7] =	stream.linear.gather [hbm4b:s15+s20], $0x28, $0x38;
	[tilespmem:$0x1AEA0] =	vst v63  }
0xa5: {  	_ =	swait.ge [sflag:s28], $0x28  }
0xa6: {  	[sflag:s28] =	ssyncset.done $0x0  }
0xa7: {  	s4 =	sshll.u32 s4, $0x1;
	[sflag:s28] =	ssyncadd.s32 $0xFFFFFFD8  }
0xa8: {  	[tilespmem:s12], [sflag:$0x2] =	stream.indirect.gather [hbm4b:s8+s30], $0x100, s30, s30, $0xb8;
	[tilespmem:$0x1AEA0] =	vst v63  }
0xa9: {  	s4 =	sand.u32 $0x1FFFFFF0, s4  }
0xaa: {  	[tilespmem:s13], [sflag:$0x4] =	stream.indirect.gather [hbm4b:s1+s30], $0x10, s11, s30, $0xb8;
	[tilespmem:$0x1AEA0] =	vst v63  }
0xab: {  	s24 =	simm.s32 $0x120;
	s4 =	sadd.s32 s7, s4  }
0xac: {  	[tilespmem:s14], [sflag:$0x6] =	stream.linear.gather [hbm4b:s4+s20], $0x280, $0x38;
	[tilespmem:$0x1AEA0] =	vst v63  }
0xad: {  	v6 =	vld [tilespmem:s24+$0x60]  }
0xae: {  	v7 =	vld [tilespmem:s24+$0x70]  }
0xaf: {  	s25 =	simm.s32 $0x0;
	v9 =	vld [tilespmem:s24+$0x30]  }
0xb0: {  	v8 =	vld [tilespmem:s25+$0x50A0]  }
0xb1: {  	v10 =	vld [tilespmem:s25+$0x55A0]  }
0xb2: {  	v17 =	vld [tilespmem:s24+$0xFFFFFF90]  }
0xb3: {  	v14 =	vld [tilespmem:s24+$0xFFFFFF80]  }
0xb4: {  	v16 =	vld [tilespmem:s24+$0x20];
	_ =	sdelay $0x1  }
0xb5: {  	v19 =	vld [tilespmem:s24+$0x10];
	v11 =	vunpack.i.l.bf16.f32 v6;
	v5 =	vunpack.i.u.bf16.f32 v7  }
0xb6: {  	v25 =	vld [tilespmem:s24+$0xFFFFFFC0];
	v10 =	vmul.f32 v10, v8;
	v15 =	vunpack.i.u.bf16.f32 v6;
	v7 =	vunpack.i.l.bf16.f32 v7  }
0xb7: {  	v20 =	vunpack.i.l.bf16.f32 v17;
	v8 =	vunpack.i.u.bf16.f32 v9;
	v22 =	vunpack.i.l.bf16.f32 v9  }
0xb8: {  	v18 =	vunpack.i.l.bf16.f32 v14;
	v26 =	vunpack.i.u.bf16.f32 v16;
	v12 =	vperm.xlane v10, v1  }
0xb9: {  	v21 =	vld [tilespmem:s24+$0xFFFFFFE0];
	v23 =	vunpack.i.u.bf16.f32 v14;
	v9 =	vperm.xlane v10, v3;
	v13 =	vperm.xlane v10, v2  }
0xba: {  	v24 =	vld [tilespmem:s24+$0xFFFFFFD0];
	v14 =	vunpack.i.u.bf16.f32 v19;
	v6 =	vperm.xlane v10, v4;
	v18 =	vmul.f32 v18, v12  }
0xbb: {  	v28 =	vld [tilespmem:s24+$0x40];
	v29 =	vunpack.i.l.bf16.f32 v25;
	v10 =	vmul.f32 v22, v9;
	v22 =	vmul.f32 v20, v12  }
0xbc: {  	v30 =	vld [tilespmem:s24+$0xFFFFFFA0];
	v27 =	vunpack.i.l.bf16.f32 v16;
	v7 =	vmul.f32 v7, v6;
	v31 =	vmul.f32 v23, v12  }
0xbd: {  	v20 =	vunpack.i.u.bf16.f32 v25;
	v23 =	vunpack.i.l.bf16.f32 v19;
	v16 =	vmul.f32 v26, v9  }
0xbe: {  	v19 =	vunpack.i.u.bf16.f32 v17;
	v17 =	vmul.f32 v20, v13;
	v20 =	vunpack.i.u.bf16.f32 v21  }
0xbf: {  	s23 =	simm.s32 $0x5AE0;
	v32 =	vunpack.i.l.bf16.f32 v24;
	v26 =	vld [tilespmem:s24+$0xFFFFFFF0];
	v25 =	vmul.f32 v20, v13;
	v20 =	vmul.f32 v27, v9  }
0xc0: {  	s19 =	simm.s32 $0x40;
	s15 =	simm.s32 $0x5AE0;
	s25 =	simm.s32 $0x120;
	v27 =	vld [tilespmem:s24+$0xFFFFFFB0];
	v17 =	vadd.f32 v17, v31;
	v31 =	vmul.f32 v32, v13;
	v32 =	vunpack.i.l.bf16.f32 v28  }
.LBB2_5:
0xc1: {  	p0 =	sne.s32 s19, $0x9C0;
	v33 =	vunpack.i.l.bf16.f32 v30;
	v28 =	vunpack.i.u.bf16.f32 v28;
	v32 =	vmul.f32 v32, v6;
	s15 =	sadd.s32 $0x80, s15;
	s24 =	sadd.s32 $0x100, s24  }
0xc2: {  	v30 =	vunpack.i.u.bf16.f32 v30;
	v29 =	vmul.f32 v29, v13;
	v24 =	vunpack.i.u.bf16.f32 v24;
	s4 =	smov.u32 s19;
	s19 =	sadd.s32 $0x40, s19;
	v34 =	vld [tilespmem:s25+$0x50]  }
0xc3: {  	v21 =	vunpack.i.l.bf16.f32 v21;
	v30 =	vmul.f32 v30, v12;
	v24 =	vmul.f32 v24, v13  }
0xc4: {  	v33 =	vmul.f32 v33, v12;
	v22 =	vadd.f32 v31, v22;
	v31 =	vunpack.i.u.bf16.f32 v26;
	v35 =	vld [tilespmem:s25+$0x0];
	s25 =	smov.u32 s24  }
0xc5: {  	v23 =	vmul.f32 v23, v9;
	v21 =	vmul.f32 v21, v13;
	v18 =	vadd.f32 v29, v18  }
0xc6: {  	v26 =	vunpack.i.l.bf16.f32 v26;
	v29 =	vunpack.i.u.bf16.f32 v27;
	v27 =	vunpack.i.l.bf16.f32 v27  }
0xc7: {  	v15 =	vmul.f32 v15, v6;
	v25 =	vadd.f32 v25, v30;
	v22 =	vadd.f32 v23, v22  }
0xc8: {  	v23 =	vmul.f32 v31, v13;
	v30 =	vunpack.i.u.bf16.f32 v34;
	v31 =	vunpack.i.l.bf16.f32 v34  }
0xc9: {  	v19 =	vmul.f32 v19, v12;
	v21 =	vadd.f32 v21, v33;
	v33 =	vunpack.i.u.bf16.f32 v35  }
0xca: {  	v27 =	vmul.f32 v27, v12;
	v31 =	vmul.f32 v31, v6;
	v34 =	vunpack.i.l.bf16.f32 v35  }
0xcb: {  	v11 =	vmul.f32 v11, v6;
	v20 =	vadd.f32 v20, v21;
	v16 =	vadd.f32 v16, v25  }
0xcc: {  	v12 =	vmul.f32 v29, v12;
	v21 =	vmul.f32 v33, v9;
	v22 =	vadd.f32 v31, v22  }
0xcd: {  	v28 =	vmul.f32 v28, v6;
	v11 =	vadd.f32 v11, v20;
	v25 =	vmul.f32 v34, v9  }
0xce: {  	v8 =	vmul.f32 v8, v9;
	v13 =	vmul.f32 v26, v13;
	v17 =	vadd.f32 v21, v17;
	[tilespmem:s23+$0xFFFFFFE0] =	vst v22  }
0xcf: {  	v19 =	vadd.f32 v24, v19;
	v9 =	vmul.f32 v14, v9;
	v18 =	vadd.f32 v25, v18;
	[tilespmem:s23+$0x0] =	vst v11  }
0xd0: {  	v5 =	vmul.f32 v5, v6;
	v11 =	vadd.f32 v23, v12;
	v12 =	vadd.f32 v28, v17  }
0xd1: {  	v13 =	vadd.f32 v13, v27;
	v6 =	vmul.f32 v30, v6;
	v9 =	vadd.f32 v9, v19  }
0xd2: {  	v8 =	vadd.f32 v8, v11;
	v11 =	vadd.f32 v15, v16;
	[tilespmem:s23+$0xFFFFFFD0] =	vst v12  }
0xd3: {  	v10 =	vadd.f32 v10, v13;
	v6 =	vadd.f32 v6, v9  }
0xd4: {  	v9 =	vadd.f32 v32, v18;
	v5 =	vadd.f32 v5, v8;
	[tilespmem:s23+$0x10] =	vst v11  }
0xd5: {  	v7 =	vadd.f32 v7, v10;
	[tilespmem:s23+$0xFFFFFFF0] =	vst v6  }
0xd6: {  	[tilespmem:s23+$0xFFFFFFC0] =	vst v9  }
0xd7: {  	[tilespmem:s23+$0x20] =	vst v7  }
0xd8: {  	[tilespmem:s23+$0x30] =	vst v5;
	s23 =	smov.u32 s15  }
0xd9: {  	v6 =	vld [tilespmem:s24+$0x60];
	_ =	sdelay $0x1  }
0xda: {  	v7 =	vld [tilespmem:s24+$0x70]  }
0xdb: {  	s4 =	sshra.s32 s4, $0x2;
	v9 =	vld [tilespmem:s24+$0x30]  }
0xdc: {  	v8 =	vld [tilespmem:s4+$0x50A0]  }
0xdd: {  	v10 =	vld [tilespmem:s4+$0x55A0]  }
0xde: {  	v17 =	vld [tilespmem:s24+$0xFFFFFF90]  }
0xdf: {  	v14 =	vld [tilespmem:s24+$0xFFFFFF80]  }
0xe0: {  	v16 =	vld [tilespmem:s24+$0x20]  }
0xe1: {  	v11 =	vunpack.i.l.bf16.f32 v6;
	v5 =	vunpack.i.u.bf16.f32 v7;
	v19 =	vld [tilespmem:s24+$0x10]  }
0xe2: {  	v15 =	vunpack.i.u.bf16.f32 v6;
	v7 =	vunpack.i.l.bf16.f32 v7;
	v10 =	vmul.f32 v10, v8  }
0xe3: {  	v22 =	vunpack.i.l.bf16.f32 v9;
	v8 =	vunpack.i.u.bf16.f32 v9;
	v20 =	vunpack.i.l.bf16.f32 v17;
	v25 =	vld [tilespmem:s24+$0xFFFFFFC0]  }
0xe4: {  	v12 =	vperm.xlane v10, v1;
	v9 =	vperm.xlane v10, v3;
	v18 =	vunpack.i.l.bf16.f32 v14  }
0xe5: {  	v13 =	vperm.xlane v10, v2;
	v6 =	vperm.xlane v10, v4;
	v21 =	vld [tilespmem:s24+$0xFFFFFFE0];
	v26 =	vunpack.i.u.bf16.f32 v16  }
0xe6: {  	v23 =	vunpack.i.u.bf16.f32 v14;
	v18 =	vmul.f32 v18, v12;
	v24 =	vld [tilespmem:s24+$0xFFFFFFD0];
	v10 =	vmul.f32 v22, v9  }
0xe7: {  	v22 =	vmul.f32 v20, v12;
	v14 =	vunpack.i.u.bf16.f32 v19;
	v7 =	vmul.f32 v7, v6;
	v28 =	vld [tilespmem:s24+$0x40]  }
.Ltmp1:
0xe8: {  	v31 =	vmul.f32 v23, v12;
	v23 =	vunpack.i.l.bf16.f32 v19;
	v30 =	vld [tilespmem:s24+$0xFFFFFFA0];
	v20 =	vunpack.i.u.bf16.f32 v25;
	(pc) =	sbr.rel @p0 .LBB2_5-.Ltmp1, $4  }
0xe9: {  	v27 =	vunpack.i.l.bf16.f32 v16;
	v16 =	vmul.f32 v26, v9;
	v29 =	vunpack.i.l.bf16.f32 v25  }
0xea: {  	v19 =	vunpack.i.u.bf16.f32 v17;
	v17 =	vmul.f32 v20, v13;
	v20 =	vunpack.i.u.bf16.f32 v21  }
0xeb: {  	v32 =	vunpack.i.l.bf16.f32 v24;
	v25 =	vmul.f32 v20, v13;
	v26 =	vld [tilespmem:s24+$0xFFFFFFF0];
	v20 =	vmul.f32 v27, v9  }
0xec: {  	v17 =	vadd.f32 v17, v31;
	v27 =	vld [tilespmem:s24+$0xFFFFFFB0];
	v31 =	vmul.f32 v32, v13;
	v32 =	vunpack.i.l.bf16.f32 v28  }
0xed: {  	v33 =	vunpack.i.l.bf16.f32 v30;
	v28 =	vunpack.i.u.bf16.f32 v28;
	v29 =	vmul.f32 v29, v13  }
0xee: {  	v30 =	vunpack.i.u.bf16.f32 v30;
	v23 =	vmul.f32 v23, v9;
	v15 =	vmul.f32 v15, v6  }
0xef: {  	v24 =	vunpack.i.u.bf16.f32 v24;
	v19 =	vmul.f32 v19, v12;
	v11 =	vmul.f32 v11, v6  }
0xf0: {  	v21 =	vunpack.i.l.bf16.f32 v21;
	v14 =	vmul.f32 v14, v9;
	v8 =	vmul.f32 v8, v9  }
0xf1: {  	v34 =	vld [tilespmem:s25+$0x50];
	v30 =	vmul.f32 v30, v12;
	v24 =	vmul.f32 v24, v13;
	v22 =	vadd.f32 v31, v22  }
0xf2: {  	v35 =	vld [tilespmem:s25+$0x0];
	v33 =	vmul.f32 v33, v12;
	v21 =	vmul.f32 v21, v13;
	v18 =	vadd.f32 v29, v18  }
0xf3: {  	v31 =	vunpack.i.u.bf16.f32 v26;
	v25 =	vadd.f32 v25, v30;
	v22 =	vadd.f32 v23, v22  }
0xf4: {  	v26 =	vunpack.i.l.bf16.f32 v26;
	v21 =	vadd.f32 v21, v33;
	v19 =	vadd.f32 v24, v19  }
0xf5: {  	v29 =	vunpack.i.u.bf16.f32 v27;
	v27 =	vunpack.i.l.bf16.f32 v27;
	v23 =	vmul.f32 v31, v13  }
0xf6: {  	v13 =	vmul.f32 v26, v13;
	v30 =	vunpack.i.u.bf16.f32 v34;
	v31 =	vunpack.i.l.bf16.f32 v34  }
0xf7: {  	v61 =	vunpack.i.u.bf16.f32 v35;
	v27 =	vmul.f32 v27, v12;
	v62 =	vunpack.i.l.bf16.f32 v35  }
0xf8: {  	v20 =	vadd.f32 v20, v21;
	v16 =	vadd.f32 v16, v25;
	v12 =	vmul.f32 v29, v12  }
0xf9: {  	v14 =	vadd.f32 v14, v19;
	v31 =	vmul.f32 v31, v6;
	v21 =	vmul.f32 v61, v9  }
0xfa: {  	v19 =	vmul.f32 v30, v6;
	v11 =	vadd.f32 v11, v20;
	v13 =	vadd.f32 v13, v27  }
0xfb: {  	v25 =	vmul.f32 v62, v9;
	v9 =	vadd.f32 v23, v12;
	v22 =	vadd.f32 v31, v22  }
0xfc: {  	v28 =	vmul.f32 v28, v6;
	v17 =	vadd.f32 v21, v17;
	v12 =	vadd.f32 v19, v14;
	[tilespmem:s23+$0x0] =	vst v11  }
0xfd: {  	v32 =	vmul.f32 v32, v6;
	v18 =	vadd.f32 v25, v18;
	v11 =	vadd.f32 v15, v16;
	[tilespmem:s23+$0xFFFFFFE0] =	vst v22  }
0xfe: {  	v10 =	vadd.f32 v10, v13;
	v17 =	vadd.f32 v28, v17;
	[tilespmem:s23+$0xFFFFFFF0] =	vst v12  }
0xff: {  	v5 =	vmul.f32 v5, v6;
	v6 =	vadd.f32 v8, v9;
	v8 =	vadd.f32 v32, v18;
	[tilespmem:s23+$0x10] =	vst v11  }
0x100: {  	v7 =	vadd.f32 v7, v10;
	[tilespmem:s23+$0xFFFFFFD0] =	vst v17  }
0x101: {  	v5 =	vadd.f32 v5, v6;
	[tilespmem:s23+$0xFFFFFFC0] =	vst v8  }
0x102: {  	[tilespmem:s23+$0x20] =	vst v7  }
0x103: {  	[tilespmem:s23+$0x30] =	vst v5  }
0x104: {  	[spmem:s3] =	stream.indirect.scatter.add.f32 [tilespmem:s26], [sflag:$0x7], $0x80, s29, s30, $0xb8;
	[tilespmem:$0x1AEA0] =	vst v63  }
0x105: {  	_ =	swait.ge [sflag:s28], $0x1400  }
0x106: {  	[sflag:s28] =	ssyncset.done $0x0  }
0x107: {  	[sflag:s28] =	ssyncadd.s32 $0xFFFFEC00  }
0x108: {  	_ =	swait.ge [sflag:s16], $0x2800  }
0x109: {  	[sflag:s16] =	ssyncset.done $0x0  }
0x10a: {  	[sflag:s16] =	ssyncadd.s32 $0xFFFFD800  }
0x10b: {  	_ =	swait.ge [sflag:s17], $0x280  }
0x10c: {  	[sflag:s17] =	ssyncset.done $0x0  }
0x10d: {  	p0 =	seq.s32 s21, $0x7C;
	[sflag:s17] =	ssyncadd.s32 $0xFFFFFD80  }
0x10e: {  	s4 =	sadd.s32 @!p0 s22, s10;
	_ =	swait.ge [sflag:s18], $0x280  }
0x10f: {  	s15 =	sshrl.u32 @!p0 s4, $0x3;
	[sflag:s18] =	ssyncset.done $0x0  }
0x110: {  	s22 =	simm.s32 @!p0 $0x0;
	s19 =	sadd.s32 @!p0 s5, s15;
	[sflag:s18] =	ssyncadd.s32 $0xFFFFFD80  }
0x111: {  	[tilespmem:s22], [sflag:$0x7] =	stream.linear.gather @!p0 [hbm4b:s19+s22], $0x28, $0x38;
	[tilespmem:$0x1AEA0] =	vst v63  }
0x112: {  	s19 =	simm.s32 @!p0 $0x7  }
0x113: {  	_ =	swait.ge @!p0 [sflag:s19], $0x28  }
0x114: {  	[sflag:s19] =	ssyncset.done @!p0 $0x0  }
0x115: {  	s15 =	sadd.s32 @!p0 s6, s15;
	s23 =	simm.s32 @!p0 $0x50;
	[sflag:s19] =	ssyncadd.s32 @!p0 $0xFFFFFFD8  }
0x116: {  	[tilespmem:s23], [sflag:$0x7] =	stream.linear.gather @!p0 [hbm4b:s15+s22], $0x28, $0x38;
	[tilespmem:$0x1AEA0] =	vst v63  }
0x117: {  	_ =	swait.ge @!p0 [sflag:s19], $0x28  }
0x118: {  	s4 =	sshll.u32 @!p0 s4, $0x1;
	[sflag:s19] =	ssyncset.done @!p0 $0x0  }
0x119: {  	s15 =	simm.s32 @!p0 $0x28;
	[sflag:s19] =	ssyncadd.s32 @!p0 $0xFFFFFFD8;
	s19 =	simm.s32 @!p0 $0xA0  }
0x11a: {  	[tilespmem:s19], [sflag:$0x1] =	stream.indirect.gather @!p0 [hbm4b:s8+s15], $0x100, s22, s15, $0xb8;
	[tilespmem:$0x1AEA0] =	vst v63  }
0x11b: {  	s4 =	sand.u32 @!p0 $0x1FFFFFE0, s4;
	s19 =	simm.s32 @!p0 $0x55A0  }
0x11c: {  	[tilespmem:s19], [sflag:$0x3] =	stream.indirect.gather @!p0 [hbm4b:s1+s15], $0x10, s23, s15, $0xb8;
	[tilespmem:$0x1AEA0] =	vst v63  }
0x11d: {  	s4 =	sadd.s32 @!p0 s7, s4;
	s15 =	simm.s32 @!p0 $0x50A0;
	s23 =	simm.s32 $0x2920  }
0x11e: {  	[tilespmem:s15], [sflag:$0x5] =	stream.linear.gather @!p0 [hbm4b:s4+s22], $0x280, $0x38;
	[tilespmem:$0x1AEA0] =	vst v63  }
0x11f: {  	v6 =	vld [tilespmem:s23+$0x60]  }
0x120: {  	v7 =	vld [tilespmem:s23+$0x70]  }
0x121: {  	s25 =	simm.s32 $0x0;
	v9 =	vld [tilespmem:s23+$0x30]  }
0x122: {  	v8 =	vld [tilespmem:s25+$0x5320]  }
0x123: {  	v10 =	vld [tilespmem:s25+$0x5820]  }
0x124: {  	v17 =	vld [tilespmem:s23+$0xFFFFFF90]  }
0x125: {  	v14 =	vld [tilespmem:s23+$0xFFFFFF80]  }
0x126: {  	v16 =	vld [tilespmem:s23+$0x20]  }
0x127: {  	v19 =	vld [tilespmem:s23+$0x10]  }
0x128: {  	v25 =	vld [tilespmem:s23+$0xFFFFFFC0];
	v11 =	vunpack.i.l.bf16.f32 v6;
	v5 =	vunpack.i.u.bf16.f32 v7  }
0x129: {  	v10 =	vmul.f32 v10, v8;
	v15 =	vunpack.i.u.bf16.f32 v6;
	v7 =	vunpack.i.l.bf16.f32 v7  }
0x12a: {  	v24 =	vld [tilespmem:s23+$0xFFFFFFD0];
	v20 =	vunpack.i.l.bf16.f32 v17;
	v8 =	vunpack.i.u.bf16.f32 v9;
	v22 =	vunpack.i.l.bf16.f32 v9  }
0x12b: {  	v18 =	vunpack.i.l.bf16.f32 v14;
	v26 =	vunpack.i.u.bf16.f32 v16;
	v23 =	vunpack.i.u.bf16.f32 v14  }
0x12c: {  	v21 =	vld [tilespmem:s23+$0xFFFFFFE0];
	v14 =	vunpack.i.u.bf16.f32 v19;
	v12 =	vperm.xlane v10, v1;
	v9 =	vperm.xlane v10, v3  }
0x12d: {  	v28 =	vld [tilespmem:s23+$0x40];
	v29 =	vunpack.i.l.bf16.f32 v25;
	v13 =	vperm.xlane v10, v2;
	v6 =	vperm.xlane v10, v4  }
0x12e: {  	v27 =	vunpack.i.l.bf16.f32 v16;
	v18 =	vmul.f32 v18, v12;
	v10 =	vmul.f32 v22, v9  }
0x12f: {  	v30 =	vld [tilespmem:s23+$0xFFFFFFA0];
	v63 =	vunpack.i.l.bf16.f32 v24;
	v22 =	vmul.f32 v20, v12;
	v7 =	vmul.f32 v7, v6  }
0x130: {  	v31 =	vmul.f32 v23, v12;
	v20 =	vunpack.i.u.bf16.f32 v25;
	v23 =	vunpack.i.l.bf16.f32 v19  }
0x131: {  	v19 =	vunpack.i.u.bf16.f32 v17;
	v17 =	vmul.f32 v20, v13;
	v20 =	vunpack.i.u.bf16.f32 v21  }
0x132: {  	s24 =	simm.s32 $0x2920;
	v32 =	vunpack.i.l.bf16.f32 v28;
	v16 =	vmul.f32 v26, v9;
	v26 =	vld [tilespmem:s23+$0xFFFFFFF0];
	v25 =	vmul.f32 v20, v13  }
0x133: {  	s19 =	simm.s32 $0x40;
	s15 =	simm.s32 $0x5AE0;
	s22 =	simm.s32 $0x5AE0;
	v20 =	vmul.f32 v27, v9;
	v27 =	vld [tilespmem:s23+$0xFFFFFFB0];
	v17 =	vadd.f32 v17, v31;
	v31 =	vmul.f32 v63, v13  }
.LBB2_7:
0x134: {  	p0 =	sne.s32 s19, $0x9C0;
	v33 =	vunpack.i.l.bf16.f32 v30;
	v28 =	vunpack.i.u.bf16.f32 v28;
	v32 =	vmul.f32 v32, v6;
	s15 =	sadd.s32 $0x80, s15;
	s23 =	sadd.s32 $0x100, s23  }
0x135: {  	v30 =	vunpack.i.u.bf16.f32 v30;
	v29 =	vmul.f32 v29, v13;
	v24 =	vunpack.i.u.bf16.f32 v24;
	s4 =	smov.u32 s19;
	s19 =	sadd.s32 $0x40, s19;
	v34 =	vld [tilespmem:s24+$0x50]  }
0x136: {  	v21 =	vunpack.i.l.bf16.f32 v21;
	v30 =	vmul.f32 v30, v12;
	v24 =	vmul.f32 v24, v13  }
0x137: {  	v33 =	vmul.f32 v33, v12;
	v22 =	vadd.f32 v31, v22;
	v31 =	vunpack.i.u.bf16.f32 v26;
	v35 =	vld [tilespmem:s24+$0x0];
	s24 =	smov.u32 s23  }
0x138: {  	v23 =	vmul.f32 v23, v9;
	v21 =	vmul.f32 v21, v13;
	v18 =	vadd.f32 v29, v18  }
0x139: {  	v26 =	vunpack.i.l.bf16.f32 v26;
	v29 =	vunpack.i.u.bf16.f32 v27;
	v27 =	vunpack.i.l.bf16.f32 v27  }
0x13a: {  	v15 =	vmul.f32 v15, v6;
	v25 =	vadd.f32 v25, v30;
	v22 =	vadd.f32 v23, v22  }
0x13b: {  	v23 =	vmul.f32 v31, v13;
	v30 =	vunpack.i.u.bf16.f32 v34;
	v31 =	vunpack.i.l.bf16.f32 v34  }
0x13c: {  	v19 =	vmul.f32 v19, v12;
	v21 =	vadd.f32 v21, v33;
	v33 =	vunpack.i.u.bf16.f32 v35  }
0x13d: {  	v27 =	vmul.f32 v27, v12;
	v31 =	vmul.f32 v31, v6;
	v34 =	vunpack.i.l.bf16.f32 v35  }
0x13e: {  	v11 =	vmul.f32 v11, v6;
	v20 =	vadd.f32 v20, v21;
	v16 =	vadd.f32 v16, v25  }
0x13f: {  	v12 =	vmul.f32 v29, v12;
	v21 =	vmul.f32 v33, v9;
	v22 =	vadd.f32 v31, v22  }
0x140: {  	v28 =	vmul.f32 v28, v6;
	v11 =	vadd.f32 v11, v20;
	v25 =	vmul.f32 v34, v9  }
0x141: {  	v8 =	vmul.f32 v8, v9;
	v13 =	vmul.f32 v26, v13;
	v17 =	vadd.f32 v21, v17;
	[tilespmem:s22+$0xFFFFFFE0] =	vst v22  }
0x142: {  	v19 =	vadd.f32 v24, v19;
	v9 =	vmul.f32 v14, v9;
	v18 =	vadd.f32 v25, v18;
	[tilespmem:s22+$0x0] =	vst v11  }
0x143: {  	v5 =	vmul.f32 v5, v6;
	v11 =	vadd.f32 v23, v12;
	v12 =	vadd.f32 v28, v17  }
0x144: {  	v13 =	vadd.f32 v13, v27;
	v6 =	vmul.f32 v30, v6;
	v9 =	vadd.f32 v9, v19  }
0x145: {  	v8 =	vadd.f32 v8, v11;
	v11 =	vadd.f32 v15, v16;
	[tilespmem:s22+$0xFFFFFFD0] =	vst v12  }
0x146: {  	v10 =	vadd.f32 v10, v13;
	v6 =	vadd.f32 v6, v9  }
0x147: {  	v9 =	vadd.f32 v32, v18;
	v5 =	vadd.f32 v5, v8;
	[tilespmem:s22+$0x10] =	vst v11  }
0x148: {  	v7 =	vadd.f32 v7, v10;
	[tilespmem:s22+$0xFFFFFFF0] =	vst v6  }
0x149: {  	[tilespmem:s22+$0xFFFFFFC0] =	vst v9  }
0x14a: {  	[tilespmem:s22+$0x20] =	vst v7  }
0x14b: {  	[tilespmem:s22+$0x30] =	vst v5;
	s22 =	smov.u32 s15  }
0x14c: {  	v6 =	vld [tilespmem:s23+$0x60];
	_ =	sdelay $0x1  }
0x14d: {  	v7 =	vld [tilespmem:s23+$0x70]  }
0x14e: {  	s4 =	sshra.s32 s4, $0x2;
	v9 =	vld [tilespmem:s23+$0x30]  }
0x14f: {  	v8 =	vld [tilespmem:s4+$0x5320]  }
0x150: {  	v10 =	vld [tilespmem:s4+$0x5820]  }
0x151: {  	v17 =	vld [tilespmem:s23+$0xFFFFFF90]  }
0x152: {  	v14 =	vld [tilespmem:s23+$0xFFFFFF80]  }
0x153: {  	v16 =	vld [tilespmem:s23+$0x20]  }
0x154: {  	v11 =	vunpack.i.l.bf16.f32 v6;
	v5 =	vunpack.i.u.bf16.f32 v7;
	v19 =	vld [tilespmem:s23+$0x10]  }
0x155: {  	v15 =	vunpack.i.u.bf16.f32 v6;
	v7 =	vunpack.i.l.bf16.f32 v7;
	v10 =	vmul.f32 v10, v8  }
0x156: {  	v22 =	vunpack.i.l.bf16.f32 v9;
	v8 =	vunpack.i.u.bf16.f32 v9;
	v20 =	vunpack.i.l.bf16.f32 v17;
	v25 =	vld [tilespmem:s23+$0xFFFFFFC0]  }
0x157: {  	v12 =	vperm.xlane v10, v1;
	v9 =	vperm.xlane v10, v3;
	v18 =	vunpack.i.l.bf16.f32 v14  }
0x158: {  	v13 =	vperm.xlane v10, v2;
	v6 =	vperm.xlane v10, v4;
	v21 =	vld [tilespmem:s23+$0xFFFFFFE0];
	v26 =	vunpack.i.u.bf16.f32 v16  }
0x159: {  	v23 =	vunpack.i.u.bf16.f32 v14;
	v18 =	vmul.f32 v18, v12;
	v24 =	vld [tilespmem:s23+$0xFFFFFFD0];
	v10 =	vmul.f32 v22, v9  }
0x15a: {  	v22 =	vmul.f32 v20, v12;
	v14 =	vunpack.i.u.bf16.f32 v19;
	v7 =	vmul.f32 v7, v6;
	v28 =	vld [tilespmem:s23+$0x40]  }
.Ltmp2:
0x15b: {  	v31 =	vmul.f32 v23, v12;
	v23 =	vunpack.i.l.bf16.f32 v19;
	v30 =	vld [tilespmem:s23+$0xFFFFFFA0];
	v20 =	vunpack.i.u.bf16.f32 v25;
	(pc) =	sbr.rel @p0 .LBB2_7-.Ltmp2, $4  }
0x15c: {  	v27 =	vunpack.i.l.bf16.f32 v16;
	v16 =	vmul.f32 v26, v9;
	v29 =	vunpack.i.l.bf16.f32 v25  }
0x15d: {  	v19 =	vunpack.i.u.bf16.f32 v17;
	v17 =	vmul.f32 v20, v13;
	v20 =	vunpack.i.u.bf16.f32 v21  }
0x15e: {  	v32 =	vunpack.i.l.bf16.f32 v24;
	v25 =	vmul.f32 v20, v13;
	v26 =	vld [tilespmem:s23+$0xFFFFFFF0];
	v20 =	vmul.f32 v27, v9  }
0x15f: {  	v17 =	vadd.f32 v17, v31;
	v27 =	vld [tilespmem:s23+$0xFFFFFFB0];
	v31 =	vmul.f32 v32, v13;
	v32 =	vunpack.i.l.bf16.f32 v28  }
0x160: {  	v33 =	vunpack.i.l.bf16.f32 v30;
	v28 =	vunpack.i.u.bf16.f32 v28;
	v32 =	vmul.f32 v32, v6  }
0x161: {  	v45 =	vunpack.i.u.bf16.f32 v30;
	v29 =	vmul.f32 v29, v13;
	v23 =	vmul.f32 v23, v9  }
0x162: {  	v24 =	vunpack.i.u.bf16.f32 v24;
	v15 =	vmul.f32 v15, v6;
	v19 =	vmul.f32 v19, v12  }
0x163: {  	v21 =	vunpack.i.l.bf16.f32 v21;
	v11 =	vmul.f32 v11, v6;
	v14 =	vmul.f32 v14, v9  }
0x164: {  	v34 =	vld [tilespmem:s24+$0x50];
	v30 =	vmul.f32 v45, v12;
	v24 =	vmul.f32 v24, v13;
	v22 =	vadd.f32 v31, v22  }
0x165: {  	v35 =	vld [tilespmem:s24+$0x0];
	v33 =	vmul.f32 v33, v12;
	v21 =	vmul.f32 v21, v13;
	v18 =	vadd.f32 v29, v18  }
0x166: {  	v46 =	vunpack.i.u.bf16.f32 v26;
	v25 =	vadd.f32 v25, v30;
	v22 =	vadd.f32 v23, v22  }
0x167: {  	v49 =	vunpack.i.l.bf16.f32 v26;
	v21 =	vadd.f32 v21, v33;
	v19 =	vadd.f32 v24, v19  }
0x168: {  	v47 =	vunpack.i.u.bf16.f32 v27;
	v48 =	vunpack.i.l.bf16.f32 v27;
	v50 =	vmul.f32 v46, v13  }
0x169: {  	v57 =	vmul.f32 v49, v13;
	v51 =	vunpack.i.u.bf16.f32 v34;
	v52 =	vunpack.i.l.bf16.f32 v34  }
0x16a: {  	v53 =	vunpack.i.u.bf16.f32 v35;
	v27 =	vmul.f32 v48, v12;
	v54 =	vunpack.i.l.bf16.f32 v35  }
0x16b: {  	v20 =	vadd.f32 v20, v21;
	v16 =	vadd.f32 v16, v25;
	v58 =	vmul.f32 v47, v12  }
0x16c: {  	v14 =	vadd.f32 v14, v19;
	v31 =	vmul.f32 v52, v6;
	v55 =	vmul.f32 v53, v9  }
0x16d: {  	v56 =	vmul.f32 v54, v9;
	v11 =	vadd.f32 v11, v20;
	v13 =	vadd.f32 v57, v27  }
0x16e: {  	v59 =	vmul.f32 v51, v6;
	v60 =	vadd.f32 v50, v58;
	v61 =	vadd.f32 v15, v16  }
0x16f: {  	v28 =	vmul.f32 v28, v6;
	v22 =	vadd.f32 v31, v22;
	v17 =	vadd.f32 v55, v17;
	[tilespmem:s22+$0x0] =	vst v11  }
0x170: {  	v8 =	vmul.f32 v8, v9;
	v18 =	vadd.f32 v56, v18;
	v62 =	vadd.f32 v59, v14;
	[tilespmem:s22+$0x10] =	vst v61  }
0x171: {  	v10 =	vadd.f32 v10, v13;
	v17 =	vadd.f32 v28, v17;
	[tilespmem:s22+$0xFFFFFFE0] =	vst v22  }
0x172: {  	v5 =	vmul.f32 v5, v6;
	v6 =	vadd.f32 v8, v60;
	v63 =	vadd.f32 v32, v18;
	[tilespmem:s22+$0xFFFFFFF0] =	vst v62  }
0x173: {  	v7 =	vadd.f32 v7, v10;
	[tilespmem:s22+$0xFFFFFFD0] =	vst v17  }
0x174: {  	s21 =	sadd.s32 $0x1, s21;
	v5 =	vadd.f32 v5, v6;
	[tilespmem:s22+$0xFFFFFFC0] =	vst v63  }
0x175: {  	p0 =	sne.s32 s21, $0x7D;
	[tilespmem:s22+$0x20] =	vst v7  }
.Ltmp3:
0x176: {  	[tilespmem:s22+$0x30] =	vst v5;
	(pc) =	sbr.rel @p0 .LBB2_4-.Ltmp3, $4  }
0x177: {  	[spmem:s3] =	stream.indirect.scatter.add.f32 [tilespmem:s26], [sflag:$0x7], $0x80, s11, s30, $0xb8;
	[tilespmem:$0x1AEA0] =	vst v63  }
0x178: {  	_ =	swait.ge [sflag:s28], $0x1400  }
0x179: {  	[sflag:s28] =	ssyncset.done $0x0  }
0x17a: {  	[sflag:s28] =	ssyncadd.s32 $0xFFFFEC00  }
0x17b: {  	[bflag:$0x0] =	sbarrier.arrive $0xFFFF  }
0x17c: {  	s19 =	rddreg [dreg:$0x8]  }
0x17d: {  	[tilespmem:s26], [sflag:$0x7] =	stream.linear.gather [spmem:s19], $0x1400, $0x38;
	[tilespmem:$0x1AEA0] =	vst v63  }
0x17e: {  	_ =	swait.ge [sflag:s28], $0x1400  }
0x17f: {  	[sflag:s28] =	ssyncset.done $0x0  }
0x180: {  	s4 =	simm.s32 $0x0;
	s15 =	rddreg [dreg:$0x4];
	[sflag:s28] =	ssyncadd.s32 $0xFFFFEC00  }
0x181: {  	[hbm4b:s15+s4] =	stream.linear.scatter [tilespmem:s26], [sflag:$0x7], $0x1400, $0x38;
	[tilespmem:$0x1AEA0] =	vst v63  }
0x182: {  	_ =	swait.ge [sflag:s28], $0x1400  }
0x183: {  	[sflag:s28] =	ssyncset.done $0x0  }
0x184: {  	s20 =	rddreg [dreg:$0x19];
	[sflag:s28] =	ssyncadd.s32 $0xFFFFEC00  }
0x185: {  	[tilespmem:s26], [sflag:$0x7] =	stream.linear.gather [spmem:s20], $0x1400, $0x38;
	[tilespmem:$0x1AEA0] =	vst v63  }
0x186: {  	_ =	swait.ge [sflag:s28], $0x1400  }
0x187: {  	[sflag:s28] =	ssyncset.done $0x0  }
0x188: {  	s21 =	rddreg [dreg:$0x5];
	[sflag:s28] =	ssyncadd.s32 $0xFFFFEC00  }
0x189: {  	[hbm4b:s21+s4] =	stream.linear.scatter [tilespmem:s26], [sflag:$0x7], $0x1400, $0x38;
	[tilespmem:$0x1AEA0] =	vst v63  }
0x18a: {  	_ =	swait.ge [sflag:s28], $0x1400  }
0x18b: {  	[sflag:s28] =	ssyncset.done $0x0  }
0x18c: {  	s21 =	rddreg [dreg:$0x1a];
	[sflag:s28] =	ssyncadd.s32 $0xFFFFEC00  }
0x18d: {  	[tilespmem:s26], [sflag:$0x7] =	stream.linear.gather [spmem:s21], $0x1400, $0x38;
	[tilespmem:$0x1AEA0] =	vst v63  }
0x18e: {  	_ =	swait.ge [sflag:s28], $0x1400  }
0x18f: {  	[sflag:s28] =	ssyncset.done $0x0  }
0x190: {  	s22 =	rddreg [dreg:$0x6];
	[sflag:s28] =	ssyncadd.s32 $0xFFFFEC00  }
0x191: {  	[hbm4b:s22+s4] =	stream.linear.scatter [tilespmem:s26], [sflag:$0x7], $0x1400, $0x38;
	[tilespmem:$0x1AEA0] =	vst v63  }
0x192: {  	_ =	swait.ge [sflag:s28], $0x1400  }
0x193: {  	[sflag:s28] =	ssyncset.done $0x0  }
0x194: {  	s22 =	rddreg [dreg:$0x1b];
	[sflag:s28] =	ssyncadd.s32 $0xFFFFEC00  }
0x195: {  	[tilespmem:s26], [sflag:$0x7] =	stream.linear.gather [spmem:s22], $0x1400, $0x38;
	[tilespmem:$0x1AEA0] =	vst v63  }
0x196: {  	_ =	swait.ge [sflag:s28], $0x1400  }
0x197: {  	[sflag:s28] =	ssyncset.done $0x0  }
0x198: {  	s23 =	rddreg [dreg:$0x7];
	[sflag:s28] =	ssyncadd.s32 $0xFFFFEC00  }
0x199: {  	[hbm4b:s23+s4] =	stream.linear.scatter [tilespmem:s26], [sflag:$0x7], $0x1400, $0x38;
	[tilespmem:$0x1AEA0] =	vst v63  }
0x19a: {  	_ =	swait.ge [sflag:s28], $0x1400  }
0x19b: {  	[sflag:s28] =	ssyncset.done $0x0  }
0x19c: {  	s23 =	rddreg [dreg:$0x1c];
	[sflag:s28] =	ssyncadd.s32 $0xFFFFEC00  }
0x19d: {  	[tilespmem:s26], [sflag:$0x7] =	stream.linear.gather [spmem:s23], $0x1400, $0x38;
	[tilespmem:$0x1AEA0] =	vst v63  }
0x19e: {  	_ =	swait.ge [sflag:s28], $0x1400  }
0x19f: {  	[sflag:s28] =	ssyncset.done $0x0  }
0x1a0: {  	s24 =	rddreg [dreg:$0x9];
	[sflag:s28] =	ssyncadd.s32 $0xFFFFEC00  }
0x1a1: {  	[hbm4b:s24+s4] =	stream.linear.scatter [tilespmem:s26], [sflag:$0x7], $0x1400, $0x38;
	[tilespmem:$0x1AEA0] =	vst v63  }
0x1a2: {  	_ =	swait.ge [sflag:s28], $0x1400  }
0x1a3: {  	[sflag:s28] =	ssyncset.done $0x0  }
0x1a4: {  	s24 =	rddreg [dreg:$0x1d];
	[sflag:s28] =	ssyncadd.s32 $0xFFFFEC00  }
0x1a5: {  	[tilespmem:s26], [sflag:$0x7] =	stream.linear.gather [spmem:s24], $0x1400, $0x38;
	[tilespmem:$0x1AEA0] =	vst v63  }
0x1a6: {  	_ =	swait.ge [sflag:s28], $0x1400  }
0x1a7: {  	[sflag:s28] =	ssyncset.done $0x0  }
0x1a8: {  	s25 =	rddreg [dreg:$0xa];
	[sflag:s28] =	ssyncadd.s32 $0xFFFFEC00  }
0x1a9: {  	[hbm4b:s25+s4] =	stream.linear.scatter [tilespmem:s26], [sflag:$0x7], $0x1400, $0x38;
	[tilespmem:$0x1AEA0] =	vst v63  }
0x1aa: {  	_ =	swait.ge [sflag:s28], $0x1400  }
0x1ab: {  	[sflag:s28] =	ssyncset.done $0x0  }
0x1ac: {  	s25 =	rddreg [dreg:$0x1e];
	[sflag:s28] =	ssyncadd.s32 $0xFFFFEC00  }
0x1ad: {  	[tilespmem:s26], [sflag:$0x7] =	stream.linear.gather [spmem:s25], $0x1400, $0x38;
	[tilespmem:$0x1AEA0] =	vst v63  }
0x1ae: {  	_ =	swait.ge [sflag:s28], $0x1400  }
0x1af: {  	[sflag:s28] =	ssyncset.done $0x0  }
0x1b0: {  	s15 =	rddreg [dreg:$0xb];
	[sflag:s28] =	ssyncadd.s32 $0xFFFFEC00  }
0x1b1: {  	[hbm4b:s15+s4] =	stream.linear.scatter [tilespmem:s26], [sflag:$0x7], $0x1400, $0x38;
	[tilespmem:$0x1AEA0] =	vst v63  }
0x1b2: {  	_ =	swait.ge [sflag:s28], $0x1400  }
0x1b3: {  	[sflag:s28] =	ssyncset.done $0x0  }
0x1b4: {  	s15 =	rddreg [dreg:$0x1f];
	[sflag:s28] =	ssyncadd.s32 $0xFFFFEC00  }
0x1b5: {  	[tilespmem:s26], [sflag:$0x7] =	stream.linear.gather [spmem:s15], $0x1400, $0x38;
	[tilespmem:$0x1AEA0] =	vst v63  }
0x1b6: {  	_ =	swait.ge [sflag:s28], $0x1400  }
0x1b7: {  	[sflag:s28] =	ssyncset.done $0x0  }
0x1b8: {  	s15 =	rddreg [dreg:$0xc];
	[sflag:s28] =	ssyncadd.s32 $0xFFFFEC00  }
0x1b9: {  	[hbm4b:s15+s4] =	stream.linear.scatter [tilespmem:s26], [sflag:$0x7], $0x1400, $0x38;
	[tilespmem:$0x1AEA0] =	vst v63  }
0x1ba: {  	_ =	swait.ge [sflag:s28], $0x1400  }
0x1bb: {  	s15 =	sld [smem:$0x7F6]  }
0x1bc: {  	[sflag:s28] =	ssyncset.done $0x0  }
0x1bd: {  	[sflag:s28] =	ssyncadd.s32 $0xFFFFEC00  }
0x1be: {  	[tilespmem:s26], [sflag:$0x7] =	stream.linear.gather [spmem:s15], $0x1400, $0x38;
	[tilespmem:$0x1AEA0] =	vst v63  }
0x1bf: {  	_ =	swait.ge [sflag:s28], $0x1400  }
0x1c0: {  	[sflag:s28] =	ssyncset.done $0x0  }
0x1c1: {  	s15 =	rddreg [dreg:$0xe];
	[sflag:s28] =	ssyncadd.s32 $0xFFFFEC00  }
0x1c2: {  	[hbm4b:s15+s4] =	stream.linear.scatter [tilespmem:s26], [sflag:$0x7], $0x1400, $0x38;
	[tilespmem:$0x1AEA0] =	vst v63  }
0x1c3: {  	_ =	swait.ge [sflag:s28], $0x1400  }
0x1c4: {  	s15 =	sld [smem:$0x7F7]  }
0x1c5: {  	[sflag:s28] =	ssyncset.done $0x0  }
0x1c6: {  	[sflag:s28] =	ssyncadd.s32 $0xFFFFEC00  }
0x1c7: {  	[tilespmem:s26], [sflag:$0x7] =	stream.linear.gather [spmem:s15], $0x1400, $0x38;
	[tilespmem:$0x1AEA0] =	vst v63  }
0x1c8: {  	_ =	swait.ge [sflag:s28], $0x1400  }
0x1c9: {  	[sflag:s28] =	ssyncset.done $0x0  }
0x1ca: {  	s15 =	rddreg [dreg:$0xf];
	[sflag:s28] =	ssyncadd.s32 $0xFFFFEC00  }
0x1cb: {  	[hbm4b:s15+s4] =	stream.linear.scatter [tilespmem:s26], [sflag:$0x7], $0x1400, $0x38;
	[tilespmem:$0x1AEA0] =	vst v63  }
0x1cc: {  	_ =	swait.ge [sflag:s28], $0x1400  }
0x1cd: {  	s15 =	sld [smem:$0x7F8]  }
0x1ce: {  	[sflag:s28] =	ssyncset.done $0x0  }
0x1cf: {  	[sflag:s28] =	ssyncadd.s32 $0xFFFFEC00  }
0x1d0: {  	[tilespmem:s26], [sflag:$0x7] =	stream.linear.gather [spmem:s15], $0x1400, $0x38;
	[tilespmem:$0x1AEA0] =	vst v63  }
0x1d1: {  	_ =	swait.ge [sflag:s28], $0x1400  }
0x1d2: {  	[sflag:s28] =	ssyncset.done $0x0  }
0x1d3: {  	s15 =	rddreg [dreg:$0x11];
	[sflag:s28] =	ssyncadd.s32 $0xFFFFEC00  }
0x1d4: {  	[hbm4b:s15+s4] =	stream.linear.scatter [tilespmem:s26], [sflag:$0x7], $0x1400, $0x38;
	[tilespmem:$0x1AEA0] =	vst v63  }
0x1d5: {  	_ =	swait.ge [sflag:s28], $0x1400  }
0x1d6: {  	s15 =	sld [smem:$0x7F9]  }
0x1d7: {  	[sflag:s28] =	ssyncset.done $0x0  }
0x1d8: {  	[sflag:s28] =	ssyncadd.s32 $0xFFFFEC00  }
0x1d9: {  	[tilespmem:s26], [sflag:$0x7] =	stream.linear.gather [spmem:s15], $0x1400, $0x38;
	[tilespmem:$0x1AEA0] =	vst v63  }
0x1da: {  	_ =	swait.ge [sflag:s28], $0x1400  }
0x1db: {  	[sflag:s28] =	ssyncset.done $0x0  }
0x1dc: {  	s15 =	rddreg [dreg:$0x12];
	[sflag:s28] =	ssyncadd.s32 $0xFFFFEC00  }
0x1dd: {  	[hbm4b:s15+s4] =	stream.linear.scatter [tilespmem:s26], [sflag:$0x7], $0x1400, $0x38;
	[tilespmem:$0x1AEA0] =	vst v63  }
0x1de: {  	_ =	swait.ge [sflag:s28], $0x1400  }
0x1df: {  	s15 =	sld [smem:$0x7FA]  }
0x1e0: {  	[sflag:s28] =	ssyncset.done $0x0  }
0x1e1: {  	[sflag:s28] =	ssyncadd.s32 $0xFFFFEC00  }
0x1e2: {  	[tilespmem:s26], [sflag:$0x7] =	stream.linear.gather [spmem:s15], $0x1400, $0x38;
	[tilespmem:$0x1AEA0] =	vst v63  }
0x1e3: {  	_ =	swait.ge [sflag:s28], $0x1400  }
0x1e4: {  	[sflag:s28] =	ssyncset.done $0x0  }
0x1e5: {  	s15 =	rddreg [dreg:$0x14];
	[sflag:s28] =	ssyncadd.s32 $0xFFFFEC00  }
0x1e6: {  	[hbm4b:s15+s4] =	stream.linear.scatter [tilespmem:s26], [sflag:$0x7], $0x1400, $0x38;
	[tilespmem:$0x1AEA0] =	vst v63  }
0x1e7: {  	_ =	swait.ge [sflag:s28], $0x1400  }
0x1e8: {  	s15 =	sld [smem:$0x7FB]  }
0x1e9: {  	[sflag:s28] =	ssyncset.done $0x0  }
0x1ea: {  	[sflag:s28] =	ssyncadd.s32 $0xFFFFEC00  }
0x1eb: {  	[tilespmem:s26], [sflag:$0x7] =	stream.linear.gather [spmem:s15], $0x1400, $0x38;
	[tilespmem:$0x1AEA0] =	vst v63  }
0x1ec: {  	_ =	swait.ge [sflag:s28], $0x1400  }
0x1ed: {  	[sflag:s28] =	ssyncset.done $0x0  }
0x1ee: {  	s15 =	rddreg [dreg:$0x15];
	[sflag:s28] =	ssyncadd.s32 $0xFFFFEC00  }
0x1ef: {  	[hbm4b:s15+s4] =	stream.linear.scatter [tilespmem:s26], [sflag:$0x7], $0x1400, $0x38;
	[tilespmem:$0x1AEA0] =	vst v63  }
0x1f0: {  	_ =	swait.ge [sflag:s28], $0x1400  }
0x1f1: {  	s15 =	sld [smem:$0x7FC]  }
0x1f2: {  	[sflag:s28] =	ssyncset.done $0x0  }
0x1f3: {  	[sflag:s28] =	ssyncadd.s32 $0xFFFFEC00  }
0x1f4: {  	[tilespmem:s26], [sflag:$0x7] =	stream.linear.gather [spmem:s15], $0x1400, $0x38;
	[tilespmem:$0x1AEA0] =	vst v63  }
0x1f5: {  	_ =	swait.ge [sflag:s28], $0x1400  }
0x1f6: {  	[sflag:s28] =	ssyncset.done $0x0  }
0x1f7: {  	s15 =	rddreg [dreg:$0x16];
	[sflag:s28] =	ssyncadd.s32 $0xFFFFEC00  }
0x1f8: {  	[hbm4b:s15+s4] =	stream.linear.scatter [tilespmem:s26], [sflag:$0x7], $0x1400, $0x38;
	[tilespmem:$0x1AEA0] =	vst v63  }
0x1f9: {  	_ =	swait.ge [sflag:s28], $0x1400  }
0x1fa: {  	s15 =	sld [smem:$0x7FD]  }
0x1fb: {  	[sflag:s28] =	ssyncset.done $0x0  }
0x1fc: {  	[sflag:s28] =	ssyncadd.s32 $0xFFFFEC00  }
0x1fd: {  	[tilespmem:s26], [sflag:$0x7] =	stream.linear.gather [spmem:s15], $0x1400, $0x38;
	[tilespmem:$0x1AEA0] =	vst v63  }
0x1fe: {  	_ =	swait.ge [sflag:s28], $0x1400  }
0x1ff: {  	[sflag:s28] =	ssyncset.done $0x0  }
0x200: {  	s15 =	rddreg [dreg:$0x17];
	[sflag:s28] =	ssyncadd.s32 $0xFFFFEC00  }
0x201: {  	[hbm4b:s15+s4] =	stream.linear.scatter [tilespmem:s26], [sflag:$0x7], $0x1400, $0x38;
	[tilespmem:$0x1AEA0] =	vst v63  }
0x202: {  	_ =	swait.ge [sflag:s28], $0x1400  }
0x203: {  	s4 =	sld [smem:$0x7F5];
	_ =	sdelay $0x2  }
0x204: {  	s15 =	sadd.s32 $0x1, s4;
	s4 =	rddreg [dreg:$0x18]  }
0x205: {  	p0 =	sne.s32 s15, s4  }
.Ltmp4:
0x206: {  	_ = 	snop;
	(pc) =	sbr.rel @p0 .LBB2_1-.Ltmp4, $3  }
0x207: {  	_ =	sdelay $0x1  }
0x208: {  	[sflag:s28] =	ssyncset.done $0x0  }
0x209: {  	[sflag:s28] =	ssyncadd.s32 $0xFFFFEC00  }
0x20a: {  	_ =	sfence.sel $0x180000  }
0x20b: {  	[bflag:$0x0] =	sbarrier.arrive $0xFFFF  }
0x20c: {  	_ =	strace $0x9000004A  }
0x20d: {  	s0 =	stileid.u32;
	[bflag:$0x2] =	sbarrier.arrive $0xFFFF  }
0x20e: {  	p0 =	sne.s32 s0, $0x0;
	s0 =	rddreg [dreg:$0x3]  }
0x20f: {  	s0 =	sadd.s32 @!p0 $0x100000, s0  }
0x210: {  	[sflag:s0] =	ssyncadd.tile.s32 @!p0 $0x1;
	_ =	shalt  }
.Lfunc_end2:
_tile_overlayer_lowered:
.L_overlay_start_2:
0x211: {  	(tag) =	ssettag $0x2  }
0x212: {  	s0 =	rddreg [dreg:$0x0];
	s2 =	stileid.u32  }
0x213: {  	s1 =	rddreg [dreg:$0x1];
	p0 =	sne.s32 s2, $0x0  }
0x214: {  	s3 =	rddreg [dreg:$0x2];
	[bflag:$0x3] =	sbarrier.arrive $0xFFFF;
	s2 =	simm.s32 @!p0 $0x1C07  }
0x215: {  	[timem:s3], [sflag:s2] =	dma.local @!p0 [hbm:s0], s1  }
0x216: {  	s0 =	simm.s32 @!p0 $0x7  }
0x217: {  	_ =	swait.ge @!p0 [sflag:s0], s1  }
0x218: {  	s1 =	ssub.s32 @!p0 $0x0, s1;
	[sflag:s0] =	ssyncset.done @!p0 $0x0  }
0x219: {  	[sflag:s0] =	ssyncadd.s32 @!p0 s1  }
0x21a: {  	[bflag:$0x3] =	sbarrier.arrive $0xFFFF  }
0x21b: {  	_ =	shalt  }

// kernel: kernel.7.cloned.1.call-start
scs
__scs_entry_jumppad:
0x0: {  	(pc) =	sbr.rel $0x88, $3  }
0x1: {  	(tag) =	ssettag $0x0;
	lr =	simm.s32 $0x1  }
0x2: {  	[smem:$0x3F9B] =	sst lr;
	_ =	strace $0xD0000000  }
0x3: {  	_ = 	snop  }
0x4: {  	_ = 	snop  }
0x5: {  	_ = 	snop  }
0x6: {  	_ = 	snop  }
0x7: {  	_ = 	snop  }
__scs_overlays_trampoline_lowered:
0x8: {  	[smem:$0x3FAA] =	sst s0  }
0x9: {  	[smem:$0x3FAB] =	sst s1  }
0xa: {  	[smem:$0x3FAC] =	sst s2  }
0xb: {  	[smem:$0x3FAD] =	sst s3  }
0xc: {  	[smem:$0x3FAE] =	sst s4  }
0xd: {  	[smem:$0x3FAF] =	sst s5  }
0xe: {  	[smem:$0x3FB0] =	sst s6  }
0xf: {  	[smem:$0x3FB1] =	sst s7  }
0x10: {  	[smem:$0x3FB2] =	sst s8  }
0x11: {  	[smem:$0x3FB3] =	sst s9;
	s0 =	simm.s32 @!p0 $0x0  }
0x12: {  	s1 =	sld [smem:$0x3F99];
	s0 =	simm.s32 @p0 $0x1  }
0x13: {  	[smem:$0x3FB4] =	sst s0;
	s0 =	simm.s32 @!p1 $0x0  }
0x14: {  	s2 =	sld [smem:$0x3F98];
	s0 =	simm.s32 @p1 $0x1  }
0x15: {  	[smem:$0x3FB5] =	sst s0;
	s0 =	simm.s32 @!p2 $0x0  }
0x16: {  	s3 =	sld [smem:$0x3FDB];
	s0 =	simm.s32 @p2 $0x1  }
0x17: {  	s4 =	simm.s32 $0x1BF5;
	[smem:$0x3FB7] =	sst s0  }
0x18: {  	s0 =	sld [smem:$0x3F9A];
	_ =	swait.ge [sflag:s4], $0x0  }
0x19: {  	s7 =	sld [smem:$0x3F9B]  }
0x1a: {  	s8 =	sadd.s32 $0xFFFFE003, lr  }
0x1b: {  	s9 =	sadd.s32 $0xFFFFFEF7, lr;
	s5 =	simm.s32 $0xFFFFFFFF;
	p2 =	slt.u32 s8, $0xFFFFF086  }
0x1c: {  	p1 =	slt.u32 s9, $0xF7A;
	s5 =	simm.s32 @!p2 $0x0  }
0x1d: {  	s5 =	simm.s32 @p1 $0x1;
	p0 =	seq.s32 s7, s2  }
0x1e: {  	s7 =	smul.u32 @!p0 $0xF7A, s2;
	p2 =	seq.s32 @!p0 s5, $0x0  }
0x1f: {  	s9 =	smul.u32 $0xF7A, s1;
	s8 =	simm.s32 @!p0 $0x1BF5;
	p2 =	por !p2, p0  }
0x20: {  	[sflag:s8] =	ssyncset.s32 @!p0 $0xFFFFF086;
	s6 =	sadd.s32 @!p0 s3, s7;
	s7 =	simm.s32 @!p0 $0x108  }
0x21: {  	s3 =	sadd.s32 s3, s9;
	s6 =	sadd.s32 @!p0 $0x88, s6;
	s7 =	simm.s32 @p2 $0x1082  }
0x22: {  	[simem:s7], [sflag:s8] =	dma.local @!p0 [hbm:s6], $0xF7A  }
0x23: {  	s9 =	sor.u32 $0xD0000000, s2;
	s6 =	simm.s32 $0x108;
	_ =	swait.ge @!p0 [sflag:s8], $0x0  }
0x24: {  	s3 =	sadd.s32 $0x88, s3;
	s6 =	simm.s32 @!p1 $0x1082;
	[sflag:s4] =	ssyncset.s32 $0xFFFFF086  }
0x25: {  	[simem:s6], [sflag:s4] =	dma.local [hbm:s3], $0xF7A  }
0x26: {  	[smem:$0x3F9B] =	sst s1;
	(tag) =	ssettag s2;
	_ =	strace s9  }
0x27: {  	s1 =	sld [smem:$0x3FAB]  }
0x28: {  	s2 =	sld [smem:$0x3FAC]  }
0x29: {  	s4 =	sld [smem:$0x3FAE]  }
0x2a: {  	p0 =	seq.s32 s5, $0x0;
	s5 =	sld [smem:$0x3FAF]  }
0x2b: {  	s6 =	sld [smem:$0x3FB0]  }
0x2c: {  	s7 =	sld [smem:$0x3FB1]  }
0x2d: {  	s3 =	simm.s32 $0x108;
	s8 =	sld [smem:$0x3FB2]  }
0x2e: {  	s3 =	simm.s32 @!p0 $0x1082;
	s9 =	sld [smem:$0x3FB3]  }
0x2f: {  	lr =	sadd.s32 s0, s3;
	s0 =	sld [smem:$0x3FAA]  }
0x30: {  	s3 =	sld [smem:$0x3FAD]  }
0x31: {  	[smem:$0x3FB6] =	sst s10  }
0x32: {  	s10 =	sld [smem:$0x3FB4];
	_ =	sdelay $0x3  }
0x33: {  	p0 =	seq.s32 s10, $0x1;
	s10 =	sld [smem:$0x3FB6];
	_ =	sdelay $0x3  }
0x34: {  	[smem:$0x3FB6] =	sst s10  }
0x35: {  	s10 =	sld [smem:$0x3FB5];
	_ =	sdelay $0x3  }
0x36: {  	p1 =	seq.s32 s10, $0x1;
	s10 =	sld [smem:$0x3FB6];
	_ =	sdelay $0x3  }
0x37: {  	[smem:$0x3FB6] =	sst s10  }
0x38: {  	s10 =	sld [smem:$0x3FB7]  }
0x39: {  	_ = 	snop;
	(pc) =	sbr.ind lr, $3  }
0x3a: {  	_ = 	snop  }
0x3b: {  	_ = 	snop  }
0x3c: {  	p2 =	seq.s32 s10, $0x1;
	s10 =	sld [smem:$0x3FB6]  }
0x3d: {  	_ =	shalt  }
0x3e: {  	_ =	shalt  }
0x3f: {  	_ =	shalt  }
0x40: {  	_ =	shalt  }
0x41: {  	_ =	shalt  }
0x42: {  	_ =	shalt  }
0x43: {  	_ =	shalt  }
0x44: {  	_ =	shalt  }
0x45: {  	_ =	shalt  }
0x46: {  	_ =	shalt  }
0x47: {  	_ =	shalt  }
0x48: {  	_ =	shalt  }
0x49: {  	_ =	shalt  }
0x4a: {  	_ =	shalt  }
0x4b: {  	_ =	shalt  }
0x4c: {  	_ =	shalt  }
0x4d: {  	_ =	shalt  }
0x4e: {  	_ =	shalt  }
0x4f: {  	_ =	shalt  }
0x50: {  	_ =	shalt  }
0x51: {  	_ =	shalt  }
0x52: {  	_ =	shalt  }
0x53: {  	_ =	shalt  }
0x54: {  	_ =	shalt  }
0x55: {  	_ =	shalt  }
0x56: {  	_ =	shalt  }
0x57: {  	_ =	shalt  }
0x58: {  	_ =	shalt  }
0x59: {  	_ =	shalt  }
0x5a: {  	_ =	shalt  }
0x5b: {  	_ =	shalt  }
0x5c: {  	_ =	shalt  }
0x5d: {  	_ =	shalt  }
0x5e: {  	_ =	shalt  }
0x5f: {  	_ =	shalt  }
0x60: {  	_ =	shalt  }
0x61: {  	_ =	shalt  }
0x62: {  	_ =	shalt  }
0x63: {  	_ =	shalt  }
0x64: {  	_ =	shalt  }
0x65: {  	_ =	shalt  }
0x66: {  	_ =	shalt  }
0x67: {  	_ =	shalt  }
0x68: {  	_ =	shalt  }
0x69: {  	_ =	shalt  }
0x6a: {  	_ =	shalt  }
0x6b: {  	_ =	shalt  }
0x6c: {  	_ =	shalt  }
0x6d: {  	_ =	shalt  }
0x6e: {  	_ =	shalt  }
0x6f: {  	_ =	shalt  }
0x70: {  	_ =	shalt  }
0x71: {  	_ =	shalt  }
0x72: {  	_ =	shalt  }
0x73: {  	_ =	shalt  }
0x74: {  	_ =	shalt  }
0x75: {  	_ =	shalt  }
0x76: {  	_ =	shalt  }
0x77: {  	_ =	shalt  }
0x78: {  	_ =	shalt  }
0x79: {  	_ =	shalt  }
0x7a: {  	_ =	shalt  }
0x7b: {  	_ =	shalt  }
0x7c: {  	_ =	shalt  }
0x7d: {  	_ =	shalt  }
0x7e: {  	_ =	shalt  }
0x7f: {  	_ =	shalt  }
0x80: {  	_ =	shalt  }
0x81: {  	_ =	shalt  }
0x82: {  	_ =	shalt  }
0x83: {  	_ =	shalt  }
0x84: {  	_ =	shalt  }
0x85: {  	_ =	shalt  }
0x86: {  	_ =	shalt  }
0x87: {  	_ =	shalt  }
.Lfunc_end0:
.L_simem_size_0:
called_computation_lowered:
.L_overlay_start_0:
0x88: {  	s2 =	sld [smem:$0x3FD9]  }
0x89: {  	s3 =	sld [smem:$0x3FFE];
	_ =	sdelay $0x1  }
0x8a: {  	s1 =	srdreg.scid  }
0x8b: {  	s0 =	sand.u32 $0x1, s1  }
0x8c: {  	s17 =	sshll.u32 s0, $0xA;
	s2 =	sadd.s32 s3, s2  }
0x8d: {  	s2 =	sadd.s32 s2, s17  }
0x8e: {  	[smem:$0x3FC2] =	sst s2  }
0x8f: {  	_ = 	snop  }
0x90: {  	s2 =	sld [smem:$0x3FD0];
	(tm) =	ssettm $0x1  }
0x91: {  	s18 =	sld [smem:$0x3FFB];
	_ =	sdelay $0x3  }
0x92: {  	_ =	strace s18  }
0x93: {  	s3 =	sld [smem:$0x3FFC];
	_ =	sdelay $0x3  }
0x94: {  	_ =	strace s3  }
0x95: {  	s3 =	sld [smem:$0x3FFD];
	_ =	sdelay $0x3  }
0x96: {  	_ =	strace s3  }
0x97: {  	_ =	strace $0x8FFFFFFF  }
0x98: {  	s19 =	sld [smem:$0x3FDB];
	_ =	sdelay $0x1  }
0x99: {  	s4 =	simm.s32 $_scs_section_size  }
0x9a: {  	s5 =	simm.s32 $_size__tile_overlayer_lowered;
	s6 =	simm.s32 $_tile_overlayer_lowered  }
0x9b: {  	s22 =	simm.s32 $0x1BFF;
	s21 =	sshll.u32 s6, $0x1;
	s3 =	sadd.s32 s4, s19  }
0x9c: {  	s7 =	simm.s32 $0x0;
	s20 =	sshll.u32 s5, $0x1;
	s5 =	sadd.s32 s21, s3  }
0x9d: {  	[timem:s7], [sflag:s22] =	dma.local [hbm:s5], s20  }
0x9e: {  	_ =	swait.ge [sflag:s22], s20  }
0x9f: {  	s4 =	ssub.s32 $0x0, s20;
	[sflag:s22] =	ssyncset.done $0x0  }
0xa0: {  	[sflag:s22] =	ssyncadd.s32 s4;
	_ =	sdelay $0x1  }
0xa1: {  	s23 =	simm.s32 $0x1B8B  }
0xa2: {  	_ =	swait.ge [sflag:s23], $0x1  }
0xa3: {  	[sflag:s23] =	ssyncset.done $0x0  }
0xa4: {  	s25 =	simm.s32 $0x1B8E;
	s24 =	sld [smem:$0x3FFE];
	[sflag:s23] =	ssyncadd.s32 $0xFFFFFFFF  }
0xa5: {  	s26 =	simm.s32 $execute0_lowered;
	[smem:$0x3FD2] =	sst s25  }
0xa6: {  	s5 =	sshll.u32 s26, $0x1;
	_ =	strace $0x80000046;
	[dreg:$0x1] =	wrdreg $0xFFFFFFFF  }
0xa7: {  	s28 =	simm.s32 $_size_execute0_lowered;
	s3 =	sadd.s32 s3, s5;
	[dreg:$0x0] =	wrdreg $0x0  }
0xa8: {  	s5 =	sshll.u32 s28, $0x1;
	[dreg:$0x2] =	wrdreg s3  }
0xa9: {  	[dreg:$0x3] =	wrdreg s5  }
0xaa: {  	[dreg:$0x4] =	wrdreg $0xC0  }
0xab: {  	_ =	task [dreg:s7], $0x5FFFF  }
0xac: {  	[dreg:$0x1] =	wrdreg $0xFFFFFFFF  }
0xad: {  	[dreg:$0x0] =	wrdreg $0x60  }
0xae: {  	[dreg:$0x2] =	wrdreg s24  }
0xaf: {  	[dreg:$0x3] =	wrdreg s2  }
0xb0: {  	[dreg:$0x4] =	wrdreg $0xC3500  }
0xb1: {  	[dreg:$0x5] =	wrdreg $0x9  }
0xb2: {  	_ =	task.clear_ibuf [dreg:s7], $0x6FFFF;
	_ =	strace $0x90000046  }
0xb3: {  	s29 =	simm.s32 $0x9;
	_ =	strace $0x80000048  }
0xb4: {  	_ =	swait.ge [sflag:s29], $0x1  }
0xb5: {  	[sflag:s29] =	ssyncadd.s32 $0xFFFFFFFF  }
0xb6: {  	_ =	strace $0x90000048  }
0xb7: {  	_ =	sfence  }
0xb8: {  	s30 =	sld [smem:$0x0];
	_ =	sdelay $0x2  }
0xb9: {  	s31 =	sshll.u32 s1, $0xD;
	s1 =	sshrl.u32 s1, $0x2  }
0xba: {  	s3 =	sand.u32 $0x4000, s31;
	s1 =	sadd.s32 s1, s30  }
0xbb: {  	s0 =	sor.u32 s3, s0;
	s1 =	sshll.u32 s1, $0x11  }
0xbc: {  	s0 =	sor.u32 s1, s0  }
0xbd: {  	s0 =	sadd.s32 $0x8F2B, s0  }
0xbe: {  	[sflag:s0] =	ssyncadd.remote.s32 $0x1  }
0xbf: {  	_ =	sfence.sel $0xFFFF  }
0xc0: {  	[dreg:$0x0] =	wrdreg $0xFFFFFFFF;
	(pc) =	sbr.abs _section_cstart, $3  }
0xc1: {  	[dreg:$0x1] =	wrdreg $0xFFFFFFFF  }
0xc2: {  	_ =	task.clear_ibuf [dreg:s7], $0x2FFFF;
	_ =	strace $0x9FFFFFFF  }
0xc3: {  	(tm) =	ssettm $0x7FFFFFFF  }
tec
execute0_lowered:
.L_overlay_start_1:
0x0: {  	(tag) =	ssettag $0x1  }
0x1: {  	s8 =	rddreg [dreg:$0x0]  }
0x2: {  	s11 =	rddreg [dreg:$0x1]  }
0x3: {  	s1 =	rddreg [dreg:$0x2]  }
0x4: {  	s0 =	rddreg [dreg:$0x3]  }
0x5: {  	s2 =	simm.s32 $0x0;
	s6 =	srdreg.scid;
	s3 =	stileid.u32  }
0x6: {  	s16 =	simm.s32 $0x7D0;
	s17 =	simm.s32 $0x4650;
	s18 =	simm.s32 $0x1  }
0x7: {  	s19 =	simm.s32 $0x2;
	s20 =	simm.s32 $0x0;
	[smem:$0x7FF] =	sst s2  }
0x8: {  	s4 =	sadd.s32 $0xC000, s8;
	s5 =	sadd.s32 $0x2200, s8;
	s10 =	smul.u32 $0x500, s3  }
0x9: {  	s9 =	sand.u32 $0x1, s6;
	s6 =	sadd.s32 $0x64000, s8;
	s13 =	smul.u32 $0xA000, s3  }
0xa: {  	s7 =	sadd.s32 $0x69000, s8;
	s8 =	sadd.s32 $0x6E000, s8;
	_ =	strace $0x80000047  }
0xb: {  	s12 =	ssub.s32 $0x2, s9;
	s15 =	smul.u32 $0x5000, s9;
	s9 =	sshll.u32 s9, $0x4  }
0xc: {  	s14 =	sshrl.u32 s12, $0x1;
	s9 =	sor.u32 s3, s9;
	s13 =	sshrl.u32 s13, $0x2  }
0xd: {  	s12 =	ssub.s32 s12, s14;
	s31 =	sadd.s32 s10, s15;
	s9 =	smul.u32 $0x2710, s9  }
0xe: {  	s10 =	sadd.s32 s13, s1;
	s13 =	simm.s32 $0x84D0;
	s14 =	simm.s32 $0x3  }
0xf: {  	v0 =	vimm.f32 $0.0e+00;
	s15 =	simm.s32 $0x3E8;
	s11 =	sadd.s32 s11, s31;
	s12 =	smax.u32 s12, $0x1  }
.LBB2_1:
0x10: {  	s21 =	simm.s32 $0x40;
	s22 =	simm.s32 $0x0  }
.LBB2_2:
0x11: {  	p0 =	sne.s32 s21, $0x9FC0;
	[tilespmem:s22+$0x84D0] =	vst v0;
	s22 =	smov.u32 s21;
	s21 =	sadd.s32 $0x40, s21  }
.Ltmp0:
0x12: {  	(pc) =	sbr.rel @p0 .LBB2_2-.Ltmp0, $2  }
0x13: {  	_ =	sdelay $0x2  }
0x14: {  	s22 =	sshra.s32 s22, $0x2  }
0x15: {  	[tilespmem:s22+$0x84D0] =	vst v0  }
0x16: {  	[spmem:s10] =	stream.linear.scatter [tilespmem:s13], [sflag:$0x3], $0x2800, $0x38;
	[tilespmem:$0xEB50] =	vst v63  }
0x17: {  	_ =	swait.ge [sflag:s14], $0x2800  }
0x18: {  	[sflag:s14] =	ssyncset.done $0x0  }
0x19: {  	[sflag:s14] =	ssyncadd.s32 $0xFFFFD800  }
0x1a: {  	s21 =	simm.s32 $0x0;
	s22 =	simm.s32 $0x0;
	[bflag:$0x0] =	sbarrier.arrive $0xFFFF  }
.LBB2_4:
0x1b: {  	s23 =	smul.u32 $0x3E8, s22;
	_ =	sdelay $0x1  }
0x1c: {  	s23 =	sadd.s32 s9, s23  }
0x1d: {  	s24 =	sshrl.u32 s23, $0x3  }
0x1e: {  	s25 =	sadd.s32 s4, s24  }
0x1f: {  	[tilespmem:s21], [sflag:$0x3] =	stream.linear.gather [hbm4b:s25+s21], $0x3E8, $0x38;
	[tilespmem:$0xEB50] =	vst v63  }
0x20: {  	_ =	swait.ge [sflag:s14], $0x3E8  }
0x21: {  	[sflag:s14] =	ssyncset.done $0x0  }
0x22: {  	s24 =	sadd.s32 s5, s24;
	[sflag:s14] =	ssyncadd.s32 $0xFFFFFC18  }
0x23: {  	[tilespmem:s15], [sflag:$0x3] =	stream.linear.gather [hbm4b:s24+s21], $0x3E8, $0x38;
	[tilespmem:$0xEB50] =	vst v63  }
0x24: {  	_ =	swait.ge [sflag:s14], $0x3E8  }
0x25: {  	[sflag:s14] =	ssyncset.done $0x0  }
0x26: {  	[sflag:s14] =	ssyncadd.s32 $0xFFFFFC18  }
0x27: {  	[tilespmem:s16], [sflag:$0x1] =	stream.indirect.gather [hbm4b:s6+s15], $0x10, s21, s15, $0xb8;
	[tilespmem:$0xEB50] =	vst v63  }
0x28: {  	_ = 	snop  }
0x29: {  	[tilespmem:s17], [sflag:$0x2] =	stream.indirect.gather [hbm4b:s7+s15], $0x10, s15, s15, $0xb8;
	[tilespmem:$0xEB50] =	vst v63  }
0x2a: {  	_ =	swait.ge [sflag:s18], $0x3E80  }
0x2b: {  	[sflag:s18] =	ssyncset.done $0x0  }
0x2c: {  	[sflag:s18] =	ssyncadd.s32 $0xFFFFC180  }
0x2d: {  	_ =	swait.ge [sflag:s19], $0x3E80  }
0x2e: {  	[sflag:s19] =	ssyncset.done $0x0  }
0x2f: {  	s24 =	simm.s32 $0x0;
	[sflag:s19] =	ssyncadd.s32 $0xFFFFC180  }
0x30: {  	v1 =	vld [tilespmem:s24+$0x7D0]  }
0x31: {  	v2 =	vld [tilespmem:s24+$0x4650];
	_ =	sdelay $0x4  }
0x32: {  	v1 =	vadd.f32 v2, v1;
	_ =	sdelay $0x1  }
0x33: {  	s25 =	simm.s32 $0x10;
	v2 =	vmul.f32 $2.000000030e-01, v1  }
0x34: {  	v3 =	vld [tilespmem:s25+$0x7D0];
	vm0 =	vge.f32 v1, $0.0e+00  }
0x35: {  	v4 =	vld [tilespmem:s25+$0x4650];
	v1 =	vsel vm0, v1, v2  }
0x36: {  	s26 =	simm.s32 $0x20;
	v1 =	vmul.f32 $1.442695020e+00, v1  }
0x37: {  	v2 =	vld [tilespmem:s26+$0x7D0]  }
0x38: {  	(erf) = vpow2.f32 v1;
	v1 =	vld [tilespmem:s26+$0x4650];
	_ =	sdelay $0x1  }
0x39: {  	v3 =	vadd.f32 v4, v3;
	_ =	sdelay $0x1  }
0x3a: {  	v4 =	vmul.f32 $2.000000030e-01, v3  }
0x3b: {  	vm14 =	vge.f32 v3, $0.0e+00;
	v5 =	vadd.f32 v1, v2  }
0x3c: {  	v1 =	vsel vm14, v3, v4  }
0x3d: {  	s28 =	simm.s32 $0x30;
	v2 =	vmul.f32 $1.442695020e+00, v1;
	v3 =	vmul.f32 $2.000000030e-01, v5  }
0x3e: {  	v1 =	vld [tilespmem:s28+$0x7D0]  }
0x3f: {  	(erf) = vpow2.f32 v2;
	v2 =	vld [tilespmem:s28+$0x4650]  }
0x40: {  	vm15 =	vge.f32 v5, $0.0e+00  }
0x41: {  	s29 =	simm.s32 $0x100;
	v4 =	vsel vm15, v5, v3;
	v3 =	vpop (erf)  }
.LBB2_5:
0x42: {  	s30 =	sshra.s32 s29, $0x2  }
0x43: {  	v4 =	vmul.f32 $1.442695020e+00, v4;
	[tilespmem:s24+$0x84D0] =	vst v3;
	s24 =	smov.u32 s25;
	s25 =	smov.u32 s26;
	p0 =	sne.s32 s29, $0xF9C0  }
.Ltmp1:
0x44: {  	s29 =	sadd.s32 $0x40, s29;
	v3 =	vadd.f32 v2, v1;
	v1 =	vld [tilespmem:s30+$0x7D0];
	(pc) =	sbr.rel @p0 .LBB2_5-.Ltmp1, $4  }
0x45: {  	s26 =	smov.u32 s28;
	s28 =	smov.u32 s30;
	v2 =	vld [tilespmem:s30+$0x4650];
	(erf) = vpow2.f32 v4  }
0x46: {  	v4 =	vmul.f32 $2.000000030e-01, v3  }
0x47: {  	vm0 =	vge.f32 v3, $0.0e+00  }
0x48: {  	v4 =	vsel vm0, v3, v4;
	v3 =	vpop (erf)  }
0x49: {  	_ = 	snop  }
0x4a: {  	v1 =	vadd.f32 v2, v1;
	_ =	sdelay $0x1  }
0x4b: {  	v2 =	vmul.f32 $2.000000030e-01, v1  }
0x4c: {  	vm0 =	vge.f32 v1, $0.0e+00  }
0x4d: {  	v1 =	vsel vm0, v1, v2;
	v2 =	vmul.f32 $1.442695020e+00, v4  }
0x4e: {  	v1 =	vmul.f32 $1.442695020e+00, v1  }
0x4f: {  	(erf) = vpow2.f32 v2  }
0x50: {  	(erf) = vpow2.f32 v1;
	_ =	sdelay $0x6  }
0x51: {  	[tilespmem:s24+$0x84D0] =	vst v3;
	v1 =	vpop (erf)  }
0x52: {  	[tilespmem:s25+$0x84D0] =	vst v1;
	v1 =	vpop (erf)  }
0x53: {  	[tilespmem:s26+$0x84D0] =	vst v1;
	v1 =	vpop (erf)  }
0x54: {  	[tilespmem:s28+$0x84D0] =	vst v1  }
0x55: {  	[spmem:s1] =	stream.indirect.scatter.add.f32 [tilespmem:s13], [sflag:$0x3], $0x10, s15, s15, $0xb8;
	[tilespmem:$0xEB50] =	vst v63  }
0x56: {  	s22 =	sadd.s32 $0x1, s22;
	_ =	swait.ge [sflag:s14], $0x3E80  }
0x57: {  	s23 =	sshll.u32 s23, $0x1;
	p0 =	sne.s32 s22, $0xA;
	[sflag:s14] =	ssyncset.done $0x0  }
.Ltmp2:
0x58: {  	s23 =	sadd.s32 s8, s23;
	[sflag:s14] =	ssyncadd.s32 $0xFFFFC180;
	(pc) =	sbr.rel @p0 .LBB2_4-.Ltmp2, $4  }
0x59: {  	[hbm4b:s23+s2] =	stream.linear.scatter [tilespmem:s13], [sflag:$0x3], $0x3E80, $0x38;
	[tilespmem:$0xEB50] =	vst v63  }
0x5a: {  	_ =	swait.ge [sflag:s14], $0x3E80  }
0x5b: {  	[sflag:s14] =	ssyncset.done $0x0  }
0x5c: {  	[sflag:s14] =	ssyncadd.s32 $0xFFFFC180  }
0x5d: {  	[bflag:$0x0] =	sbarrier.arrive $0xFFFF  }
0x5e: {  	[tilespmem:s13], [sflag:$0x3] =	stream.linear.gather [spmem:s10], $0x2800, $0x38;
	[tilespmem:$0xEB50] =	vst v63  }
0x5f: {  	s20 =	sadd.s32 $0x1, s20;
	_ =	swait.ge [sflag:s14], $0x2800  }
0x60: {  	p0 =	sne.s32 s20, s12;
	[sflag:s14] =	ssyncset.done $0x0  }
.Ltmp3:
0x61: {  	[sflag:s14] =	ssyncadd.s32 $0xFFFFD800;
	(pc) =	sbr.rel @p0 .LBB2_1-.Ltmp3, $4  }
0x62: {  	[hbm4b:s11+s2] =	stream.linear.scatter [tilespmem:s13], [sflag:$0x3], $0x2800, $0x38;
	[tilespmem:$0xEB50] =	vst v63  }
0x63: {  	_ =	swait.ge [sflag:s14], $0x2800  }
0x64: {  	[sflag:s14] =	ssyncset.done $0x0  }
0x65: {  	[sflag:s14] =	ssyncadd.s32 $0xFFFFD800  }
0x66: {  	_ =	sfence.sel $0x180000  }
0x67: {  	[bflag:$0x0] =	sbarrier.arrive $0xFFFF  }
0x68: {  	p0 =	sne.s32 s3, $0x0;
	_ =	strace $0x90000047  }
0x69: {  	s0 =	sadd.s32 @!p0 $0x100000, s0;
	[bflag:$0x2] =	sbarrier.arrive $0xFFFF  }
0x6a: {  	[sflag:s0] =	ssyncadd.tile.s32 @!p0 $0x1;
	_ =	shalt  }
.Lfunc_end2:
_tile_overlayer_lowered:
.L_overlay_start_2:
0x6b: {  	(tag) =	ssettag $0x2  }
0x6c: {  	s0 =	rddreg [dreg:$0x0];
	s2 =	stileid.u32  }
0x6d: {  	s1 =	rddreg [dreg:$0x1];
	p0 =	sne.s32 s2, $0x0  }
0x6e: {  	s3 =	rddreg [dreg:$0x2];
	[bflag:$0x3] =	sbarrier.arrive $0xFFFF;
	s2 =	simm.s32 @!p0 $0x1C03  }
0x6f: {  	[timem:s3], [sflag:s2] =	dma.local @!p0 [hbm:s0], s1  }
0x70: {  	s0 =	simm.s32 @!p0 $0x3  }
0x71: {  	_ =	swait.ge @!p0 [sflag:s0], s1  }
0x72: {  	s1 =	ssub.s32 @!p0 $0x0, s1;
	[sflag:s0] =	ssyncset.done @!p0 $0x0  }
0x73: {  	[sflag:s0] =	ssyncadd.s32 @!p0 s1  }
0x74: {  	[bflag:$0x3] =	sbarrier.arrive $0xFFFF  }
0x75: {  	_ =	shalt  }

</sc_bundles>
